<compile_context>
chip_gen: v7x
topology: tpu7x:2x2x1
jax: 0.10.2.dev20260603
libtpu: 0.0.44.dev20260713+nightly
codegen_flags: <defaults>
</compile_context>

<pallas_src>
import jax
import jax.numpy as jnp
from jax import lax
from jax.experimental import pallas as pl
from jax.experimental.pallas import tpu as pltpu
from jax.experimental.pallas import tpu_sc as plsc

N_NODES = 10000
N_PAD = 10240
E_EDGES = 320000
CHUNKS32 = 80
CHUNKS16 = 160
E_PAD = 32 * CHUNKS32 * 128
N_CHUNKS = E_PAD // 128
G = 256
G_PAD = 384
ROWS_PT = N_PAD // 16
GROWS_PT = G_PAD // 16
IDX_BLK = 40
EPS = 1e-5
F32 = jnp.float32


def _sc_mesh():
    return plsc.VectorSubcoreMesh(core_axis_name="c", subcore_axis_name="s")



def _deg_body(dst3, zeros_hbm, ones_hbm, out_hbm, dst_v, ones_v, acc_sh):
    c = lax.axis_index("c")
    s = lax.axis_index("s")
    wid = c * 16 + s
    pltpu.sync_copy(zeros_hbm.at[pl.ds(s * ROWS_PT, ROWS_PT)],
                    acc_sh.at[pl.ds(s * ROWS_PT, ROWS_PT)])
    pltpu.sync_copy(ones_hbm, ones_v)
    plsc.subcore_barrier()

    def block(b, carry):
        pltpu.sync_copy(dst3.at[wid, pl.ds(b * IDX_BLK, IDX_BLK)], dst_v)

        def body(j, carry2):
            pltpu.sync_copy(ones_v, acc_sh.at[dst_v.at[j]], add=True)
            return carry2

        lax.fori_loop(0, IDX_BLK, body, 0)
        return carry

    lax.fori_loop(0, CHUNKS32 // IDX_BLK, block, 0)
    plsc.subcore_barrier()
    pltpu.sync_copy(acc_sh.at[pl.ds(s * ROWS_PT, ROWS_PT)],
                    out_hbm.at[c, pl.ds(s * ROWS_PT, ROWS_PT)])


def _degree(dst32):
    zeros = jnp.zeros((N_PAD, 128), F32)
    ones = jnp.ones((128, 128), F32)
    f = pl.kernel(
        _deg_body,
        out_type=jax.ShapeDtypeStruct((2, N_PAD, 128), F32),
        mesh=_sc_mesh(),
        scratch_types=[
            pltpu.VMEM((IDX_BLK, 128), jnp.int32),
            pltpu.VMEM((128, 128), F32),
            pltpu.VMEM_SHARED((N_PAD, 128), F32),
        ],
    )
    return f(dst32, zeros, ones)



def _edge_sweep(y, acc_sh, srcf, dstf, base, n_blocks,
                src_v, dst_v, buf0, buf1, sem0, sem1, ssem0, ssem1):

    def drain(buf, sem):
        pltpu.make_async_copy(y.at[pl.ds(0, 128)], buf, sem).wait()

    def block(b, carry):
        pltpu.sync_copy(srcf.at[pl.ds(base + b * IDX_BLK, IDX_BLK)], src_v)
        pltpu.sync_copy(dstf.at[pl.ds(base + b * IDX_BLK, IDX_BLK)], dst_v)

        def body(jj, carry2):
            j0 = jj * 2
            j1 = j0 + 1
            first = jnp.logical_and(b == 0, jj == 0)

            @pl.when(jnp.logical_not(first))
            def _():
                drain(buf0, ssem0)

            cp0 = pltpu.async_copy(y.at[src_v.at[j0]], buf0, sem0)

            @pl.when(jnp.logical_not(first))
            def _():
                drain(buf1, ssem1)

            cp1 = pltpu.async_copy(y.at[src_v.at[j1]], buf1, sem1)
            cp0.wait()
            pltpu.async_copy(buf0, acc_sh.at[dst_v.at[j0]], ssem0, add=True)
            cp1.wait()
            pltpu.async_copy(buf1, acc_sh.at[dst_v.at[j1]], ssem1, add=True)
            return carry2

        lax.fori_loop(0, IDX_BLK // 2, body, 0)
        return carry

    lax.fori_loop(0, n_blocks, block, 0)

    @pl.when(n_blocks > 0)
    def _():
        drain(buf0, ssem0)
        drain(buf1, ssem1)


def _agg1_body(y, srcf, dstf, out_hbm,
               src_v, dst_v, buf0, buf1, acc_sh, sem0, sem1, ssem0, ssem1):
    c = lax.axis_index("c")
    s = lax.axis_index("s")
    base = (c * 16 + s) * CHUNKS32
    pltpu.sync_copy(y.at[pl.ds(s * ROWS_PT, ROWS_PT)],
                    acc_sh.at[pl.ds(s * ROWS_PT, ROWS_PT)])
    plsc.subcore_barrier()
    _edge_sweep(y, acc_sh, srcf, dstf, base, CHUNKS32 // IDX_BLK,
                src_v, dst_v, buf0, buf1, sem0, sem1, ssem0, ssem1)
    plsc.subcore_barrier()
    pltpu.sync_copy(acc_sh.at[pl.ds(s * ROWS_PT, ROWS_PT)],
                    out_hbm.at[c, pl.ds(s * ROWS_PT, ROWS_PT)])


def _aggregate1(y, srcf, dstf):
    f = pl.kernel(
        _agg1_body,
        out_type=jax.ShapeDtypeStruct((2, N_PAD, 128), F32),
        mesh=_sc_mesh(),
        scratch_types=[
            pltpu.VMEM((IDX_BLK, 128), jnp.int32),
            pltpu.VMEM((IDX_BLK, 128), jnp.int32),
            pltpu.VMEM((128, 128), F32),
            pltpu.VMEM((128, 128), F32),
            pltpu.VMEM_SHARED((N_PAD, 128), F32),
            pltpu.SemaphoreType.DMA,
            pltpu.SemaphoreType.DMA,
            pltpu.SemaphoreType.DMA,
            pltpu.SemaphoreType.DMA,
        ],
    )
    return f(y, srcf, dstf)


def _agg2_body(y0, y1, srcf, dstf, o0, o1,
               src_v, dst_v, buf0, buf1, acc_sh, sem0, sem1, ssem0, ssem1):
    c = lax.axis_index("c")
    s = lax.axis_index("s")
    base = s * CHUNKS16

    def run(y, o):
        pltpu.sync_copy(y.at[pl.ds(s * ROWS_PT, ROWS_PT)],
                        acc_sh.at[pl.ds(s * ROWS_PT, ROWS_PT)])
        plsc.subcore_barrier()
        _edge_sweep(y, acc_sh, srcf, dstf, base, CHUNKS16 // IDX_BLK,
                    src_v, dst_v, buf0, buf1, sem0, sem1, ssem0, ssem1)
        plsc.subcore_barrier()
        pltpu.sync_copy(acc_sh.at[pl.ds(s * ROWS_PT, ROWS_PT)],
                        o.at[pl.ds(s * ROWS_PT, ROWS_PT)])

    @pl.when(c == 0)
    def _():
        run(y0, o0)

    @pl.when(c == 1)
    def _():
        run(y1, o1)


def _aggregate2(y0, y1, srcf, dstf):
    f = pl.kernel(
        _agg2_body,
        out_type=(jax.ShapeDtypeStruct((N_PAD, 128), F32),
                  jax.ShapeDtypeStruct((N_PAD, 128), F32)),
        mesh=_sc_mesh(),
        scratch_types=[
            pltpu.VMEM((IDX_BLK, 128), jnp.int32),
            pltpu.VMEM((IDX_BLK, 128), jnp.int32),
            pltpu.VMEM((128, 128), F32),
            pltpu.VMEM((128, 128), F32),
            pltpu.VMEM_SHARED((N_PAD, 128), F32),
            pltpu.SemaphoreType.DMA,
            pltpu.SemaphoreType.DMA,
            pltpu.SemaphoreType.DMA,
            pltpu.SemaphoreType.DMA,
        ],
    )
    return f(y0, y1, srcf, dstf)



def _pool_body(h0, h1, b3, zsum_hbm, osum, hbuf, bidx, acc_sh):
    c = lax.axis_index("c")
    s = lax.axis_index("s")
    pltpu.sync_copy(b3.at[s], bidx)

    def run(h, o):
        pltpu.sync_copy(zsum_hbm.at[pl.ds(s * GROWS_PT, GROWS_PT)],
                        acc_sh.at[pl.ds(s * GROWS_PT, GROWS_PT)])
        pltpu.sync_copy(h.at[pl.ds(s * ROWS_PT, ROWS_PT)], hbuf)
        plsc.subcore_barrier()
        for k in range(5):
            pltpu.sync_copy(hbuf.at[pl.ds(k * 128, 128)],
                            acc_sh.at[bidx.at[k]], add=True)
        plsc.subcore_barrier()
        pltpu.sync_copy(acc_sh.at[pl.ds(s * GROWS_PT, GROWS_PT)],
                        o.at[pl.ds(s * GROWS_PT, GROWS_PT)])

    @pl.when(c == 0)
    def _():
        run(h0, osum.at[0])

    @pl.when(c == 1)
    def _():
        run(h1, osum.at[1])


def _pool(h0, h1, batch3):
    zsum = jnp.zeros((G_PAD, 128), F32)
    f = pl.kernel(
        _pool_body,
        out_type=jax.ShapeDtypeStruct((2, G_PAD, 128), F32),
        mesh=_sc_mesh(),
        scratch_types=[
            pltpu.VMEM((ROWS_PT, 128), F32),
            pltpu.VMEM((5, 128), jnp.int32),
            pltpu.VMEM_SHARED((G_PAD, 128), F32),
        ],
    )
    return f(h0, h1, batch3, zsum)



def _dinv_col(degw_val):
    deg = degw_val[0, :, 0:1] + degw_val[1, :, 0:1] + 1.0
    return lax.rsqrt(deg)


def _mm1_body(x_ref, w_ref, degw_ref, y_ref, dinv_ref):
    dinv = _dinv_col(degw_ref[...])
    dinv_ref[...] = dinv
    y_ref[...] = jnp.dot(x_ref[...], w_ref[...],
                         preferred_element_type=F32) * dinv


def _mm1(x_p, w1, degw):
    return pl.pallas_call(
        _mm1_body,
        out_shape=(jax.ShapeDtypeStruct((N_PAD, 128), F32),
                   jax.ShapeDtypeStruct((N_PAD, 1), F32)),
    )(x_p, w1, degw)


def _masked_bn_relu(t, g, be):
    rid = lax.broadcasted_iota(jnp.int32, (N_PAD, 1), 0)
    valid = rid < N_NODES
    tm = jnp.where(valid, t, 0.0)
    mean = jnp.sum(tm, axis=0, keepdims=True) / N_NODES
    dv = jnp.where(valid, t - mean, 0.0)
    var = jnp.sum(dv * dv, axis=0, keepdims=True) / N_NODES
    h = jax.nn.relu(g * (t - mean) * lax.rsqrt(var + EPS) + be)
    return jnp.where(valid, h, 0.0)


def _bn_mm2_body(p, y, dinv_ref, b1r, g1r, be1r, w2, y0_ref, y1_ref):
    dinv = dinv_ref[...]
    agg = p[0] + p[1] - y[...]
    t = agg * dinv + b1r[...]
    h = _masked_bn_relu(t, g1r[...], be1r[...])
    y2 = jnp.dot(h, w2[...], preferred_element_type=F32) * dinv
    y0_ref[...] = y2[:, :128]
    y1_ref[...] = y2[:, 128:]


def _bn_mm2(p, y, dinv, b1, g1, be1, w2):
    return pl.pallas_call(
        _bn_mm2_body,
        out_shape=(jax.ShapeDtypeStruct((N_PAD, 128), F32),
                   jax.ShapeDtypeStruct((N_PAD, 128), F32)),
    )(p, y, dinv, b1.reshape(1, -1), g1.reshape(1, -1),
      be1.reshape(1, -1), w2)


def _bn2_body(a0, a1, dinv_ref, b2r, g2r, be2r, h0_ref, h1_ref):
    dinv = dinv_ref[...]
    t = jnp.concatenate([a0[...], a1[...]], axis=1) * dinv + b2r[...]
    h = _masked_bn_relu(t, g2r[...], be2r[...])
    h0_ref[...] = h[:, :128]
    h1_ref[...] = h[:, 128:]


def _bn2(a0, a1, dinv, b2, g2, be2):
    return pl.pallas_call(
        _bn2_body,
        out_shape=(jax.ShapeDtypeStruct((N_PAD, 128), F32),
                   jax.ShapeDtypeStruct((N_PAD, 128), F32)),
    )(a0, a1, dinv, b2.reshape(1, -1), g2.reshape(1, -1), be2.reshape(1, -1))


def _head_body(sum_ref, batch_ref, sfp, ws, bsr, wf1, bf1r, gf1r, bef1r,
               wf2, bf2r, out_ref):
    sums = jnp.concatenate([sum_ref[0, :G, :], sum_ref[1, :G, :]], axis=1)
    gid = lax.broadcasted_iota(jnp.int32, (G, N_PAD), 0)
    onehot = (gid == batch_ref[...]).astype(F32)
    cnt = jnp.sum(onehot, axis=1, keepdims=True)
    pooled = sums / jnp.maximum(cnt, 1.0)
    solv = jax.nn.relu(
        jnp.dot(sfp[...], ws[...], preferred_element_type=F32) + bsr[...])
    z = jnp.concatenate([pooled, solv], axis=1)
    u = jnp.dot(z, wf1[...], preferred_element_type=F32) + bf1r[...]
    m = jnp.mean(u, axis=0, keepdims=True)
    d = u - m
    v = jnp.mean(d * d, axis=0, keepdims=True)
    z2 = jax.nn.relu(gf1r[...] * d * lax.rsqrt(v + EPS) + bef1r[...])
    out_ref[...] = jnp.dot(z2, wf2[...], preferred_element_type=F32) + bf2r[...]


def _head(sums, batch_row, sfp, ws, bs, wf1, bf1, gf1, bef1, wf2, bf2):
    return pl.pallas_call(
        _head_body,
        out_shape=jax.ShapeDtypeStruct((G, 1), F32),
    )(sums, batch_row, sfp, ws, bs.reshape(1, -1), wf1, bf1.reshape(1, -1),
      gf1.reshape(1, -1), bef1.reshape(1, -1), wf2, bf2.reshape(1, -1))



def kernel(x, edge_index, edge_attr, solvent_fingerprint, batch,
           W1, b1, g1, be1, W2, b2, g2, be2, Ws, bs,
           Wf1, bf1, gf1, bef1, Wf2, bf2):
    del edge_attr
    x = x.astype(F32)
    src = edge_index[0].astype(jnp.int32)
    dst = edge_index[1].astype(jnp.int32)
    pad_e = E_PAD - E_EDGES
    src_p = jnp.concatenate([src, jnp.full((pad_e,), N_NODES, jnp.int32)])
    dst_p = jnp.concatenate([dst, jnp.full((pad_e,), N_NODES, jnp.int32)])
    dst32 = dst_p.reshape(32, CHUNKS32, 128)
    srcf = src_p.reshape(N_CHUNKS, 128)
    dstf = dst_p.reshape(N_CHUNKS, 128)
    batch3 = jnp.concatenate(
        [batch.astype(jnp.int32),
         jnp.full((N_PAD - N_NODES,), G, jnp.int32)]).reshape(16, 5, 128)
    x_p = jnp.pad(x, ((0, N_PAD - N_NODES), (0, 0)))

    degw = _degree(dst32)
    y, dinv = _mm1(x_p, W1, degw)
    p = _aggregate1(y, srcf, dstf)
    y2_0, y2_1 = _bn_mm2(p, y, dinv, b1, g1, be1, W2)
    c0, c1 = _aggregate2(y2_0, y2_1, srcf, dstf)
    h0, h1 = _bn2(c0, c1, dinv, b2, g2, be2)
    sums = _pool(h0, h1, batch3)
    batch_row = batch3.reshape(1, N_PAD)
    return _head(sums, batch_row, solvent_fingerprint.astype(F32),
                 Ws, bs, Wf1, bf1, gf1, bef1, Wf2, bf2)

# --- scband reference (transcript-rebuilt; emitter-appended) ---
"""Pipeline reference for scband-chromophore-solvent-gnn1-10900626997626 (READ-ONLY COPY).

The authoritative reference and input builder live on the scoring server;
editing this copy changes nothing except your own understanding.
"""

import jax, jax.numpy as jnp
import numpy as np

N_NODES = 10000
N_EDGES = 320000
N_GRAPHS = 256
D_IN = 128
D_EDGE = 4
D_SOLV = 128
D_OUT = 1
EPS = 1e-5


def _gcn_conv(x, edge_index, W, b, num_nodes):
    # GCNConv: out = D^{-1/2} (A + I) D^{-1/2} (x W) + b
    src = edge_index[0]
    dst = edge_index[1]
    loop = jnp.arange(num_nodes, dtype=src.dtype)
    src = jnp.concatenate([src, loop])
    dst = jnp.concatenate([dst, loop])
    deg = jnp.zeros((num_nodes,), dtype=x.dtype).at[dst].add(1.0)
    dinv = jax.lax.rsqrt(jnp.maximum(deg, 1.0))
    norm = dinv[src] * dinv[dst]
    xw = x @ W
    msg = xw[src] * norm[:, None]
    out = jnp.zeros((num_nodes, xw.shape[1]), dtype=x.dtype).at[dst].add(msg)
    return out + b


def _bn(x, gamma, beta):
    m = jnp.mean(x, axis=0)
    v = jnp.var(x, axis=0)
    return gamma * (x - m) * jax.lax.rsqrt(v + EPS) + beta


def _glorot(key, shape):
    fan_in, fan_out = shape[0], shape[1]
    lim = np.sqrt(6.0 / (fan_in + fan_out))
    return jax.random.uniform(key, shape, jnp.float32, -lim, lim)


def setup_inputs(seed: int = 0) -> dict:
    key = jax.random.key(seed)
    ks = jax.random.split(key, 16)
    x = jax.random.normal(ks[0], (N_NODES, D_IN), jnp.float32)
    edge_index = jax.random.randint(ks[1], (2, N_EDGES), 0, N_NODES, jnp.int64)
    edge_attr = jax.random.normal(ks[2], (N_EDGES, D_EDGE), jnp.float32)
    solvent_fingerprint = jax.random.normal(ks[3], (N_GRAPHS, D_SOLV), jnp.float32)
    batch = jnp.sort(jax.random.randint(ks[4], (N_NODES,), 0, N_GRAPHS, jnp.int64))
    params = {
        'W1': _glorot(ks[5], (D_IN, 128)), 'b1': jnp.zeros((128,), jnp.float32),
        'g1': jnp.ones((128,), jnp.float32), 'be1': jnp.zeros((128,), jnp.float32),
        'W2': _glorot(ks[6], (128, 256)), 'b2': jnp.zeros((256,), jnp.float32),
        'g2': jnp.ones((256,), jnp.float32), 'be2': jnp.zeros((256,), jnp.float32),
        'Ws': _glorot(ks[7], (D_SOLV, 128)), 'bs': jnp.zeros((128,), jnp.float32),
        'Wf1': _glorot(ks[8], (256 + 128, 128)), 'bf1': jnp.zeros((128,), jnp.float32),
        'gf1': jnp.ones((128,), jnp.float32), 'bef1': jnp.zeros((128,), jnp.float32),
        'Wf2': _glorot(ks[9], (128, D_OUT)), 'bf2': jnp.zeros((D_OUT,), jnp.float32),
    }
    inp = {'x': x, 'edge_index': edge_index, 'edge_attr': edge_attr,
           'solvent_fingerprint': solvent_fingerprint, 'batch': batch}
    inp.update(params)
    return inp


def reference(x, edge_index, edge_attr, solvent_fingerprint, batch,
              W1, b1, g1, be1, W2, b2, g2, be2, Ws, bs,
              Wf1, bf1, gf1, bef1, Wf2, bf2):
    num_nodes = x.shape[0]
    num_graphs = solvent_fingerprint.shape[0]
    h = jax.nn.relu(_bn(_gcn_conv(x, edge_index, W1, b1, num_nodes), g1, be1))
    h = jax.nn.relu(_bn(_gcn_conv(h, edge_index, W2, b2, num_nodes), g2, be2))
    # global_mean_pool over batch ids
    sums = jax.ops.segment_sum(h, batch, num_segments=num_graphs)
    cnts = jax.ops.segment_sum(jnp.ones((num_nodes,), h.dtype), batch, num_segments=num_graphs)
    pooled = sums / jnp.maximum(cnts, 1.0)[:, None]
    solv = jax.nn.relu(solvent_fingerprint @ Ws + bs)
    z = jnp.concatenate([pooled, solv], axis=1)
    z = jax.nn.relu(_bn(z @ Wf1 + bf1, gf1, bef1))
    # dropout is identity in eval mode
    out = z @ Wf2 + bf2
    return out

if __name__ == "__main__":
    import jax
    _d = setup_inputs()
    print(jax.jit(kernel)(*tuple(_d.values())))

</pallas_src>

<mosaic_0001>
#map = affine_map<(d0, d1) -> (0, 0)>
#map1 = affine_map<(d0, d1) -> (0, 0, 0)>
module attributes {stable_mosaic.version = 14 : i64} {
  func.func @_agg1_body(%arg0: i32, %arg1: i32, %arg2: memref<10240x128xf32, #tpu.memory_space<hbm>>, %arg3: memref<2560x128xi32, #tpu.memory_space<hbm>>, %arg4: memref<2560x128xi32, #tpu.memory_space<hbm>>, %arg5: memref<2x10240x128xf32, #tpu.memory_space<hbm>>, %arg6: memref<40x128xi32, #tpu.memory_space<vmem>>, %arg7: memref<40x128xi32, #tpu.memory_space<vmem>>, %arg8: memref<128x128xf32, #tpu.memory_space<vmem>>, %arg9: memref<128x128xf32, #tpu.memory_space<vmem>>, %arg10: memref<10240x128xf32, #tpu.memory_space<vmem_shared>>, %arg11: memref<!tpu.dma_semaphore, #tpu.memory_space<semaphore_mem>>, %arg12: memref<!tpu.dma_semaphore, #tpu.memory_space<semaphore_mem>>, %arg13: memref<!tpu.dma_semaphore, #tpu.memory_space<semaphore_mem>>, %arg14: memref<!tpu.dma_semaphore, #tpu.memory_space<semaphore_mem>>) attributes {dimension_semantics = [#tpu.dimension_semantics<core_parallel>, #tpu.dimension_semantics<subcore_parallel>], iteration_bounds = array<i64: 2, 16>, scalar_prefetch = 0 : i64, scratch_operands = 9 : i64, tpu.core_type = #tpu.core_type<sc_vector_subcore>, window_params = [{transform_indices = #map}, {transform_indices = #map}, {transform_indices = #map}, {transform_indices = #map1}]} {
    %mul3A = arith.constant 16 : i32
    %mul3A_0 = arith.muli %arg0, %mul3A : i32
    %add3A = arith.addi %mul3A_0, %arg1 : i32
    %mul3A_1 = arith.constant 80 : i32
    %mul3A_2 = arith.muli %add3A, %mul3A_1 : i32
    %mul3A_3 = arith.constant 640 : i32
    %mul3A_4 = arith.muli %arg1, %mul3A_3 : i32
    %mul3A_5 = arith.constant 640 : i32
    %mul3A_6 = arith.muli %arg1, %mul3A_5 : i32
    "tpu.region"() ({
      %run_scoped3A = tpu.sem_alloc : memref<!tpu.dma_semaphore, #tpu.memory_space<semaphore_mem>>
      %dma_start3A = arith.constant 0 : i32
      %dma_start3A_28 = tpu.memref_slice %arg10[%mul3A_6, %dma_start3A] : memref<10240x128xf32, #tpu.memory_space<vmem_shared>> -> memref<640x128xf32, #tpu.memory_space<vmem_shared>>
      %dma_start3A_29 = arith.constant 0 : i32
      %dma_start3A_30 = tpu.memref_slice %arg2[%mul3A_4, %dma_start3A_29] : memref<10240x128xf32, #tpu.memory_space<hbm>> -> memref<640x128xf32, #tpu.memory_space<hbm>>
      tpu.enqueue_dma source(%dma_start3A_30 : memref<640x128xf32, #tpu.memory_space<hbm>>) target(%dma_start3A_28 : memref<640x128xf32, #tpu.memory_space<vmem_shared>>) target_semaphore(%run_scoped3A : memref<!tpu.dma_semaphore, #tpu.memory_space<semaphore_mem>>)
      %dma_wait3A_31 = arith.constant 0 : i32
      %dma_wait3A_32 = tpu.memref_slice %arg10[%mul3A_6, %dma_wait3A_31] : memref<10240x128xf32, #tpu.memory_space<vmem_shared>> -> memref<640x128xf32, #tpu.memory_space<vmem_shared>>
      %dma_wait3A_33 = arith.constant 0 : i32
      %dma_wait3A_34 = tpu.memref_slice %arg2[%mul3A_4, %dma_wait3A_33] : memref<10240x128xf32, #tpu.memory_space<hbm>> -> memref<640x128xf32, #tpu.memory_space<hbm>>
      tpu.wait_dma2 semaphore(%run_scoped3A : memref<!tpu.dma_semaphore, #tpu.memory_space<semaphore_mem>>) src(%dma_wait3A_34 : memref<640x128xf32, #tpu.memory_space<hbm>>) dst(%dma_wait3A_32 : memref<640x128xf32, #tpu.memory_space<vmem_shared>>)
      tpu.yield
    }) : () -> ()
    %barrier3A = arith.constant 0 : index
    tpu.barrier barrier_id(%barrier3A)
    %scan3A = arith.constant 0 : i32
    %scan3A_7 = arith.constant 0 : i32
    %scan3A_8 = arith.constant 2 : i32
    %scan3A_9 = arith.addi %scan3A_7, %scan3A_8 : i32
    %scan3A_10 = arith.constant 1 : i32
    scf.for %scan3A_28 = %scan3A_7 to %scan3A_9 step %scan3A_10  : i32 {
      %mul3A_29 = arith.constant 40 : i32
      %mul3A_30 = arith.muli %scan3A_28, %mul3A_29 : i32
      %add3A_31 = arith.addi %mul3A_2, %mul3A_30 : i32
      "tpu.region"() ({
        %run_scoped3A = tpu.sem_alloc : memref<!tpu.dma_semaphore, #tpu.memory_space<semaphore_mem>>
        %dma_start3A = arith.constant 0 : i32
        %dma_start3A_41 = tpu.memref_slice %arg3[%add3A_31, %dma_start3A] : memref<2560x128xi32, #tpu.memory_space<hbm>> -> memref<40x128xi32, #tpu.memory_space<hbm>>
        %dma_start3A_42 = arith.constant 0 : i32
        %dma_start3A_43 = tpu.memref_slice %arg3[%add3A_31, %dma_start3A_42] : memref<2560x128xi32, #tpu.memory_space<hbm>> -> memref<40x128xi32, #tpu.memory_space<hbm>>
        tpu.enqueue_dma source(%dma_start3A_43 : memref<40x128xi32, #tpu.memory_space<hbm>>) target(%arg6 : memref<40x128xi32, #tpu.memory_space<vmem>>) target_semaphore(%run_scoped3A : memref<!tpu.dma_semaphore, #tpu.memory_space<semaphore_mem>>)
        %dma_wait3A_44 = arith.constant 0 : i32
        %dma_wait3A_45 = tpu.memref_slice %arg3[%add3A_31, %dma_wait3A_44] : memref<2560x128xi32, #tpu.memory_space<hbm>> -> memref<40x128xi32, #tpu.memory_space<hbm>>
        %dma_wait3A_46 = arith.constant 0 : i32
        %dma_wait3A_47 = tpu.memref_slice %arg3[%add3A_31, %dma_wait3A_46] : memref<2560x128xi32, #tpu.memory_space<hbm>> -> memref<40x128xi32, #tpu.memory_space<hbm>>
        tpu.wait_dma2 semaphore(%run_scoped3A : memref<!tpu.dma_semaphore, #tpu.memory_space<semaphore_mem>>) src(%dma_wait3A_47 : memref<40x128xi32, #tpu.memory_space<hbm>>) dst(%arg6 : memref<40x128xi32, #tpu.memory_space<vmem>>)
        tpu.yield
      }) : () -> ()
      %mul3A_32 = arith.constant 40 : i32
      %mul3A_33 = arith.muli %scan3A_28, %mul3A_32 : i32
      %add3A_34 = arith.addi %mul3A_2, %mul3A_33 : i32
      "tpu.region"() ({
        %run_scoped3A = tpu.sem_alloc : memref<!tpu.dma_semaphore, #tpu.memory_space<semaphore_mem>>
        %dma_start3A = arith.constant 0 : i32
        %dma_start3A_41 = tpu.memref_slice %arg4[%add3A_34, %dma_start3A] : memref<2560x128xi32, #tpu.memory_space<hbm>> -> memref<40x128xi32, #tpu.memory_space<hbm>>
        %dma_start3A_42 = arith.constant 0 : i32
        %dma_start3A_43 = tpu.memref_slice %arg4[%add3A_34, %dma_start3A_42] : memref<2560x128xi32, #tpu.memory_space<hbm>> -> memref<40x128xi32, #tpu.memory_space<hbm>>
        tpu.enqueue_dma source(%dma_start3A_43 : memref<40x128xi32, #tpu.memory_space<hbm>>) target(%arg7 : memref<40x128xi32, #tpu.memory_space<vmem>>) target_semaphore(%run_scoped3A : memref<!tpu.dma_semaphore, #tpu.memory_space<semaphore_mem>>)
        %dma_wait3A_44 = arith.constant 0 : i32
        %dma_wait3A_45 = tpu.memref_slice %arg4[%add3A_34, %dma_wait3A_44] : memref<2560x128xi32, #tpu.memory_space<hbm>> -> memref<40x128xi32, #tpu.memory_space<hbm>>
        %dma_wait3A_46 = arith.constant 0 : i32
        %dma_wait3A_47 = tpu.memref_slice %arg4[%add3A_34, %dma_wait3A_46] : memref<2560x128xi32, #tpu.memory_space<hbm>> -> memref<40x128xi32, #tpu.memory_space<hbm>>
        tpu.wait_dma2 semaphore(%run_scoped3A : memref<!tpu.dma_semaphore, #tpu.memory_space<semaphore_mem>>) src(%dma_wait3A_47 : memref<40x128xi32, #tpu.memory_space<hbm>>) dst(%arg7 : memref<40x128xi32, #tpu.memory_space<vmem>>)
        tpu.yield
      }) : () -> ()
      %scan3A_35 = arith.constant 0 : i32
      %scan3A_36 = arith.constant 0 : i32
      %scan3A_37 = arith.constant 20 : i32
      %scan3A_38 = arith.addi %scan3A_36, %scan3A_37 : i32
      %scan3A_39 = arith.constant 1 : i32
      scf.for %scan3A_41 = %scan3A_36 to %scan3A_38 step %scan3A_39  : i32 {
        %mul3A_42 = arith.constant 2 : i32
        %mul3A_43 = arith.muli %scan3A_41, %mul3A_42 : i32
        %add3A_44 = arith.constant 1 : i32
        %add3A_45 = arith.addi %mul3A_43, %add3A_44 : i32
        %eq3A = arith.constant 0 : i32
        %eq3A_46 = arith.cmpi eq, %scan3A_28, %eq3A : i32
        %eq3A_47 = arith.constant 0 : i32
        %eq3A_48 = arith.cmpi eq, %scan3A_41, %eq3A_47 : i32
        %and3A = arith.andi %eq3A_46, %eq3A_48 : i1
        %not3A = arith.constant true
        %not3A_49 = arith.xori %and3A, %not3A : i1
        %convert_element_type3A = arith.extui %not3A_49 : i1 to i32
        %cond3A = arith.constant 0 : i32
        %cond3A_50 = arith.cmpi ne, %convert_element_type3A, %cond3A : i32
        scf.if %cond3A_50 {
          %dma_wait3A_91 = arith.constant 0 : i32
          %dma_wait3A_92 = arith.constant 0 : i32
          %dma_wait3A_93 = tpu.memref_slice %arg2[%dma_wait3A_91, %dma_wait3A_92] : memref<10240x128xf32, #tpu.memory_space<hbm>> -> memref<128x128xf32, #tpu.memory_space<hbm>>
          %dma_wait3A_94 = arith.constant 0 : i32
          %dma_wait3A_95 = arith.constant 0 : i32
          %dma_wait3A_96 = tpu.memref_slice %arg2[%dma_wait3A_94, %dma_wait3A_95] : memref<10240x128xf32, #tpu.memory_space<hbm>> -> memref<128x128xf32, #tpu.memory_space<hbm>>
          tpu.wait_dma2 semaphore(%arg13 : memref<!tpu.dma_semaphore, #tpu.memory_space<semaphore_mem>>) src(%dma_wait3A_96 : memref<128x128xf32, #tpu.memory_space<hbm>>) dst(%arg8 : memref<128x128xf32, #tpu.memory_space<vmem>>)
        } else {
        }
        %dma_start3A = arith.constant 0 : i32
        %dma_start3A_51 = tpu.memref_slice %arg6[%mul3A_43, %dma_start3A] : memref<40x128xi32, #tpu.memory_space<vmem>> -> memref<1x128xi32, #tpu.memory_space<vmem>>
        %dma_start3A_52 = tpu.memref_squeeze %dma_start3A_51 : memref<1x128xi32, #tpu.memory_space<vmem>> -> memref<128xi32, #tpu.memory_space<vmem>>
        %dma_start3A_53 = arith.constant 0 : i32
        %dma_start3A_54 = arith.constant 0 : i32
        %dma_start3A_55 = tpu.memref_slice %arg2[%dma_start3A_53, %dma_start3A_54] : memref<10240x128xf32, #tpu.memory_space<hbm>> -> memref<10240x128xf32, #tpu.memory_space<hbm>>
        tpu.enqueue_indirect_dma source(%dma_start3A_55 : memref<10240x128xf32, #tpu.memory_space<hbm>>) target(%arg8 : memref<128x128xf32, #tpu.memory_space<vmem>>) offsets(%dma_start3A_52 : memref<128xi32, #tpu.memory_space<vmem>>) semaphore(%arg11 : memref<!tpu.dma_semaphore, #tpu.memory_space<semaphore_mem>>)
        %not3A_56 = arith.constant true
        %not3A_57 = arith.xori %and3A, %not3A_56 : i1
        %convert_element_type3A_58 = arith.extui %not3A_57 : i1 to i32
        %cond3A_59 = arith.constant 0 : i32
        %cond3A_60 = arith.cmpi ne, %convert_element_type3A_58, %cond3A_59 : i32
        scf.if %cond3A_60 {
          %dma_wait3A_91 = arith.constant 0 : i32
          %dma_wait3A_92 = arith.constant 0 : i32
          %dma_wait3A_93 = tpu.memref_slice %arg2[%dma_wait3A_91, %dma_wait3A_92] : memref<10240x128xf32, #tpu.memory_space<hbm>> -> memref<128x128xf32, #tpu.memory_space<hbm>>
          %dma_wait3A_94 = arith.constant 0 : i32
          %dma_wait3A_95 = arith.constant 0 : i32
          %dma_wait3A_96 = tpu.memref_slice %arg2[%dma_wait3A_94, %dma_wait3A_95] : memref<10240x128xf32, #tpu.memory_space<hbm>> -> memref<128x128xf32, #tpu.memory_space<hbm>>
          tpu.wait_dma2 semaphore(%arg14 : memref<!tpu.dma_semaphore, #tpu.memory_space<semaphore_mem>>) src(%dma_wait3A_96 : memref<128x128xf32, #tpu.memory_space<hbm>>) dst(%arg9 : memref<128x128xf32, #tpu.memory_space<vmem>>)
        } else {
        }
        %dma_start3A_61 = arith.constant 0 : i32
        %dma_start3A_62 = tpu.memref_slice %arg6[%add3A_45, %dma_start3A_61] : memref<40x128xi32, #tpu.memory_space<vmem>> -> memref<1x128xi32, #tpu.memory_space<vmem>>
        %dma_start3A_63 = tpu.memref_squeeze %dma_start3A_62 : memref<1x128xi32, #tpu.memory_space<vmem>> -> memref<128xi32, #tpu.memory_space<vmem>>
        %dma_start3A_64 = arith.constant 0 : i32
        %dma_start3A_65 = arith.constant 0 : i32
        %dma_start3A_66 = tpu.memref_slice %arg2[%dma_start3A_64, %dma_start3A_65] : memref<10240x128xf32, #tpu.memory_space<hbm>> -> memref<10240x128xf32, #tpu.memory_space<hbm>>
        tpu.enqueue_indirect_dma source(%dma_start3A_66 : memref<10240x128xf32, #tpu.memory_space<hbm>>) target(%arg9 : memref<128x128xf32, #tpu.memory_space<vmem>>) offsets(%dma_start3A_63 : memref<128xi32, #tpu.memory_space<vmem>>) semaphore(%arg12 : memref<!tpu.dma_semaphore, #tpu.memory_space<semaphore_mem>>)
        %dma_wait3A_67 = arith.constant 0 : i32
        %dma_wait3A_68 = tpu.memref_slice %arg6[%mul3A_43, %dma_wait3A_67] : memref<40x128xi32, #tpu.memory_space<vmem>> -> memref<1x128xi32, #tpu.memory_space<vmem>>
        %dma_wait3A_69 = tpu.memref_squeeze %dma_wait3A_68 : memref<1x128xi32, #tpu.memory_space<vmem>> -> memref<128xi32, #tpu.memory_space<vmem>>
        %dma_wait3A_70 = arith.constant 0 : i32
        %dma_wait3A_71 = arith.constant 0 : i32
        %dma_wait3A_72 = tpu.memref_slice %arg2[%dma_wait3A_70, %dma_wait3A_71] : memref<10240x128xf32, #tpu.memory_space<hbm>> -> memref<10240x128xf32, #tpu.memory_space<hbm>>
        tpu.wait_indirect_dma semaphore(%arg11 : memref<!tpu.dma_semaphore, #tpu.memory_space<semaphore_mem>>) src(%dma_wait3A_72 : memref<10240x128xf32, #tpu.memory_space<hbm>>) dst(%arg8 : memref<128x128xf32, #tpu.memory_space<vmem>>)
        %dma_start3A_73 = arith.constant 0 : i32
        %dma_start3A_74 = tpu.memref_slice %arg7[%mul3A_43, %dma_start3A_73] : memref<40x128xi32, #tpu.memory_space<vmem>> -> memref<1x128xi32, #tpu.memory_space<vmem>>
        %dma_start3A_75 = tpu.memref_squeeze %dma_start3A_74 : memref<1x128xi32, #tpu.memory_space<vmem>> -> memref<128xi32, #tpu.memory_space<vmem>>
        %dma_start3A_76 = arith.constant 0 : i32
        %dma_start3A_77 = arith.constant 0 : i32
        %dma_start3A_78 = tpu.memref_slice %arg10[%dma_start3A_76, %dma_start3A_77] : memref<10240x128xf32, #tpu.memory_space<vmem_shared>> -> memref<10240x128xf32, #tpu.memory_space<vmem_shared>>
        tpu.enqueue_indirect_dma source(%arg8 : memref<128x128xf32, #tpu.memory_space<vmem>>) target(%dma_start3A_78 : memref<10240x128xf32, #tpu.memory_space<vmem_shared>>) offsets(%dma_start3A_75 : memref<128xi32, #tpu.memory_space<vmem>>) semaphore(%arg13 : memref<!tpu.dma_semaphore, #tpu.memory_space<semaphore_mem>>) {add = true}
        %dma_wait3A_79 = arith.constant 0 : i32
        %dma_wait3A_80 = tpu.memref_slice %arg6[%add3A_45, %dma_wait3A_79] : memref<40x128xi32, #tpu.memory_space<vmem>> -> memref<1x128xi32, #tpu.memory_space<vmem>>
        %dma_wait3A_81 = tpu.memref_squeeze %dma_wait3A_80 : memref<1x128xi32, #tpu.memory_space<vmem>> -> memref<128xi32, #tpu.memory_space<vmem>>
        %dma_wait3A_82 = arith.constant 0 : i32
        %dma_wait3A_83 = arith.constant 0 : i32
        %dma_wait3A_84 = tpu.memref_slice %arg2[%dma_wait3A_82, %dma_wait3A_83] : memref<10240x128xf32, #tpu.memory_space<hbm>> -> memref<10240x128xf32, #tpu.memory_space<hbm>>
        tpu.wait_indirect_dma semaphore(%arg12 : memref<!tpu.dma_semaphore, #tpu.memory_space<semaphore_mem>>) src(%dma_wait3A_84 : memref<10240x128xf32, #tpu.memory_space<hbm>>) dst(%arg9 : memref<128x128xf32, #tpu.memory_space<vmem>>)
        %dma_start3A_85 = arith.constant 0 : i32
        %dma_start3A_86 = tpu.memref_slice %arg7[%add3A_45, %dma_start3A_85] : memref<40x128xi32, #tpu.memory_space<vmem>> -> memref<1x128xi32, #tpu.memory_space<vmem>>
        %dma_start3A_87 = tpu.memref_squeeze %dma_start3A_86 : memref<1x128xi32, #tpu.memory_space<vmem>> -> memref<128xi32, #tpu.memory_space<vmem>>
        %dma_start3A_88 = arith.constant 0 : i32
        %dma_start3A_89 = arith.constant 0 : i32
        %dma_start3A_90 = tpu.memref_slice %arg10[%dma_start3A_88, %dma_start3A_89] : memref<10240x128xf32, #tpu.memory_space<vmem_shared>> -> memref<10240x128xf32, #tpu.memory_space<vmem_shared>>
        tpu.enqueue_indirect_dma source(%arg9 : memref<128x128xf32, #tpu.memory_space<vmem>>) target(%dma_start3A_90 : memref<10240x128xf32, #tpu.memory_space<vmem_shared>>) offsets(%dma_start3A_87 : memref<128xi32, #tpu.memory_space<vmem>>) semaphore(%arg14 : memref<!tpu.dma_semaphore, #tpu.memory_space<semaphore_mem>>) {add = true}
      }
      %scan3A_40 = arith.constant 20 : i32
    }
    %scan3A_11 = arith.constant 2 : i32
    %dma_wait3A = arith.constant 0 : i32
    %dma_wait3A_12 = arith.constant 0 : i32
    %dma_wait3A_13 = tpu.memref_slice %arg2[%dma_wait3A, %dma_wait3A_12] : memref<10240x128xf32, #tpu.memory_space<hbm>> -> memref<128x128xf32, #tpu.memory_space<hbm>>
    %dma_wait3A_14 = arith.constant 0 : i32
    %dma_wait3A_15 = arith.constant 0 : i32
    %dma_wait3A_16 = tpu.memref_slice %arg2[%dma_wait3A_14, %dma_wait3A_15] : memref<10240x128xf32, #tpu.memory_space<hbm>> -> memref<128x128xf32, #tpu.memory_space<hbm>>
    tpu.wait_dma2 semaphore(%arg13 : memref<!tpu.dma_semaphore, #tpu.memory_space<semaphore_mem>>) src(%dma_wait3A_16 : memref<128x128xf32, #tpu.memory_space<hbm>>) dst(%arg8 : memref<128x128xf32, #tpu.memory_space<vmem>>)
    %dma_wait3A_17 = arith.constant 0 : i32
    %dma_wait3A_18 = arith.constant 0 : i32
    %dma_wait3A_19 = tpu.memref_slice %arg2[%dma_wait3A_17, %dma_wait3A_18] : memref<10240x128xf32, #tpu.memory_space<hbm>> -> memref<128x128xf32, #tpu.memory_space<hbm>>
    %dma_wait3A_20 = arith.constant 0 : i32
    %dma_wait3A_21 = arith.constant 0 : i32
    %dma_wait3A_22 = tpu.memref_slice %arg2[%dma_wait3A_20, %dma_wait3A_21] : memref<10240x128xf32, #tpu.memory_space<hbm>> -> memref<128x128xf32, #tpu.memory_space<hbm>>
    tpu.wait_dma2 semaphore(%arg14 : memref<!tpu.dma_semaphore, #tpu.memory_space<semaphore_mem>>) src(%dma_wait3A_22 : memref<128x128xf32, #tpu.memory_space<hbm>>) dst(%arg9 : memref<128x128xf32, #tpu.memory_space<vmem>>)
    %barrier3A_23 = arith.constant 0 : index
    tpu.barrier barrier_id(%barrier3A_23)
    %mul3A_24 = arith.constant 640 : i32
    %mul3A_25 = arith.muli %arg1, %mul3A_24 : i32
    %mul3A_26 = arith.constant 640 : i32
    %mul3A_27 = arith.muli %arg1, %mul3A_26 : i32
    "tpu.region"() ({
      %run_scoped3A = tpu.sem_alloc : memref<!tpu.dma_semaphore, #tpu.memory_space<semaphore_mem>>
      %dma_start3A = arith.constant 0 : i32
      %dma_start3A_28 = tpu.memref_slice %arg5[%arg0, %mul3A_27, %dma_start3A] : memref<2x10240x128xf32, #tpu.memory_space<hbm>> -> memref<1x640x128xf32, #tpu.memory_space<hbm>>
      %dma_start3A_29 = tpu.memref_squeeze %dma_start3A_28 : memref<1x640x128xf32, #tpu.memory_space<hbm>> -> memref<640x128xf32, #tpu.memory_space<hbm>>
      %dma_start3A_30 = arith.constant 0 : i32
      %dma_start3A_31 = tpu.memref_slice %arg10[%mul3A_25, %dma_start3A_30] : memref<10240x128xf32, #tpu.memory_space<vmem_shared>> -> memref<640x128xf32, #tpu.memory_space<vmem_shared>>
      tpu.enqueue_dma source(%dma_start3A_31 : memref<640x128xf32, #tpu.memory_space<vmem_shared>>) target(%dma_start3A_29 : memref<640x128xf32, #tpu.memory_space<hbm>>) target_semaphore(%run_scoped3A : memref<!tpu.dma_semaphore, #tpu.memory_space<semaphore_mem>>)
      %dma_wait3A_32 = arith.constant 0 : i32
      %dma_wait3A_33 = tpu.memref_slice %arg5[%arg0, %mul3A_27, %dma_wait3A_32] : memref<2x10240x128xf32, #tpu.memory_space<hbm>> -> memref<1x640x128xf32, #tpu.memory_space<hbm>>
      %dma_wait3A_34 = tpu.memref_squeeze %dma_wait3A_33 : memref<1x640x128xf32, #tpu.memory_space<hbm>> -> memref<640x128xf32, #tpu.memory_space<hbm>>
      %dma_wait3A_35 = arith.constant 0 : i32
      %dma_wait3A_36 = tpu.memref_slice %arg10[%mul3A_25, %dma_wait3A_35] : memref<10240x128xf32, #tpu.memory_space<vmem_shared>> -> memref<640x128xf32, #tpu.memory_space<vmem_shared>>
      tpu.wait_dma2 semaphore(%run_scoped3A : memref<!tpu.dma_semaphore, #tpu.memory_space<semaphore_mem>>) src(%dma_wait3A_36 : memref<640x128xf32, #tpu.memory_space<vmem_shared>>) dst(%dma_wait3A_34 : memref<640x128xf32, #tpu.memory_space<hbm>>)
      tpu.yield
    }) : () -> ()
    return
  }
}

#map = affine_map<(d0, d1) -> (0, 0, 0)>
#map1 = affine_map<(d0, d1) -> (0, 0)>
module attributes {stable_mosaic.version = 14 : i64} {
  func.func @_deg_body(%arg0: i32, %arg1: i32, %arg2: memref<32x80x128xi32, #tpu.memory_space<hbm>>, %arg3: memref<10240x128xf32, #tpu.memory_space<hbm>>, %arg4: memref<128x128xf32, #tpu.memory_space<hbm>>, %arg5: memref<2x10240x128xf32, #tpu.memory_space<hbm>>, %arg6: memref<40x128xi32, #tpu.memory_space<vmem>>, %arg7: memref<128x128xf32, #tpu.memory_space<vmem>>, %arg8: memref<10240x128xf32, #tpu.memory_space<vmem_shared>>) attributes {dimension_semantics = [#tpu.dimension_semantics<core_parallel>, #tpu.dimension_semantics<subcore_parallel>], iteration_bounds = array<i64: 2, 16>, scalar_prefetch = 0 : i64, scratch_operands = 3 : i64, tpu.core_type = #tpu.core_type<sc_vector_subcore>, window_params = [{transform_indices = #map}, {transform_indices = #map1}, {transform_indices = #map1}, {transform_indices = #map}]} {
    %mul3A = arith.constant 16 : i32
    %mul3A_0 = arith.muli %arg0, %mul3A : i32
    %add3A = arith.addi %mul3A_0, %arg1 : i32
    %mul3A_1 = arith.constant 640 : i32
    %mul3A_2 = arith.muli %arg1, %mul3A_1 : i32
    %mul3A_3 = arith.constant 640 : i32
    %mul3A_4 = arith.muli %arg1, %mul3A_3 : i32
    "tpu.region"() ({
      %run_scoped3A = tpu.sem_alloc : memref<!tpu.dma_semaphore, #tpu.memory_space<semaphore_mem>>
      %dma_start3A = arith.constant 0 : i32
      %dma_start3A_15 = tpu.memref_slice %arg8[%mul3A_4, %dma_start3A] : memref<10240x128xf32, #tpu.memory_space<vmem_shared>> -> memref<640x128xf32, #tpu.memory_space<vmem_shared>>
      %dma_start3A_16 = arith.constant 0 : i32
      %dma_start3A_17 = tpu.memref_slice %arg3[%mul3A_2, %dma_start3A_16] : memref<10240x128xf32, #tpu.memory_space<hbm>> -> memref<640x128xf32, #tpu.memory_space<hbm>>
      tpu.enqueue_dma source(%dma_start3A_17 : memref<640x128xf32, #tpu.memory_space<hbm>>) target(%dma_start3A_15 : memref<640x128xf32, #tpu.memory_space<vmem_shared>>) target_semaphore(%run_scoped3A : memref<!tpu.dma_semaphore, #tpu.memory_space<semaphore_mem>>)
      %dma_wait3A = arith.constant 0 : i32
      %dma_wait3A_18 = tpu.memref_slice %arg8[%mul3A_4, %dma_wait3A] : memref<10240x128xf32, #tpu.memory_space<vmem_shared>> -> memref<640x128xf32, #tpu.memory_space<vmem_shared>>
      %dma_wait3A_19 = arith.constant 0 : i32
      %dma_wait3A_20 = tpu.memref_slice %arg3[%mul3A_2, %dma_wait3A_19] : memref<10240x128xf32, #tpu.memory_space<hbm>> -> memref<640x128xf32, #tpu.memory_space<hbm>>
      tpu.wait_dma2 semaphore(%run_scoped3A : memref<!tpu.dma_semaphore, #tpu.memory_space<semaphore_mem>>) src(%dma_wait3A_20 : memref<640x128xf32, #tpu.memory_space<hbm>>) dst(%dma_wait3A_18 : memref<640x128xf32, #tpu.memory_space<vmem_shared>>)
      tpu.yield
    }) : () -> ()
    "tpu.region"() ({
      %run_scoped3A = tpu.sem_alloc : memref<!tpu.dma_semaphore, #tpu.memory_space<semaphore_mem>>
      tpu.enqueue_dma source(%arg4 : memref<128x128xf32, #tpu.memory_space<hbm>>) target(%arg7 : memref<128x128xf32, #tpu.memory_space<vmem>>) target_semaphore(%run_scoped3A : memref<!tpu.dma_semaphore, #tpu.memory_space<semaphore_mem>>)
      tpu.wait_dma2 semaphore(%run_scoped3A : memref<!tpu.dma_semaphore, #tpu.memory_space<semaphore_mem>>) src(%arg4 : memref<128x128xf32, #tpu.memory_space<hbm>>) dst(%arg7 : memref<128x128xf32, #tpu.memory_space<vmem>>)
      tpu.yield
    }) : () -> ()
    %barrier3A = arith.constant 0 : index
    tpu.barrier barrier_id(%barrier3A)
    %scan3A = arith.constant 0 : i32
    %scan3A_5 = arith.constant 0 : i32
    %scan3A_6 = arith.constant 2 : i32
    %scan3A_7 = arith.addi %scan3A_5, %scan3A_6 : i32
    %scan3A_8 = arith.constant 1 : i32
    scf.for %scan3A_15 = %scan3A_5 to %scan3A_7 step %scan3A_8  : i32 {
      %mul3A_16 = arith.constant 40 : i32
      %mul3A_17 = arith.muli %scan3A_15, %mul3A_16 : i32
      "tpu.region"() ({
        %run_scoped3A = tpu.sem_alloc : memref<!tpu.dma_semaphore, #tpu.memory_space<semaphore_mem>>
        %dma_start3A = arith.constant 0 : i32
        %dma_start3A_24 = tpu.memref_slice %arg2[%add3A, %mul3A_17, %dma_start3A] : memref<32x80x128xi32, #tpu.memory_space<hbm>> -> memref<1x40x128xi32, #tpu.memory_space<hbm>>
        %dma_start3A_25 = tpu.memref_squeeze %dma_start3A_24 : memref<1x40x128xi32, #tpu.memory_space<hbm>> -> memref<40x128xi32, #tpu.memory_space<hbm>>
        %dma_start3A_26 = arith.constant 0 : i32
        %dma_start3A_27 = tpu.memref_slice %arg2[%add3A, %mul3A_17, %dma_start3A_26] : memref<32x80x128xi32, #tpu.memory_space<hbm>> -> memref<1x40x128xi32, #tpu.memory_space<hbm>>
        %dma_start3A_28 = tpu.memref_squeeze %dma_start3A_27 : memref<1x40x128xi32, #tpu.memory_space<hbm>> -> memref<40x128xi32, #tpu.memory_space<hbm>>
        tpu.enqueue_dma source(%dma_start3A_28 : memref<40x128xi32, #tpu.memory_space<hbm>>) target(%arg6 : memref<40x128xi32, #tpu.memory_space<vmem>>) target_semaphore(%run_scoped3A : memref<!tpu.dma_semaphore, #tpu.memory_space<semaphore_mem>>)
        %dma_wait3A = arith.constant 0 : i32
        %dma_wait3A_29 = tpu.memref_slice %arg2[%add3A, %mul3A_17, %dma_wait3A] : memref<32x80x128xi32, #tpu.memory_space<hbm>> -> memref<1x40x128xi32, #tpu.memory_space<hbm>>
        %dma_wait3A_30 = tpu.memref_squeeze %dma_wait3A_29 : memref<1x40x128xi32, #tpu.memory_space<hbm>> -> memref<40x128xi32, #tpu.memory_space<hbm>>
        %dma_wait3A_31 = arith.constant 0 : i32
        %dma_wait3A_32 = tpu.memref_slice %arg2[%add3A, %mul3A_17, %dma_wait3A_31] : memref<32x80x128xi32, #tpu.memory_space<hbm>> -> memref<1x40x128xi32, #tpu.memory_space<hbm>>
        %dma_wait3A_33 = tpu.memref_squeeze %dma_wait3A_32 : memref<1x40x128xi32, #tpu.memory_space<hbm>> -> memref<40x128xi32, #tpu.memory_space<hbm>>
        tpu.wait_dma2 semaphore(%run_scoped3A : memref<!tpu.dma_semaphore, #tpu.memory_space<semaphore_mem>>) src(%dma_wait3A_33 : memref<40x128xi32, #tpu.memory_space<hbm>>) dst(%arg6 : memref<40x128xi32, #tpu.memory_space<vmem>>)
        tpu.yield
      }) : () -> ()
      %scan3A_18 = arith.constant 0 : i32
      %scan3A_19 = arith.constant 0 : i32
      %scan3A_20 = arith.constant 40 : i32
      %scan3A_21 = arith.addi %scan3A_19, %scan3A_20 : i32
      %scan3A_22 = arith.constant 1 : i32
      scf.for %scan3A_24 = %scan3A_19 to %scan3A_21 step %scan3A_22  : i32 {
        "tpu.region"() ({
          %run_scoped3A = tpu.sem_alloc : memref<!tpu.dma_semaphore, #tpu.memory_space<semaphore_mem>>
          %dma_start3A = arith.constant 0 : i32
          %dma_start3A_25 = tpu.memref_slice %arg6[%scan3A_24, %dma_start3A] : memref<40x128xi32, #tpu.memory_space<vmem>> -> memref<1x128xi32, #tpu.memory_space<vmem>>
          %dma_start3A_26 = tpu.memref_squeeze %dma_start3A_25 : memref<1x128xi32, #tpu.memory_space<vmem>> -> memref<128xi32, #tpu.memory_space<vmem>>
          %dma_start3A_27 = arith.constant 0 : i32
          %dma_start3A_28 = arith.constant 0 : i32
          %dma_start3A_29 = tpu.memref_slice %arg8[%dma_start3A_27, %dma_start3A_28] : memref<10240x128xf32, #tpu.memory_space<vmem_shared>> -> memref<10240x128xf32, #tpu.memory_space<vmem_shared>>
          tpu.enqueue_indirect_dma source(%arg7 : memref<128x128xf32, #tpu.memory_space<vmem>>) target(%dma_start3A_29 : memref<10240x128xf32, #tpu.memory_space<vmem_shared>>) offsets(%dma_start3A_26 : memref<128xi32, #tpu.memory_space<vmem>>) semaphore(%run_scoped3A : memref<!tpu.dma_semaphore, #tpu.memory_space<semaphore_mem>>) {add = true}
          %dma_wait3A = arith.constant 0 : i32
          %dma_wait3A_30 = tpu.memref_slice %arg6[%scan3A_24, %dma_wait3A] : memref<40x128xi32, #tpu.memory_space<vmem>> -> memref<1x128xi32, #tpu.memory_space<vmem>>
          %dma_wait3A_31 = tpu.memref_squeeze %dma_wait3A_30 : memref<1x128xi32, #tpu.memory_space<vmem>> -> memref<128xi32, #tpu.memory_space<vmem>>
          %dma_wait3A_32 = arith.constant 0 : i32
          %dma_wait3A_33 = arith.constant 0 : i32
          %dma_wait3A_34 = tpu.memref_slice %arg8[%dma_wait3A_32, %dma_wait3A_33] : memref<10240x128xf32, #tpu.memory_space<vmem_shared>> -> memref<10240x128xf32, #tpu.memory_space<vmem_shared>>
          tpu.wait_indirect_dma semaphore(%run_scoped3A : memref<!tpu.dma_semaphore, #tpu.memory_space<semaphore_mem>>) src(%arg7 : memref<128x128xf32, #tpu.memory_space<vmem>>) dst(%dma_wait3A_34 : memref<10240x128xf32, #tpu.memory_space<vmem_shared>>)
          tpu.yield
        }) : () -> ()
      }
      %scan3A_23 = arith.constant 40 : i32
    }
    %scan3A_9 = arith.constant 2 : i32
    %barrier3A_10 = arith.constant 0 : index
    tpu.barrier barrier_id(%barrier3A_10)
    %mul3A_11 = arith.constant 640 : i32
    %mul3A_12 = arith.muli %arg1, %mul3A_11 : i32
    %mul3A_13 = arith.constant 640 : i32
    %mul3A_14 = arith.muli %arg1, %mul3A_13 : i32
    "tpu.region"() ({
      %run_scoped3A = tpu.sem_alloc : memref<!tpu.dma_semaphore, #tpu.memory_space<semaphore_mem>>
      %dma_start3A = arith.constant 0 : i32
      %dma_start3A_15 = tpu.memref_slice %arg5[%arg0, %mul3A_14, %dma_start3A] : memref<2x10240x128xf32, #tpu.memory_space<hbm>> -> memref<1x640x128xf32, #tpu.memory_space<hbm>>
      %dma_start3A_16 = tpu.memref_squeeze %dma_start3A_15 : memref<1x640x128xf32, #tpu.memory_space<hbm>> -> memref<640x128xf32, #tpu.memory_space<hbm>>
      %dma_start3A_17 = arith.constant 0 : i32
      %dma_start3A_18 = tpu.memref_slice %arg8[%mul3A_12, %dma_start3A_17] : memref<10240x128xf32, #tpu.memory_space<vmem_shared>> -> memref<640x128xf32, #tpu.memory_space<vmem_shared>>
      tpu.enqueue_dma source(%dma_start3A_18 : memref<640x128xf32, #tpu.memory_space<vmem_shared>>) target(%dma_start3A_16 : memref<640x128xf32, #tpu.memory_space<hbm>>) target_semaphore(%run_scoped3A : memref<!tpu.dma_semaphore, #tpu.memory_space<semaphore_mem>>)
      %dma_wait3A = arith.constant 0 : i32
      %dma_wait3A_19 = tpu.memref_slice %arg5[%arg0, %mul3A_14, %dma_wait3A] : memref<2x10240x128xf32, #tpu.memory_space<hbm>> -> memref<1x640x128xf32, #tpu.memory_space<hbm>>
      %dma_wait3A_20 = tpu.memref_squeeze %dma_wait3A_19 : memref<1x640x128xf32, #tpu.memory_space<hbm>> -> memref<640x128xf32, #tpu.memory_space<hbm>>
      %dma_wait3A_21 = arith.constant 0 : i32
      %dma_wait3A_22 = tpu.memref_slice %arg8[%mul3A_12, %dma_wait3A_21] : memref<10240x128xf32, #tpu.memory_space<vmem_shared>> -> memref<640x128xf32, #tpu.memory_space<vmem_shared>>
      tpu.wait_dma2 semaphore(%run_scoped3A : memref<!tpu.dma_semaphore, #tpu.memory_space<semaphore_mem>>) src(%dma_wait3A_22 : memref<640x128xf32, #tpu.memory_space<vmem_shared>>) dst(%dma_wait3A_20 : memref<640x128xf32, #tpu.memory_space<hbm>>)
      tpu.yield
    }) : () -> ()
    return
  }
}

#map = affine_map<(d0, d1) -> (0, 0)>
#map1 = affine_map<(d0, d1) -> (0, 0, 0)>
module attributes {stable_mosaic.version = 14 : i64} {
  func.func @_pool_body(%arg0: i32, %arg1: i32, %arg2: memref<10240x128xf32, #tpu.memory_space<hbm>>, %arg3: memref<10240x128xf32, #tpu.memory_space<hbm>>, %arg4: memref<16x5x128xi32, #tpu.memory_space<hbm>>, %arg5: memref<384x128xf32, #tpu.memory_space<hbm>>, %arg6: memref<2x384x128xf32, #tpu.memory_space<hbm>>, %arg7: memref<640x128xf32, #tpu.memory_space<vmem>>, %arg8: memref<5x128xi32, #tpu.memory_space<vmem>>, %arg9: memref<384x128xf32, #tpu.memory_space<vmem_shared>>) attributes {dimension_semantics = [#tpu.dimension_semantics<core_parallel>, #tpu.dimension_semantics<subcore_parallel>], iteration_bounds = array<i64: 2, 16>, scalar_prefetch = 0 : i64, scratch_operands = 3 : i64, tpu.core_type = #tpu.core_type<sc_vector_subcore>, window_params = [{transform_indices = #map}, {transform_indices = #map}, {transform_indices = #map1}, {transform_indices = #map}, {transform_indices = #map1}]} {
    "tpu.region"() ({
      %run_scoped3A = tpu.sem_alloc : memref<!tpu.dma_semaphore, #tpu.memory_space<semaphore_mem>>
      %dma_start3A = arith.constant 0 : i32
      %dma_start3A_7 = arith.constant 0 : i32
      %dma_start3A_8 = tpu.memref_slice %arg4[%arg1, %dma_start3A, %dma_start3A_7] : memref<16x5x128xi32, #tpu.memory_space<hbm>> -> memref<1x5x128xi32, #tpu.memory_space<hbm>>
      %dma_start3A_9 = tpu.memref_squeeze %dma_start3A_8 : memref<1x5x128xi32, #tpu.memory_space<hbm>> -> memref<5x128xi32, #tpu.memory_space<hbm>>
      %dma_start3A_10 = arith.constant 0 : i32
      %dma_start3A_11 = arith.constant 0 : i32
      %dma_start3A_12 = tpu.memref_slice %arg4[%arg1, %dma_start3A_10, %dma_start3A_11] : memref<16x5x128xi32, #tpu.memory_space<hbm>> -> memref<1x5x128xi32, #tpu.memory_space<hbm>>
      %dma_start3A_13 = tpu.memref_squeeze %dma_start3A_12 : memref<1x5x128xi32, #tpu.memory_space<hbm>> -> memref<5x128xi32, #tpu.memory_space<hbm>>
      tpu.enqueue_dma source(%dma_start3A_13 : memref<5x128xi32, #tpu.memory_space<hbm>>) target(%arg8 : memref<5x128xi32, #tpu.memory_space<vmem>>) target_semaphore(%run_scoped3A : memref<!tpu.dma_semaphore, #tpu.memory_space<semaphore_mem>>)
      %dma_wait3A = arith.constant 0 : i32
      %dma_wait3A_14 = arith.constant 0 : i32
      %dma_wait3A_15 = tpu.memref_slice %arg4[%arg1, %dma_wait3A, %dma_wait3A_14] : memref<16x5x128xi32, #tpu.memory_space<hbm>> -> memref<1x5x128xi32, #tpu.memory_space<hbm>>
      %dma_wait3A_16 = tpu.memref_squeeze %dma_wait3A_15 : memref<1x5x128xi32, #tpu.memory_space<hbm>> -> memref<5x128xi32, #tpu.memory_space<hbm>>
      %dma_wait3A_17 = arith.constant 0 : i32
      %dma_wait3A_18 = arith.constant 0 : i32
      %dma_wait3A_19 = tpu.memref_slice %arg4[%arg1, %dma_wait3A_17, %dma_wait3A_18] : memref<16x5x128xi32, #tpu.memory_space<hbm>> -> memref<1x5x128xi32, #tpu.memory_space<hbm>>
      %dma_wait3A_20 = tpu.memref_squeeze %dma_wait3A_19 : memref<1x5x128xi32, #tpu.memory_space<hbm>> -> memref<5x128xi32, #tpu.memory_space<hbm>>
      tpu.wait_dma2 semaphore(%run_scoped3A : memref<!tpu.dma_semaphore, #tpu.memory_space<semaphore_mem>>) src(%dma_wait3A_20 : memref<5x128xi32, #tpu.memory_space<hbm>>) dst(%arg8 : memref<5x128xi32, #tpu.memory_space<vmem>>)
      tpu.yield
    }) : () -> ()
    %eq3A = arith.constant 0 : i32
    %eq3A_0 = arith.cmpi eq, %arg0, %eq3A : i32
    %convert_element_type3A = arith.extui %eq3A_0 : i1 to i32
    %cond3A = arith.constant 0 : i32
    %cond3A_1 = arith.cmpi ne, %convert_element_type3A, %cond3A : i32
    scf.if %cond3A_1 {
      %mul3A = arith.constant 24 : i32
      %mul3A_7 = arith.muli %arg1, %mul3A : i32
      %mul3A_8 = arith.constant 24 : i32
      %mul3A_9 = arith.muli %arg1, %mul3A_8 : i32
      "tpu.region"() ({
        %run_scoped3A_22 = tpu.sem_alloc : memref<!tpu.dma_semaphore, #tpu.memory_space<semaphore_mem>>
        %dma_start3A = arith.constant 0 : i32
        %dma_start3A_23 = tpu.memref_slice %arg9[%mul3A_9, %dma_start3A] : memref<384x128xf32, #tpu.memory_space<vmem_shared>> -> memref<24x128xf32, #tpu.memory_space<vmem_shared>>
        %dma_start3A_24 = arith.constant 0 : i32
        %dma_start3A_25 = tpu.memref_slice %arg5[%mul3A_7, %dma_start3A_24] : memref<384x128xf32, #tpu.memory_space<hbm>> -> memref<24x128xf32, #tpu.memory_space<hbm>>
        tpu.enqueue_dma source(%dma_start3A_25 : memref<24x128xf32, #tpu.memory_space<hbm>>) target(%dma_start3A_23 : memref<24x128xf32, #tpu.memory_space<vmem_shared>>) target_semaphore(%run_scoped3A_22 : memref<!tpu.dma_semaphore, #tpu.memory_space<semaphore_mem>>)
        %dma_wait3A = arith.constant 0 : i32
        %dma_wait3A_26 = tpu.memref_slice %arg9[%mul3A_9, %dma_wait3A] : memref<384x128xf32, #tpu.memory_space<vmem_shared>> -> memref<24x128xf32, #tpu.memory_space<vmem_shared>>
        %dma_wait3A_27 = arith.constant 0 : i32
        %dma_wait3A_28 = tpu.memref_slice %arg5[%mul3A_7, %dma_wait3A_27] : memref<384x128xf32, #tpu.memory_space<hbm>> -> memref<24x128xf32, #tpu.memory_space<hbm>>
        tpu.wait_dma2 semaphore(%run_scoped3A_22 : memref<!tpu.dma_semaphore, #tpu.memory_space<semaphore_mem>>) src(%dma_wait3A_28 : memref<24x128xf32, #tpu.memory_space<hbm>>) dst(%dma_wait3A_26 : memref<24x128xf32, #tpu.memory_space<vmem_shared>>)
        tpu.yield
      }) : () -> ()
      %mul3A_10 = arith.constant 640 : i32
      %mul3A_11 = arith.muli %arg1, %mul3A_10 : i32
      "tpu.region"() ({
        %run_scoped3A_22 = tpu.sem_alloc : memref<!tpu.dma_semaphore, #tpu.memory_space<semaphore_mem>>
        %dma_start3A = arith.constant 0 : i32
        %dma_start3A_23 = tpu.memref_slice %arg2[%mul3A_11, %dma_start3A] : memref<10240x128xf32, #tpu.memory_space<hbm>> -> memref<640x128xf32, #tpu.memory_space<hbm>>
        %dma_start3A_24 = arith.constant 0 : i32
        %dma_start3A_25 = tpu.memref_slice %arg2[%mul3A_11, %dma_start3A_24] : memref<10240x128xf32, #tpu.memory_space<hbm>> -> memref<640x128xf32, #tpu.memory_space<hbm>>
        tpu.enqueue_dma source(%dma_start3A_25 : memref<640x128xf32, #tpu.memory_space<hbm>>) target(%arg7 : memref<640x128xf32, #tpu.memory_space<vmem>>) target_semaphore(%run_scoped3A_22 : memref<!tpu.dma_semaphore, #tpu.memory_space<semaphore_mem>>)
        %dma_wait3A = arith.constant 0 : i32
        %dma_wait3A_26 = tpu.memref_slice %arg2[%mul3A_11, %dma_wait3A] : memref<10240x128xf32, #tpu.memory_space<hbm>> -> memref<640x128xf32, #tpu.memory_space<hbm>>
        %dma_wait3A_27 = arith.constant 0 : i32
        %dma_wait3A_28 = tpu.memref_slice %arg2[%mul3A_11, %dma_wait3A_27] : memref<10240x128xf32, #tpu.memory_space<hbm>> -> memref<640x128xf32, #tpu.memory_space<hbm>>
        tpu.wait_dma2 semaphore(%run_scoped3A_22 : memref<!tpu.dma_semaphore, #tpu.memory_space<semaphore_mem>>) src(%dma_wait3A_28 : memref<640x128xf32, #tpu.memory_space<hbm>>) dst(%arg7 : memref<640x128xf32, #tpu.memory_space<vmem>>)
        tpu.yield
      }) : () -> ()
      %barrier3A = arith.constant 0 : index
      tpu.barrier barrier_id(%barrier3A)
      %run_scoped3A = arith.constant 0 : i32
      "tpu.region"() ({
        %run_scoped3A_22 = tpu.sem_alloc : memref<!tpu.dma_semaphore, #tpu.memory_space<semaphore_mem>>
        %dma_start3A = arith.constant 0 : i32
        %dma_start3A_23 = arith.constant 0 : i32
        %dma_start3A_24 = tpu.memref_slice %arg7[%dma_start3A, %dma_start3A_23] : memref<640x128xf32, #tpu.memory_space<vmem>> -> memref<128x128xf32, #tpu.memory_space<vmem>>
        %dma_start3A_25 = arith.constant 0 : i32
        %dma_start3A_26 = tpu.memref_slice %arg8[%run_scoped3A, %dma_start3A_25] : memref<5x128xi32, #tpu.memory_space<vmem>> -> memref<1x128xi32, #tpu.memory_space<vmem>>
        %dma_start3A_27 = tpu.memref_squeeze %dma_start3A_26 : memref<1x128xi32, #tpu.memory_space<vmem>> -> memref<128xi32, #tpu.memory_space<vmem>>
        %dma_start3A_28 = arith.constant 0 : i32
        %dma_start3A_29 = arith.constant 0 : i32
        %dma_start3A_30 = tpu.memref_slice %arg9[%dma_start3A_28, %dma_start3A_29] : memref<384x128xf32, #tpu.memory_space<vmem_shared>> -> memref<384x128xf32, #tpu.memory_space<vmem_shared>>
        tpu.enqueue_indirect_dma source(%dma_start3A_24 : memref<128x128xf32, #tpu.memory_space<vmem>>) target(%dma_start3A_30 : memref<384x128xf32, #tpu.memory_space<vmem_shared>>) offsets(%dma_start3A_27 : memref<128xi32, #tpu.memory_space<vmem>>) semaphore(%run_scoped3A_22 : memref<!tpu.dma_semaphore, #tpu.memory_space<semaphore_mem>>) {add = true}
        %dma_wait3A = arith.constant 0 : i32
        %dma_wait3A_31 = arith.constant 0 : i32
        %dma_wait3A_32 = tpu.memref_slice %arg7[%dma_wait3A, %dma_wait3A_31] : memref<640x128xf32, #tpu.memory_space<vmem>> -> memref<128x128xf32, #tpu.memory_space<vmem>>
        %dma_wait3A_33 = arith.constant 0 : i32
        %dma_wait3A_34 = tpu.memref_slice %arg8[%run_scoped3A, %dma_wait3A_33] : memref<5x128xi32, #tpu.memory_space<vmem>> -> memref<1x128xi32, #tpu.memory_space<vmem>>
        %dma_wait3A_35 = tpu.memref_squeeze %dma_wait3A_34 : memref<1x128xi32, #tpu.memory_space<vmem>> -> memref<128xi32, #tpu.memory_space<vmem>>
        %dma_wait3A_36 = arith.constant 0 : i32
        %dma_wait3A_37 = arith.constant 0 : i32
        %dma_wait3A_38 = tpu.memref_slice %arg9[%dma_wait3A_36, %dma_wait3A_37] : memref<384x128xf32, #tpu.memory_space<vmem_shared>> -> memref<384x128xf32, #tpu.memory_space<vmem_shared>>
        tpu.wait_indirect_dma semaphore(%run_scoped3A_22 : memref<!tpu.dma_semaphore, #tpu.memory_space<semaphore_mem>>) src(%dma_wait3A_32 : memref<128x128xf32, #tpu.memory_space<vmem>>) dst(%dma_wait3A_38 : memref<384x128xf32, #tpu.memory_space<vmem_shared>>)
        tpu.yield
      }) : () -> ()
      %run_scoped3A_12 = arith.constant 1 : i32
      "tpu.region"() ({
        %run_scoped3A_22 = tpu.sem_alloc : memref<!tpu.dma_semaphore, #tpu.memory_space<semaphore_mem>>
        %dma_start3A = arith.constant 128 : i32
        %dma_start3A_23 = arith.constant 0 : i32
        %dma_start3A_24 = tpu.memref_slice %arg7[%dma_start3A, %dma_start3A_23] : memref<640x128xf32, #tpu.memory_space<vmem>> -> memref<128x128xf32, #tpu.memory_space<vmem>>
        %dma_start3A_25 = arith.constant 0 : i32
        %dma_start3A_26 = tpu.memref_slice %arg8[%run_scoped3A_12, %dma_start3A_25] : memref<5x128xi32, #tpu.memory_space<vmem>> -> memref<1x128xi32, #tpu.memory_space<vmem>>
        %dma_start3A_27 = tpu.memref_squeeze %dma_start3A_26 : memref<1x128xi32, #tpu.memory_space<vmem>> -> memref<128xi32, #tpu.memory_space<vmem>>
        %dma_start3A_28 = arith.constant 0 : i32
        %dma_start3A_29 = arith.constant 0 : i32
        %dma_start3A_30 = tpu.memref_slice %arg9[%dma_start3A_28, %dma_start3A_29] : memref<384x128xf32, #tpu.memory_space<vmem_shared>> -> memref<384x128xf32, #tpu.memory_space<vmem_shared>>
        tpu.enqueue_indirect_dma source(%dma_start3A_24 : memref<128x128xf32, #tpu.memory_space<vmem>>) target(%dma_start3A_30 : memref<384x128xf32, #tpu.memory_space<vmem_shared>>) offsets(%dma_start3A_27 : memref<128xi32, #tpu.memory_space<vmem>>) semaphore(%run_scoped3A_22 : memref<!tpu.dma_semaphore, #tpu.memory_space<semaphore_mem>>) {add = true}
        %dma_wait3A = arith.constant 128 : i32
        %dma_wait3A_31 = arith.constant 0 : i32
        %dma_wait3A_32 = tpu.memref_slice %arg7[%dma_wait3A, %dma_wait3A_31] : memref<640x128xf32, #tpu.memory_space<vmem>> -> memref<128x128xf32, #tpu.memory_space<vmem>>
        %dma_wait3A_33 = arith.constant 0 : i32
        %dma_wait3A_34 = tpu.memref_slice %arg8[%run_scoped3A_12, %dma_wait3A_33] : memref<5x128xi32, #tpu.memory_space<vmem>> -> memref<1x128xi32, #tpu.memory_space<vmem>>
        %dma_wait3A_35 = tpu.memref_squeeze %dma_wait3A_34 : memref<1x128xi32, #tpu.memory_space<vmem>> -> memref<128xi32, #tpu.memory_space<vmem>>
        %dma_wait3A_36 = arith.constant 0 : i32
        %dma_wait3A_37 = arith.constant 0 : i32
        %dma_wait3A_38 = tpu.memref_slice %arg9[%dma_wait3A_36, %dma_wait3A_37] : memref<384x128xf32, #tpu.memory_space<vmem_shared>> -> memref<384x128xf32, #tpu.memory_space<vmem_shared>>
        tpu.wait_indirect_dma semaphore(%run_scoped3A_22 : memref<!tpu.dma_semaphore, #tpu.memory_space<semaphore_mem>>) src(%dma_wait3A_32 : memref<128x128xf32, #tpu.memory_space<vmem>>) dst(%dma_wait3A_38 : memref<384x128xf32, #tpu.memory_space<vmem_shared>>)
        tpu.yield
      }) : () -> ()
      %run_scoped3A_13 = arith.constant 2 : i32
      "tpu.region"() ({
        %run_scoped3A_22 = tpu.sem_alloc : memref<!tpu.dma_semaphore, #tpu.memory_space<semaphore_mem>>
        %dma_start3A = arith.constant 256 : i32
        %dma_start3A_23 = arith.constant 0 : i32
        %dma_start3A_24 = tpu.memref_slice %arg7[%dma_start3A, %dma_start3A_23] : memref<640x128xf32, #tpu.memory_space<vmem>> -> memref<128x128xf32, #tpu.memory_space<vmem>>
        %dma_start3A_25 = arith.constant 0 : i32
        %dma_start3A_26 = tpu.memref_slice %arg8[%run_scoped3A_13, %dma_start3A_25] : memref<5x128xi32, #tpu.memory_space<vmem>> -> memref<1x128xi32, #tpu.memory_space<vmem>>
        %dma_start3A_27 = tpu.memref_squeeze %dma_start3A_26 : memref<1x128xi32, #tpu.memory_space<vmem>> -> memref<128xi32, #tpu.memory_space<vmem>>
        %dma_start3A_28 = arith.constant 0 : i32
        %dma_start3A_29 = arith.constant 0 : i32
        %dma_start3A_30 = tpu.memref_slice %arg9[%dma_start3A_28, %dma_start3A_29] : memref<384x128xf32, #tpu.memory_space<vmem_shared>> -> memref<384x128xf32, #tpu.memory_space<vmem_shared>>
        tpu.enqueue_indirect_dma source(%dma_start3A_24 : memref<128x128xf32, #tpu.memory_space<vmem>>) target(%dma_start3A_30 : memref<384x128xf32, #tpu.memory_space<vmem_shared>>) offsets(%dma_start3A_27 : memref<128xi32, #tpu.memory_space<vmem>>) semaphore(%run_scoped3A_22 : memref<!tpu.dma_semaphore, #tpu.memory_space<semaphore_mem>>) {add = true}
        %dma_wait3A = arith.constant 256 : i32
        %dma_wait3A_31 = arith.constant 0 : i32
        %dma_wait3A_32 = tpu.memref_slice %arg7[%dma_wait3A, %dma_wait3A_31] : memref<640x128xf32, #tpu.memory_space<vmem>> -> memref<128x128xf32, #tpu.memory_space<vmem>>
        %dma_wait3A_33 = arith.constant 0 : i32
        %dma_wait3A_34 = tpu.memref_slice %arg8[%run_scoped3A_13, %dma_wait3A_33] : memref<5x128xi32, #tpu.memory_space<vmem>> -> memref<1x128xi32, #tpu.memory_space<vmem>>
        %dma_wait3A_35 = tpu.memref_squeeze %dma_wait3A_34 : memref<1x128xi32, #tpu.memory_space<vmem>> -> memref<128xi32, #tpu.memory_space<vmem>>
        %dma_wait3A_36 = arith.constant 0 : i32
        %dma_wait3A_37 = arith.constant 0 : i32
        %dma_wait3A_38 = tpu.memref_slice %arg9[%dma_wait3A_36, %dma_wait3A_37] : memref<384x128xf32, #tpu.memory_space<vmem_shared>> -> memref<384x128xf32, #tpu.memory_space<vmem_shared>>
        tpu.wait_indirect_dma semaphore(%run_scoped3A_22 : memref<!tpu.dma_semaphore, #tpu.memory_space<semaphore_mem>>) src(%dma_wait3A_32 : memref<128x128xf32, #tpu.memory_space<vmem>>) dst(%dma_wait3A_38 : memref<384x128xf32, #tpu.memory_space<vmem_shared>>)
        tpu.yield
      }) : () -> ()
      %run_scoped3A_14 = arith.constant 3 : i32
      "tpu.region"() ({
        %run_scoped3A_22 = tpu.sem_alloc : memref<!tpu.dma_semaphore, #tpu.memory_space<semaphore_mem>>
        %dma_start3A = arith.constant 384 : i32
        %dma_start3A_23 = arith.constant 0 : i32
        %dma_start3A_24 = tpu.memref_slice %arg7[%dma_start3A, %dma_start3A_23] : memref<640x128xf32, #tpu.memory_space<vmem>> -> memref<128x128xf32, #tpu.memory_space<vmem>>
        %dma_start3A_25 = arith.constant 0 : i32
        %dma_start3A_26 = tpu.memref_slice %arg8[%run_scoped3A_14, %dma_start3A_25] : memref<5x128xi32, #tpu.memory_space<vmem>> -> memref<1x128xi32, #tpu.memory_space<vmem>>
        %dma_start3A_27 = tpu.memref_squeeze %dma_start3A_26 : memref<1x128xi32, #tpu.memory_space<vmem>> -> memref<128xi32, #tpu.memory_space<vmem>>
        %dma_start3A_28 = arith.constant 0 : i32
        %dma_start3A_29 = arith.constant 0 : i32
        %dma_start3A_30 = tpu.memref_slice %arg9[%dma_start3A_28, %dma_start3A_29] : memref<384x128xf32, #tpu.memory_space<vmem_shared>> -> memref<384x128xf32, #tpu.memory_space<vmem_shared>>
        tpu.enqueue_indirect_dma source(%dma_start3A_24 : memref<128x128xf32, #tpu.memory_space<vmem>>) target(%dma_start3A_30 : memref<384x128xf32, #tpu.memory_space<vmem_shared>>) offsets(%dma_start3A_27 : memref<128xi32, #tpu.memory_space<vmem>>) semaphore(%run_scoped3A_22 : memref<!tpu.dma_semaphore, #tpu.memory_space<semaphore_mem>>) {add = true}
        %dma_wait3A = arith.constant 384 : i32
        %dma_wait3A_31 = arith.constant 0 : i32
        %dma_wait3A_32 = tpu.memref_slice %arg7[%dma_wait3A, %dma_wait3A_31] : memref<640x128xf32, #tpu.memory_space<vmem>> -> memref<128x128xf32, #tpu.memory_space<vmem>>
        %dma_wait3A_33 = arith.constant 0 : i32
        %dma_wait3A_34 = tpu.memref_slice %arg8[%run_scoped3A_14, %dma_wait3A_33] : memref<5x128xi32, #tpu.memory_space<vmem>> -> memref<1x128xi32, #tpu.memory_space<vmem>>
        %dma_wait3A_35 = tpu.memref_squeeze %dma_wait3A_34 : memref<1x128xi32, #tpu.memory_space<vmem>> -> memref<128xi32, #tpu.memory_space<vmem>>
        %dma_wait3A_36 = arith.constant 0 : i32
        %dma_wait3A_37 = arith.constant 0 : i32
        %dma_wait3A_38 = tpu.memref_slice %arg9[%dma_wait3A_36, %dma_wait3A_37] : memref<384x128xf32, #tpu.memory_space<vmem_shared>> -> memref<384x128xf32, #tpu.memory_space<vmem_shared>>
        tpu.wait_indirect_dma semaphore(%run_scoped3A_22 : memref<!tpu.dma_semaphore, #tpu.memory_space<semaphore_mem>>) src(%dma_wait3A_32 : memref<128x128xf32, #tpu.memory_space<vmem>>) dst(%dma_wait3A_38 : memref<384x128xf32, #tpu.memory_space<vmem_shared>>)
        tpu.yield
      }) : () -> ()
      %run_scoped3A_15 = arith.constant 4 : i32
      "tpu.region"() ({
        %run_scoped3A_22 = tpu.sem_alloc : memref<!tpu.dma_semaphore, #tpu.memory_space<semaphore_mem>>
        %dma_start3A = arith.constant 512 : i32
        %dma_start3A_23 = arith.constant 0 : i32
        %dma_start3A_24 = tpu.memref_slice %arg7[%dma_start3A, %dma_start3A_23] : memref<640x128xf32, #tpu.memory_space<vmem>> -> memref<128x128xf32, #tpu.memory_space<vmem>>
        %dma_start3A_25 = arith.constant 0 : i32
        %dma_start3A_26 = tpu.memref_slice %arg8[%run_scoped3A_15, %dma_start3A_25] : memref<5x128xi32, #tpu.memory_space<vmem>> -> memref<1x128xi32, #tpu.memory_space<vmem>>
        %dma_start3A_27 = tpu.memref_squeeze %dma_start3A_26 : memref<1x128xi32, #tpu.memory_space<vmem>> -> memref<128xi32, #tpu.memory_space<vmem>>
        %dma_start3A_28 = arith.constant 0 : i32
        %dma_start3A_29 = arith.constant 0 : i32
        %dma_start3A_30 = tpu.memref_slice %arg9[%dma_start3A_28, %dma_start3A_29] : memref<384x128xf32, #tpu.memory_space<vmem_shared>> -> memref<384x128xf32, #tpu.memory_space<vmem_shared>>
        tpu.enqueue_indirect_dma source(%dma_start3A_24 : memref<128x128xf32, #tpu.memory_space<vmem>>) target(%dma_start3A_30 : memref<384x128xf32, #tpu.memory_space<vmem_shared>>) offsets(%dma_start3A_27 : memref<128xi32, #tpu.memory_space<vmem>>) semaphore(%run_scoped3A_22 : memref<!tpu.dma_semaphore, #tpu.memory_space<semaphore_mem>>) {add = true}
        %dma_wait3A = arith.constant 512 : i32
        %dma_wait3A_31 = arith.constant 0 : i32
        %dma_wait3A_32 = tpu.memref_slice %arg7[%dma_wait3A, %dma_wait3A_31] : memref<640x128xf32, #tpu.memory_space<vmem>> -> memref<128x128xf32, #tpu.memory_space<vmem>>
        %dma_wait3A_33 = arith.constant 0 : i32
        %dma_wait3A_34 = tpu.memref_slice %arg8[%run_scoped3A_15, %dma_wait3A_33] : memref<5x128xi32, #tpu.memory_space<vmem>> -> memref<1x128xi32, #tpu.memory_space<vmem>>
        %dma_wait3A_35 = tpu.memref_squeeze %dma_wait3A_34 : memref<1x128xi32, #tpu.memory_space<vmem>> -> memref<128xi32, #tpu.memory_space<vmem>>
        %dma_wait3A_36 = arith.constant 0 : i32
        %dma_wait3A_37 = arith.constant 0 : i32
        %dma_wait3A_38 = tpu.memref_slice %arg9[%dma_wait3A_36, %dma_wait3A_37] : memref<384x128xf32, #tpu.memory_space<vmem_shared>> -> memref<384x128xf32, #tpu.memory_space<vmem_shared>>
        tpu.wait_indirect_dma semaphore(%run_scoped3A_22 : memref<!tpu.dma_semaphore, #tpu.memory_space<semaphore_mem>>) src(%dma_wait3A_32 : memref<128x128xf32, #tpu.memory_space<vmem>>) dst(%dma_wait3A_38 : memref<384x128xf32, #tpu.memory_space<vmem_shared>>)
        tpu.yield
      }) : () -> ()
      %barrier3A_16 = arith.constant 0 : index
      tpu.barrier barrier_id(%barrier3A_16)
      %mul3A_17 = arith.constant 24 : i32
      %mul3A_18 = arith.muli %arg1, %mul3A_17 : i32
      %mul3A_19 = arith.constant 24 : i32
      %mul3A_20 = arith.muli %arg1, %mul3A_19 : i32
      %run_scoped3A_21 = arith.constant 0 : i32
      "tpu.region"() ({
        %run_scoped3A_22 = tpu.sem_alloc : memref<!tpu.dma_semaphore, #tpu.memory_space<semaphore_mem>>
        %dma_start3A = arith.constant 0 : i32
        %dma_start3A_23 = arith.constant 0 : i32
        %dma_start3A_24 = tpu.memref_slice %arg6[%run_scoped3A_21, %dma_start3A, %dma_start3A_23] : memref<2x384x128xf32, #tpu.memory_space<hbm>> -> memref<1x384x128xf32, #tpu.memory_space<hbm>>
        %dma_start3A_25 = tpu.memref_squeeze %dma_start3A_24 : memref<1x384x128xf32, #tpu.memory_space<hbm>> -> memref<384x128xf32, #tpu.memory_space<hbm>>
        %dma_start3A_26 = arith.constant 0 : i32
        %dma_start3A_27 = tpu.memref_slice %dma_start3A_25[%mul3A_20, %dma_start3A_26] : memref<384x128xf32, #tpu.memory_space<hbm>> -> memref<24x128xf32, #tpu.memory_space<hbm>>
        %dma_start3A_28 = arith.constant 0 : i32
        %dma_start3A_29 = tpu.memref_slice %arg9[%mul3A_18, %dma_start3A_28] : memref<384x128xf32, #tpu.memory_space<vmem_shared>> -> memref<24x128xf32, #tpu.memory_space<vmem_shared>>
        tpu.enqueue_dma source(%dma_start3A_29 : memref<24x128xf32, #tpu.memory_space<vmem_shared>>) target(%dma_start3A_27 : memref<24x128xf32, #tpu.memory_space<hbm>>) target_semaphore(%run_scoped3A_22 : memref<!tpu.dma_semaphore, #tpu.memory_space<semaphore_mem>>)
        %dma_wait3A = arith.constant 0 : i32
        %dma_wait3A_30 = arith.constant 0 : i32
        %dma_wait3A_31 = tpu.memref_slice %arg6[%run_scoped3A_21, %dma_wait3A, %dma_wait3A_30] : memref<2x384x128xf32, #tpu.memory_space<hbm>> -> memref<1x384x128xf32, #tpu.memory_space<hbm>>
        %dma_wait3A_32 = tpu.memref_squeeze %dma_wait3A_31 : memref<1x384x128xf32, #tpu.memory_space<hbm>> -> memref<384x128xf32, #tpu.memory_space<hbm>>
        %dma_wait3A_33 = arith.constant 0 : i32
        %dma_wait3A_34 = tpu.memref_slice %dma_wait3A_32[%mul3A_20, %dma_wait3A_33] : memref<384x128xf32, #tpu.memory_space<hbm>> -> memref<24x128xf32, #tpu.memory_space<hbm>>
        %dma_wait3A_35 = arith.constant 0 : i32
        %dma_wait3A_36 = tpu.memref_slice %arg9[%mul3A_18, %dma_wait3A_35] : memref<384x128xf32, #tpu.memory_space<vmem_shared>> -> memref<24x128xf32, #tpu.memory_space<vmem_shared>>
        tpu.wait_dma2 semaphore(%run_scoped3A_22 : memref<!tpu.dma_semaphore, #tpu.memory_space<semaphore_mem>>) src(%dma_wait3A_36 : memref<24x128xf32, #tpu.memory_space<vmem_shared>>) dst(%dma_wait3A_34 : memref<24x128xf32, #tpu.memory_space<hbm>>)
        tpu.yield
      }) : () -> ()
    } else {
    }
    %eq3A_2 = arith.constant 1 : i32
    %eq3A_3 = arith.cmpi eq, %arg0, %eq3A_2 : i32
    %convert_element_type3A_4 = arith.extui %eq3A_3 : i1 to i32
    %cond3A_5 = arith.constant 0 : i32
    %cond3A_6 = arith.cmpi ne, %convert_element_type3A_4, %cond3A_5 : i32
    scf.if %cond3A_6 {
      %mul3A = arith.constant 24 : i32
      %mul3A_7 = arith.muli %arg1, %mul3A : i32
      %mul3A_8 = arith.constant 24 : i32
      %mul3A_9 = arith.muli %arg1, %mul3A_8 : i32
      "tpu.region"() ({
        %run_scoped3A_22 = tpu.sem_alloc : memref<!tpu.dma_semaphore, #tpu.memory_space<semaphore_mem>>
        %dma_start3A = arith.constant 0 : i32
        %dma_start3A_23 = tpu.memref_slice %arg9[%mul3A_9, %dma_start3A] : memref<384x128xf32, #tpu.memory_space<vmem_shared>> -> memref<24x128xf32, #tpu.memory_space<vmem_shared>>
        %dma_start3A_24 = arith.constant 0 : i32
        %dma_start3A_25 = tpu.memref_slice %arg5[%mul3A_7, %dma_start3A_24] : memref<384x128xf32, #tpu.memory_space<hbm>> -> memref<24x128xf32, #tpu.memory_space<hbm>>
        tpu.enqueue_dma source(%dma_start3A_25 : memref<24x128xf32, #tpu.memory_space<hbm>>) target(%dma_start3A_23 : memref<24x128xf32, #tpu.memory_space<vmem_shared>>) target_semaphore(%run_scoped3A_22 : memref<!tpu.dma_semaphore, #tpu.memory_space<semaphore_mem>>)
        %dma_wait3A = arith.constant 0 : i32
        %dma_wait3A_26 = tpu.memref_slice %arg9[%mul3A_9, %dma_wait3A] : memref<384x128xf32, #tpu.memory_space<vmem_shared>> -> memref<24x128xf32, #tpu.memory_space<vmem_shared>>
        %dma_wait3A_27 = arith.constant 0 : i32
        %dma_wait3A_28 = tpu.memref_slice %arg5[%mul3A_7, %dma_wait3A_27] : memref<384x128xf32, #tpu.memory_space<hbm>> -> memref<24x128xf32, #tpu.memory_space<hbm>>
        tpu.wait_dma2 semaphore(%run_scoped3A_22 : memref<!tpu.dma_semaphore, #tpu.memory_space<semaphore_mem>>) src(%dma_wait3A_28 : memref<24x128xf32, #tpu.memory_space<hbm>>) dst(%dma_wait3A_26 : memref<24x128xf32, #tpu.memory_space<vmem_shared>>)
        tpu.yield
      }) : () -> ()
      %mul3A_10 = arith.constant 640 : i32
      %mul3A_11 = arith.muli %arg1, %mul3A_10 : i32
      "tpu.region"() ({
        %run_scoped3A_22 = tpu.sem_alloc : memref<!tpu.dma_semaphore, #tpu.memory_space<semaphore_mem>>
        %dma_start3A = arith.constant 0 : i32
        %dma_start3A_23 = tpu.memref_slice %arg3[%mul3A_11, %dma_start3A] : memref<10240x128xf32, #tpu.memory_space<hbm>> -> memref<640x128xf32, #tpu.memory_space<hbm>>
        %dma_start3A_24 = arith.constant 0 : i32
        %dma_start3A_25 = tpu.memref_slice %arg3[%mul3A_11, %dma_start3A_24] : memref<10240x128xf32, #tpu.memory_space<hbm>> -> memref<640x128xf32, #tpu.memory_space<hbm>>
        tpu.enqueue_dma source(%dma_start3A_25 : memref<640x128xf32, #tpu.memory_space<hbm>>) target(%arg7 : memref<640x128xf32, #tpu.memory_space<vmem>>) target_semaphore(%run_scoped3A_22 : memref<!tpu.dma_semaphore, #tpu.memory_space<semaphore_mem>>)
        %dma_wait3A = arith.constant 0 : i32
        %dma_wait3A_26 = tpu.memref_slice %arg3[%mul3A_11, %dma_wait3A] : memref<10240x128xf32, #tpu.memory_space<hbm>> -> memref<640x128xf32, #tpu.memory_space<hbm>>
        %dma_wait3A_27 = arith.constant 0 : i32
        %dma_wait3A_28 = tpu.memref_slice %arg3[%mul3A_11, %dma_wait3A_27] : memref<10240x128xf32, #tpu.memory_space<hbm>> -> memref<640x128xf32, #tpu.memory_space<hbm>>
        tpu.wait_dma2 semaphore(%run_scoped3A_22 : memref<!tpu.dma_semaphore, #tpu.memory_space<semaphore_mem>>) src(%dma_wait3A_28 : memref<640x128xf32, #tpu.memory_space<hbm>>) dst(%arg7 : memref<640x128xf32, #tpu.memory_space<vmem>>)
        tpu.yield
      }) : () -> ()
      %barrier3A = arith.constant 0 : index
      tpu.barrier barrier_id(%barrier3A)
      %run_scoped3A = arith.constant 0 : i32
      "tpu.region"() ({
        %run_scoped3A_22 = tpu.sem_alloc : memref<!tpu.dma_semaphore, #tpu.memory_space<semaphore_mem>>
        %dma_start3A = arith.constant 0 : i32
        %dma_start3A_23 = arith.constant 0 : i32
        %dma_start3A_24 = tpu.memref_slice %arg7[%dma_start3A, %dma_start3A_23] : memref<640x128xf32, #tpu.memory_space<vmem>> -> memref<128x128xf32, #tpu.memory_space<vmem>>
        %dma_start3A_25 = arith.constant 0 : i32
        %dma_start3A_26 = tpu.memref_slice %arg8[%run_scoped3A, %dma_start3A_25] : memref<5x128xi32, #tpu.memory_space<vmem>> -> memref<1x128xi32, #tpu.memory_space<vmem>>
        %dma_start3A_27 = tpu.memref_squeeze %dma_start3A_26 : memref<1x128xi32, #tpu.memory_space<vmem>> -> memref<128xi32, #tpu.memory_space<vmem>>
        %dma_start3A_28 = arith.constant 0 : i32
        %dma_start3A_29 = arith.constant 0 : i32
        %dma_start3A_30 = tpu.memref_slice %arg9[%dma_start3A_28, %dma_start3A_29] : memref<384x128xf32, #tpu.memory_space<vmem_shared>> -> memref<384x128xf32, #tpu.memory_space<vmem_shared>>
        tpu.enqueue_indirect_dma source(%dma_start3A_24 : memref<128x128xf32, #tpu.memory_space<vmem>>) target(%dma_start3A_30 : memref<384x128xf32, #tpu.memory_space<vmem_shared>>) offsets(%dma_start3A_27 : memref<128xi32, #tpu.memory_space<vmem>>) semaphore(%run_scoped3A_22 : memref<!tpu.dma_semaphore, #tpu.memory_space<semaphore_mem>>) {add = true}
        %dma_wait3A = arith.constant 0 : i32
        %dma_wait3A_31 = arith.constant 0 : i32
        %dma_wait3A_32 = tpu.memref_slice %arg7[%dma_wait3A, %dma_wait3A_31] : memref<640x128xf32, #tpu.memory_space<vmem>> -> memref<128x128xf32, #tpu.memory_space<vmem>>
        %dma_wait3A_33 = arith.constant 0 : i32
        %dma_wait3A_34 = tpu.memref_slice %arg8[%run_scoped3A, %dma_wait3A_33] : memref<5x128xi32, #tpu.memory_space<vmem>> -> memref<1x128xi32, #tpu.memory_space<vmem>>
        %dma_wait3A_35 = tpu.memref_squeeze %dma_wait3A_34 : memref<1x128xi32, #tpu.memory_space<vmem>> -> memref<128xi32, #tpu.memory_space<vmem>>
        %dma_wait3A_36 = arith.constant 0 : i32
        %dma_wait3A_37 = arith.constant 0 : i32
        %dma_wait3A_38 = tpu.memref_slice %arg9[%dma_wait3A_36, %dma_wait3A_37] : memref<384x128xf32, #tpu.memory_space<vmem_shared>> -> memref<384x128xf32, #tpu.memory_space<vmem_shared>>
        tpu.wait_indirect_dma semaphore(%run_scoped3A_22 : memref<!tpu.dma_semaphore, #tpu.memory_space<semaphore_mem>>) src(%dma_wait3A_32 : memref<128x128xf32, #tpu.memory_space<vmem>>) dst(%dma_wait3A_38 : memref<384x128xf32, #tpu.memory_space<vmem_shared>>)
        tpu.yield
      }) : () -> ()
      %run_scoped3A_12 = arith.constant 1 : i32
      "tpu.region"() ({
        %run_scoped3A_22 = tpu.sem_alloc : memref<!tpu.dma_semaphore, #tpu.memory_space<semaphore_mem>>
        %dma_start3A = arith.constant 128 : i32
        %dma_start3A_23 = arith.constant 0 : i32
        %dma_start3A_24 = tpu.memref_slice %arg7[%dma_start3A, %dma_start3A_23] : memref<640x128xf32, #tpu.memory_space<vmem>> -> memref<128x128xf32, #tpu.memory_space<vmem>>
        %dma_start3A_25 = arith.constant 0 : i32
        %dma_start3A_26 = tpu.memref_slice %arg8[%run_scoped3A_12, %dma_start3A_25] : memref<5x128xi32, #tpu.memory_space<vmem>> -> memref<1x128xi32, #tpu.memory_space<vmem>>
        %dma_start3A_27 = tpu.memref_squeeze %dma_start3A_26 : memref<1x128xi32, #tpu.memory_space<vmem>> -> memref<128xi32, #tpu.memory_space<vmem>>
        %dma_start3A_28 = arith.constant 0 : i32
        %dma_start3A_29 = arith.constant 0 : i32
        %dma_start3A_30 = tpu.memref_slice %arg9[%dma_start3A_28, %dma_start3A_29] : memref<384x128xf32, #tpu.memory_space<vmem_shared>> -> memref<384x128xf32, #tpu.memory_space<vmem_shared>>
        tpu.enqueue_indirect_dma source(%dma_start3A_24 : memref<128x128xf32, #tpu.memory_space<vmem>>) target(%dma_start3A_30 : memref<384x128xf32, #tpu.memory_space<vmem_shared>>) offsets(%dma_start3A_27 : memref<128xi32, #tpu.memory_space<vmem>>) semaphore(%run_scoped3A_22 : memref<!tpu.dma_semaphore, #tpu.memory_space<semaphore_mem>>) {add = true}
        %dma_wait3A = arith.constant 128 : i32
        %dma_wait3A_31 = arith.constant 0 : i32
        %dma_wait3A_32 = tpu.memref_slice %arg7[%dma_wait3A, %dma_wait3A_31] : memref<640x128xf32, #tpu.memory_space<vmem>> -> memref<128x128xf32, #tpu.memory_space<vmem>>
        %dma_wait3A_33 = arith.constant 0 : i32
        %dma_wait3A_34 = tpu.memref_slice %arg8[%run_scoped3A_12, %dma_wait3A_33] : memref<5x128xi32, #tpu.memory_space<vmem>> -> memref<1x128xi32, #tpu.memory_space<vmem>>
        %dma_wait3A_35 = tpu.memref_squeeze %dma_wait3A_34 : memref<1x128xi32, #tpu.memory_space<vmem>> -> memref<128xi32, #tpu.memory_space<vmem>>
        %dma_wait3A_36 = arith.constant 0 : i32
        %dma_wait3A_37 = arith.constant 0 : i32
        %dma_wait3A_38 = tpu.memref_slice %arg9[%dma_wait3A_36, %dma_wait3A_37] : memref<384x128xf32, #tpu.memory_space<vmem_shared>> -> memref<384x128xf32, #tpu.memory_space<vmem_shared>>
        tpu.wait_indirect_dma semaphore(%run_scoped3A_22 : memref<!tpu.dma_semaphore, #tpu.memory_space<semaphore_mem>>) src(%dma_wait3A_32 : memref<128x128xf32, #tpu.memory_space<vmem>>) dst(%dma_wait3A_38 : memref<384x128xf32, #tpu.memory_space<vmem_shared>>)
        tpu.yield
      }) : () -> ()
      %run_scoped3A_13 = arith.constant 2 : i32
      "tpu.region"() ({
        %run_scoped3A_22 = tpu.sem_alloc : memref<!tpu.dma_semaphore, #tpu.memory_space<semaphore_mem>>
        %dma_start3A = arith.constant 256 : i32
        %dma_start3A_23 = arith.constant 0 : i32
        %dma_start3A_24 = tpu.memref_slice %arg7[%dma_start3A, %dma_start3A_23] : memref<640x128xf32, #tpu.memory_space<vmem>> -> memref<128x128xf32, #tpu.memory_space<vmem>>
        %dma_start3A_25 = arith.constant 0 : i32
        %dma_start3A_26 = tpu.memref_slice %arg8[%run_scoped3A_13, %dma_start3A_25] : memref<5x128xi32, #tpu.memory_space<vmem>> -> memref<1x128xi32, #tpu.memory_space<vmem>>
        %dma_start3A_27 = tpu.memref_squeeze %dma_start3A_26 : memref<1x128xi32, #tpu.memory_space<vmem>> -> memref<128xi32, #tpu.memory_space<vmem>>
        %dma_start3A_28 = arith.constant 0 : i32
        %dma_start3A_29 = arith.constant 0 : i32
        %dma_start3A_30 = tpu.memref_slice %arg9[%dma_start3A_28, %dma_start3A_29] : memref<384x128xf32, #tpu.memory_space<vmem_shared>> -> memref<384x128xf32, #tpu.memory_space<vmem_shared>>
        tpu.enqueue_indirect_dma source(%dma_start3A_24 : memref<128x128xf32, #tpu.memory_space<vmem>>) target(%dma_start3A_30 : memref<384x128xf32, #tpu.memory_space<vmem_shared>>) offsets(%dma_start3A_27 : memref<128xi32, #tpu.memory_space<vmem>>) semaphore(%run_scoped3A_22 : memref<!tpu.dma_semaphore, #tpu.memory_space<semaphore_mem>>) {add = true}
        %dma_wait3A = arith.constant 256 : i32
        %dma_wait3A_31 = arith.constant 0 : i32
        %dma_wait3A_32 = tpu.memref_slice %arg7[%dma_wait3A, %dma_wait3A_31] : memref<640x128xf32, #tpu.memory_space<vmem>> -> memref<128x128xf32, #tpu.memory_space<vmem>>
        %dma_wait3A_33 = arith.constant 0 : i32
        %dma_wait3A_34 = tpu.memref_slice %arg8[%run_scoped3A_13, %dma_wait3A_33] : memref<5x128xi32, #tpu.memory_space<vmem>> -> memref<1x128xi32, #tpu.memory_space<vmem>>
        %dma_wait3A_35 = tpu.memref_squeeze %dma_wait3A_34 : memref<1x128xi32, #tpu.memory_space<vmem>> -> memref<128xi32, #tpu.memory_space<vmem>>
        %dma_wait3A_36 = arith.constant 0 : i32
        %dma_wait3A_37 = arith.constant 0 : i32
        %dma_wait3A_38 = tpu.memref_slice %arg9[%dma_wait3A_36, %dma_wait3A_37] : memref<384x128xf32, #tpu.memory_space<vmem_shared>> -> memref<384x128xf32, #tpu.memory_space<vmem_shared>>
        tpu.wait_indirect_dma semaphore(%run_scoped3A_22 : memref<!tpu.dma_semaphore, #tpu.memory_space<semaphore_mem>>) src(%dma_wait3A_32 : memref<128x128xf32, #tpu.memory_space<vmem>>) dst(%dma_wait3A_38 : memref<384x128xf32, #tpu.memory_space<vmem_shared>>)
        tpu.yield
      }) : () -> ()
      %run_scoped3A_14 = arith.constant 3 : i32
      "tpu.region"() ({
        %run_scoped3A_22 = tpu.sem_alloc : memref<!tpu.dma_semaphore, #tpu.memory_space<semaphore_mem>>
        %dma_start3A = arith.constant 384 : i32
        %dma_start3A_23 = arith.constant 0 : i32
        %dma_start3A_24 = tpu.memref_slice %arg7[%dma_start3A, %dma_start3A_23] : memref<640x128xf32, #tpu.memory_space<vmem>> -> memref<128x128xf32, #tpu.memory_space<vmem>>
        %dma_start3A_25 = arith.constant 0 : i32
        %dma_start3A_26 = tpu.memref_slice %arg8[%run_scoped3A_14, %dma_start3A_25] : memref<5x128xi32, #tpu.memory_space<vmem>> -> memref<1x128xi32, #tpu.memory_space<vmem>>
        %dma_start3A_27 = tpu.memref_squeeze %dma_start3A_26 : memref<1x128xi32, #tpu.memory_space<vmem>> -> memref<128xi32, #tpu.memory_space<vmem>>
        %dma_start3A_28 = arith.constant 0 : i32
        %dma_start3A_29 = arith.constant 0 : i32
        %dma_start3A_30 = tpu.memref_slice %arg9[%dma_start3A_28, %dma_start3A_29] : memref<384x128xf32, #tpu.memory_space<vmem_shared>> -> memref<384x128xf32, #tpu.memory_space<vmem_shared>>
        tpu.enqueue_indirect_dma source(%dma_start3A_24 : memref<128x128xf32, #tpu.memory_space<vmem>>) target(%dma_start3A_30 : memref<384x128xf32, #tpu.memory_space<vmem_shared>>) offsets(%dma_start3A_27 : memref<128xi32, #tpu.memory_space<vmem>>) semaphore(%run_scoped3A_22 : memref<!tpu.dma_semaphore, #tpu.memory_space<semaphore_mem>>) {add = true}
        %dma_wait3A = arith.constant 384 : i32
        %dma_wait3A_31 = arith.constant 0 : i32
        %dma_wait3A_32 = tpu.memref_slice %arg7[%dma_wait3A, %dma_wait3A_31] : memref<640x128xf32, #tpu.memory_space<vmem>> -> memref<128x128xf32, #tpu.memory_space<vmem>>
        %dma_wait3A_33 = arith.constant 0 : i32
        %dma_wait3A_34 = tpu.memref_slice %arg8[%run_scoped3A_14, %dma_wait3A_33] : memref<5x128xi32, #tpu.memory_space<vmem>> -> memref<1x128xi32, #tpu.memory_space<vmem>>
        %dma_wait3A_35 = tpu.memref_squeeze %dma_wait3A_34 : memref<1x128xi32, #tpu.memory_space<vmem>> -> memref<128xi32, #tpu.memory_space<vmem>>
        %dma_wait3A_36 = arith.constant 0 : i32
        %dma_wait3A_37 = arith.constant 0 : i32
        %dma_wait3A_38 = tpu.memref_slice %arg9[%dma_wait3A_36, %dma_wait3A_37] : memref<384x128xf32, #tpu.memory_space<vmem_shared>> -> memref<384x128xf32, #tpu.memory_space<vmem_shared>>
        tpu.wait_indirect_dma semaphore(%run_scoped3A_22 : memref<!tpu.dma_semaphore, #tpu.memory_space<semaphore_mem>>) src(%dma_wait3A_32 : memref<128x128xf32, #tpu.memory_space<vmem>>) dst(%dma_wait3A_38 : memref<384x128xf32, #tpu.memory_space<vmem_shared>>)
        tpu.yield
      }) : () -> ()
      %run_scoped3A_15 = arith.constant 4 : i32
      "tpu.region"() ({
        %run_scoped3A_22 = tpu.sem_alloc : memref<!tpu.dma_semaphore, #tpu.memory_space<semaphore_mem>>
        %dma_start3A = arith.constant 512 : i32
        %dma_start3A_23 = arith.constant 0 : i32
        %dma_start3A_24 = tpu.memref_slice %arg7[%dma_start3A, %dma_start3A_23] : memref<640x128xf32, #tpu.memory_space<vmem>> -> memref<128x128xf32, #tpu.memory_space<vmem>>
        %dma_start3A_25 = arith.constant 0 : i32
        %dma_start3A_26 = tpu.memref_slice %arg8[%run_scoped3A_15, %dma_start3A_25] : memref<5x128xi32, #tpu.memory_space<vmem>> -> memref<1x128xi32, #tpu.memory_space<vmem>>
        %dma_start3A_27 = tpu.memref_squeeze %dma_start3A_26 : memref<1x128xi32, #tpu.memory_space<vmem>> -> memref<128xi32, #tpu.memory_space<vmem>>
        %dma_start3A_28 = arith.constant 0 : i32
        %dma_start3A_29 = arith.constant 0 : i32
        %dma_start3A_30 = tpu.memref_slice %arg9[%dma_start3A_28, %dma_start3A_29] : memref<384x128xf32, #tpu.memory_space<vmem_shared>> -> memref<384x128xf32, #tpu.memory_space<vmem_shared>>
        tpu.enqueue_indirect_dma source(%dma_start3A_24 : memref<128x128xf32, #tpu.memory_space<vmem>>) target(%dma_start3A_30 : memref<384x128xf32, #tpu.memory_space<vmem_shared>>) offsets(%dma_start3A_27 : memref<128xi32, #tpu.memory_space<vmem>>) semaphore(%run_scoped3A_22 : memref<!tpu.dma_semaphore, #tpu.memory_space<semaphore_mem>>) {add = true}
        %dma_wait3A = arith.constant 512 : i32
        %dma_wait3A_31 = arith.constant 0 : i32
        %dma_wait3A_32 = tpu.memref_slice %arg7[%dma_wait3A, %dma_wait3A_31] : memref<640x128xf32, #tpu.memory_space<vmem>> -> memref<128x128xf32, #tpu.memory_space<vmem>>
        %dma_wait3A_33 = arith.constant 0 : i32
        %dma_wait3A_34 = tpu.memref_slice %arg8[%run_scoped3A_15, %dma_wait3A_33] : memref<5x128xi32, #tpu.memory_space<vmem>> -> memref<1x128xi32, #tpu.memory_space<vmem>>
        %dma_wait3A_35 = tpu.memref_squeeze %dma_wait3A_34 : memref<1x128xi32, #tpu.memory_space<vmem>> -> memref<128xi32, #tpu.memory_space<vmem>>
        %dma_wait3A_36 = arith.constant 0 : i32
        %dma_wait3A_37 = arith.constant 0 : i32
        %dma_wait3A_38 = tpu.memref_slice %arg9[%dma_wait3A_36, %dma_wait3A_37] : memref<384x128xf32, #tpu.memory_space<vmem_shared>> -> memref<384x128xf32, #tpu.memory_space<vmem_shared>>
        tpu.wait_indirect_dma semaphore(%run_scoped3A_22 : memref<!tpu.dma_semaphore, #tpu.memory_space<semaphore_mem>>) src(%dma_wait3A_32 : memref<128x128xf32, #tpu.memory_space<vmem>>) dst(%dma_wait3A_38 : memref<384x128xf32, #tpu.memory_space<vmem_shared>>)
        tpu.yield
      }) : () -> ()
      %barrier3A_16 = arith.constant 0 : index
      tpu.barrier barrier_id(%barrier3A_16)
      %mul3A_17 = arith.constant 24 : i32
      %mul3A_18 = arith.muli %arg1, %mul3A_17 : i32
      %mul3A_19 = arith.constant 24 : i32
      %mul3A_20 = arith.muli %arg1, %mul3A_19 : i32
      %run_scoped3A_21 = arith.constant 1 : i32
      "tpu.region"() ({
        %run_scoped3A_22 = tpu.sem_alloc : memref<!tpu.dma_semaphore, #tpu.memory_space<semaphore_mem>>
        %dma_start3A = arith.constant 0 : i32
        %dma_start3A_23 = arith.constant 0 : i32
        %dma_start3A_24 = tpu.memref_slice %arg6[%run_scoped3A_21, %dma_start3A, %dma_start3A_23] : memref<2x384x128xf32, #tpu.memory_space<hbm>> -> memref<1x384x128xf32, #tpu.memory_space<hbm>>
        %dma_start3A_25 = tpu.memref_squeeze %dma_start3A_24 : memref<1x384x128xf32, #tpu.memory_space<hbm>> -> memref<384x128xf32, #tpu.memory_space<hbm>>
        %dma_start3A_26 = arith.constant 0 : i32
        %dma_start3A_27 = tpu.memref_slice %dma_start3A_25[%mul3A_20, %dma_start3A_26] : memref<384x128xf32, #tpu.memory_space<hbm>> -> memref<24x128xf32, #tpu.memory_space<hbm>>
        %dma_start3A_28 = arith.constant 0 : i32
        %dma_start3A_29 = tpu.memref_slice %arg9[%mul3A_18, %dma_start3A_28] : memref<384x128xf32, #tpu.memory_space<vmem_shared>> -> memref<24x128xf32, #tpu.memory_space<vmem_shared>>
        tpu.enqueue_dma source(%dma_start3A_29 : memref<24x128xf32, #tpu.memory_space<vmem_shared>>) target(%dma_start3A_27 : memref<24x128xf32, #tpu.memory_space<hbm>>) target_semaphore(%run_scoped3A_22 : memref<!tpu.dma_semaphore, #tpu.memory_space<semaphore_mem>>)
        %dma_wait3A = arith.constant 0 : i32
        %dma_wait3A_30 = arith.constant 0 : i32
        %dma_wait3A_31 = tpu.memref_slice %arg6[%run_scoped3A_21, %dma_wait3A, %dma_wait3A_30] : memref<2x384x128xf32, #tpu.memory_space<hbm>> -> memref<1x384x128xf32, #tpu.memory_space<hbm>>
        %dma_wait3A_32 = tpu.memref_squeeze %dma_wait3A_31 : memref<1x384x128xf32, #tpu.memory_space<hbm>> -> memref<384x128xf32, #tpu.memory_space<hbm>>
        %dma_wait3A_33 = arith.constant 0 : i32
        %dma_wait3A_34 = tpu.memref_slice %dma_wait3A_32[%mul3A_20, %dma_wait3A_33] : memref<384x128xf32, #tpu.memory_space<hbm>> -> memref<24x128xf32, #tpu.memory_space<hbm>>
        %dma_wait3A_35 = arith.constant 0 : i32
        %dma_wait3A_36 = tpu.memref_slice %arg9[%mul3A_18, %dma_wait3A_35] : memref<384x128xf32, #tpu.memory_space<vmem_shared>> -> memref<24x128xf32, #tpu.memory_space<vmem_shared>>
        tpu.wait_dma2 semaphore(%run_scoped3A_22 : memref<!tpu.dma_semaphore, #tpu.memory_space<semaphore_mem>>) src(%dma_wait3A_36 : memref<24x128xf32, #tpu.memory_space<vmem_shared>>) dst(%dma_wait3A_34 : memref<24x128xf32, #tpu.memory_space<hbm>>)
        tpu.yield
      }) : () -> ()
    } else {
    }
    return
  }
}

#map = affine_map<(d0, d1) -> (0, 0)>
module attributes {stable_mosaic.version = 14 : i64} {
  func.func @_agg2_body(%arg0: i32, %arg1: i32, %arg2: memref<10240x128xf32, #tpu.memory_space<hbm>>, %arg3: memref<10240x128xf32, #tpu.memory_space<hbm>>, %arg4: memref<2560x128xi32, #tpu.memory_space<hbm>>, %arg5: memref<2560x128xi32, #tpu.memory_space<hbm>>, %arg6: memref<10240x128xf32, #tpu.memory_space<hbm>>, %arg7: memref<10240x128xf32, #tpu.memory_space<hbm>>, %arg8: memref<40x128xi32, #tpu.memory_space<vmem>>, %arg9: memref<40x128xi32, #tpu.memory_space<vmem>>, %arg10: memref<128x128xf32, #tpu.memory_space<vmem>>, %arg11: memref<128x128xf32, #tpu.memory_space<vmem>>, %arg12: memref<10240x128xf32, #tpu.memory_space<vmem_shared>>, %arg13: memref<!tpu.dma_semaphore, #tpu.memory_space<semaphore_mem>>, %arg14: memref<!tpu.dma_semaphore, #tpu.memory_space<semaphore_mem>>, %arg15: memref<!tpu.dma_semaphore, #tpu.memory_space<semaphore_mem>>, %arg16: memref<!tpu.dma_semaphore, #tpu.memory_space<semaphore_mem>>) attributes {dimension_semantics = [#tpu.dimension_semantics<core_parallel>, #tpu.dimension_semantics<subcore_parallel>], iteration_bounds = array<i64: 2, 16>, scalar_prefetch = 0 : i64, scratch_operands = 9 : i64, tpu.core_type = #tpu.core_type<sc_vector_subcore>, window_params = [{transform_indices = #map}, {transform_indices = #map}, {transform_indices = #map}, {transform_indices = #map}, {transform_indices = #map}, {transform_indices = #map}]} {
    %mul3A = arith.constant 160 : i32
    %mul3A_0 = arith.muli %arg1, %mul3A : i32
    %eq3A = arith.constant 0 : i32
    %eq3A_1 = arith.cmpi eq, %arg0, %eq3A : i32
    %convert_element_type3A = arith.extui %eq3A_1 : i1 to i32
    %cond3A = arith.constant 0 : i32
    %cond3A_2 = arith.cmpi ne, %convert_element_type3A, %cond3A : i32
    scf.if %cond3A_2 {
      %mul3A_8 = arith.constant 640 : i32
      %mul3A_9 = arith.muli %arg1, %mul3A_8 : i32
      %mul3A_10 = arith.constant 640 : i32
      %mul3A_11 = arith.muli %arg1, %mul3A_10 : i32
      "tpu.region"() ({
        %run_scoped3A = tpu.sem_alloc : memref<!tpu.dma_semaphore, #tpu.memory_space<semaphore_mem>>
        %dma_start3A = arith.constant 0 : i32
        %dma_start3A_33 = tpu.memref_slice %arg12[%mul3A_11, %dma_start3A] : memref<10240x128xf32, #tpu.memory_space<vmem_shared>> -> memref<640x128xf32, #tpu.memory_space<vmem_shared>>
        %dma_start3A_34 = arith.constant 0 : i32
        %dma_start3A_35 = tpu.memref_slice %arg2[%mul3A_9, %dma_start3A_34] : memref<10240x128xf32, #tpu.memory_space<hbm>> -> memref<640x128xf32, #tpu.memory_space<hbm>>
        tpu.enqueue_dma source(%dma_start3A_35 : memref<640x128xf32, #tpu.memory_space<hbm>>) target(%dma_start3A_33 : memref<640x128xf32, #tpu.memory_space<vmem_shared>>) target_semaphore(%run_scoped3A : memref<!tpu.dma_semaphore, #tpu.memory_space<semaphore_mem>>)
        %dma_wait3A_36 = arith.constant 0 : i32
        %dma_wait3A_37 = tpu.memref_slice %arg12[%mul3A_11, %dma_wait3A_36] : memref<10240x128xf32, #tpu.memory_space<vmem_shared>> -> memref<640x128xf32, #tpu.memory_space<vmem_shared>>
        %dma_wait3A_38 = arith.constant 0 : i32
        %dma_wait3A_39 = tpu.memref_slice %arg2[%mul3A_9, %dma_wait3A_38] : memref<10240x128xf32, #tpu.memory_space<hbm>> -> memref<640x128xf32, #tpu.memory_space<hbm>>
        tpu.wait_dma2 semaphore(%run_scoped3A : memref<!tpu.dma_semaphore, #tpu.memory_space<semaphore_mem>>) src(%dma_wait3A_39 : memref<640x128xf32, #tpu.memory_space<hbm>>) dst(%dma_wait3A_37 : memref<640x128xf32, #tpu.memory_space<vmem_shared>>)
        tpu.yield
      }) : () -> ()
      %barrier3A = arith.constant 0 : index
      tpu.barrier barrier_id(%barrier3A)
      %scan3A = arith.constant 0 : i32
      %scan3A_12 = arith.constant 0 : i32
      %scan3A_13 = arith.constant 4 : i32
      %scan3A_14 = arith.addi %scan3A_12, %scan3A_13 : i32
      %scan3A_15 = arith.constant 1 : i32
      scf.for %scan3A_33 = %scan3A_12 to %scan3A_14 step %scan3A_15  : i32 {
        %mul3A_34 = arith.constant 40 : i32
        %mul3A_35 = arith.muli %scan3A_33, %mul3A_34 : i32
        %add3A = arith.addi %mul3A_0, %mul3A_35 : i32
        "tpu.region"() ({
          %run_scoped3A = tpu.sem_alloc : memref<!tpu.dma_semaphore, #tpu.memory_space<semaphore_mem>>
          %dma_start3A = arith.constant 0 : i32
          %dma_start3A_45 = tpu.memref_slice %arg4[%add3A, %dma_start3A] : memref<2560x128xi32, #tpu.memory_space<hbm>> -> memref<40x128xi32, #tpu.memory_space<hbm>>
          %dma_start3A_46 = arith.constant 0 : i32
          %dma_start3A_47 = tpu.memref_slice %arg4[%add3A, %dma_start3A_46] : memref<2560x128xi32, #tpu.memory_space<hbm>> -> memref<40x128xi32, #tpu.memory_space<hbm>>
          tpu.enqueue_dma source(%dma_start3A_47 : memref<40x128xi32, #tpu.memory_space<hbm>>) target(%arg8 : memref<40x128xi32, #tpu.memory_space<vmem>>) target_semaphore(%run_scoped3A : memref<!tpu.dma_semaphore, #tpu.memory_space<semaphore_mem>>)
          %dma_wait3A_48 = arith.constant 0 : i32
          %dma_wait3A_49 = tpu.memref_slice %arg4[%add3A, %dma_wait3A_48] : memref<2560x128xi32, #tpu.memory_space<hbm>> -> memref<40x128xi32, #tpu.memory_space<hbm>>
          %dma_wait3A_50 = arith.constant 0 : i32
          %dma_wait3A_51 = tpu.memref_slice %arg4[%add3A, %dma_wait3A_50] : memref<2560x128xi32, #tpu.memory_space<hbm>> -> memref<40x128xi32, #tpu.memory_space<hbm>>
          tpu.wait_dma2 semaphore(%run_scoped3A : memref<!tpu.dma_semaphore, #tpu.memory_space<semaphore_mem>>) src(%dma_wait3A_51 : memref<40x128xi32, #tpu.memory_space<hbm>>) dst(%arg8 : memref<40x128xi32, #tpu.memory_space<vmem>>)
          tpu.yield
        }) : () -> ()
        %mul3A_36 = arith.constant 40 : i32
        %mul3A_37 = arith.muli %scan3A_33, %mul3A_36 : i32
        %add3A_38 = arith.addi %mul3A_0, %mul3A_37 : i32
        "tpu.region"() ({
          %run_scoped3A = tpu.sem_alloc : memref<!tpu.dma_semaphore, #tpu.memory_space<semaphore_mem>>
          %dma_start3A = arith.constant 0 : i32
          %dma_start3A_45 = tpu.memref_slice %arg5[%add3A_38, %dma_start3A] : memref<2560x128xi32, #tpu.memory_space<hbm>> -> memref<40x128xi32, #tpu.memory_space<hbm>>
          %dma_start3A_46 = arith.constant 0 : i32
          %dma_start3A_47 = tpu.memref_slice %arg5[%add3A_38, %dma_start3A_46] : memref<2560x128xi32, #tpu.memory_space<hbm>> -> memref<40x128xi32, #tpu.memory_space<hbm>>
          tpu.enqueue_dma source(%dma_start3A_47 : memref<40x128xi32, #tpu.memory_space<hbm>>) target(%arg9 : memref<40x128xi32, #tpu.memory_space<vmem>>) target_semaphore(%run_scoped3A : memref<!tpu.dma_semaphore, #tpu.memory_space<semaphore_mem>>)
          %dma_wait3A_48 = arith.constant 0 : i32
          %dma_wait3A_49 = tpu.memref_slice %arg5[%add3A_38, %dma_wait3A_48] : memref<2560x128xi32, #tpu.memory_space<hbm>> -> memref<40x128xi32, #tpu.memory_space<hbm>>
          %dma_wait3A_50 = arith.constant 0 : i32
          %dma_wait3A_51 = tpu.memref_slice %arg5[%add3A_38, %dma_wait3A_50] : memref<2560x128xi32, #tpu.memory_space<hbm>> -> memref<40x128xi32, #tpu.memory_space<hbm>>
          tpu.wait_dma2 semaphore(%run_scoped3A : memref<!tpu.dma_semaphore, #tpu.memory_space<semaphore_mem>>) src(%dma_wait3A_51 : memref<40x128xi32, #tpu.memory_space<hbm>>) dst(%arg9 : memref<40x128xi32, #tpu.memory_space<vmem>>)
          tpu.yield
        }) : () -> ()
        %scan3A_39 = arith.constant 0 : i32
        %scan3A_40 = arith.constant 0 : i32
        %scan3A_41 = arith.constant 20 : i32
        %scan3A_42 = arith.addi %scan3A_40, %scan3A_41 : i32
        %scan3A_43 = arith.constant 1 : i32
        scf.for %scan3A_45 = %scan3A_40 to %scan3A_42 step %scan3A_43  : i32 {
          %mul3A_46 = arith.constant 2 : i32
          %mul3A_47 = arith.muli %scan3A_45, %mul3A_46 : i32
          %add3A_48 = arith.constant 1 : i32
          %add3A_49 = arith.addi %mul3A_47, %add3A_48 : i32
          %eq3A_50 = arith.constant 0 : i32
          %eq3A_51 = arith.cmpi eq, %scan3A_33, %eq3A_50 : i32
          %eq3A_52 = arith.constant 0 : i32
          %eq3A_53 = arith.cmpi eq, %scan3A_45, %eq3A_52 : i32
          %and3A = arith.andi %eq3A_51, %eq3A_53 : i1
          %not3A = arith.constant true
          %not3A_54 = arith.xori %and3A, %not3A : i1
          %convert_element_type3A_55 = arith.extui %not3A_54 : i1 to i32
          %cond3A_56 = arith.constant 0 : i32
          %cond3A_57 = arith.cmpi ne, %convert_element_type3A_55, %cond3A_56 : i32
          scf.if %cond3A_57 {
            %dma_wait3A_98 = arith.constant 0 : i32
            %dma_wait3A_99 = arith.constant 0 : i32
            %dma_wait3A_100 = tpu.memref_slice %arg2[%dma_wait3A_98, %dma_wait3A_99] : memref<10240x128xf32, #tpu.memory_space<hbm>> -> memref<128x128xf32, #tpu.memory_space<hbm>>
            %dma_wait3A_101 = arith.constant 0 : i32
            %dma_wait3A_102 = arith.constant 0 : i32
            %dma_wait3A_103 = tpu.memref_slice %arg2[%dma_wait3A_101, %dma_wait3A_102] : memref<10240x128xf32, #tpu.memory_space<hbm>> -> memref<128x128xf32, #tpu.memory_space<hbm>>
            tpu.wait_dma2 semaphore(%arg15 : memref<!tpu.dma_semaphore, #tpu.memory_space<semaphore_mem>>) src(%dma_wait3A_103 : memref<128x128xf32, #tpu.memory_space<hbm>>) dst(%arg10 : memref<128x128xf32, #tpu.memory_space<vmem>>)
          } else {
          }
          %dma_start3A = arith.constant 0 : i32
          %dma_start3A_58 = tpu.memref_slice %arg8[%mul3A_47, %dma_start3A] : memref<40x128xi32, #tpu.memory_space<vmem>> -> memref<1x128xi32, #tpu.memory_space<vmem>>
          %dma_start3A_59 = tpu.memref_squeeze %dma_start3A_58 : memref<1x128xi32, #tpu.memory_space<vmem>> -> memref<128xi32, #tpu.memory_space<vmem>>
          %dma_start3A_60 = arith.constant 0 : i32
          %dma_start3A_61 = arith.constant 0 : i32
          %dma_start3A_62 = tpu.memref_slice %arg2[%dma_start3A_60, %dma_start3A_61] : memref<10240x128xf32, #tpu.memory_space<hbm>> -> memref<10240x128xf32, #tpu.memory_space<hbm>>
          tpu.enqueue_indirect_dma source(%dma_start3A_62 : memref<10240x128xf32, #tpu.memory_space<hbm>>) target(%arg10 : memref<128x128xf32, #tpu.memory_space<vmem>>) offsets(%dma_start3A_59 : memref<128xi32, #tpu.memory_space<vmem>>) semaphore(%arg13 : memref<!tpu.dma_semaphore, #tpu.memory_space<semaphore_mem>>)
          %not3A_63 = arith.constant true
          %not3A_64 = arith.xori %and3A, %not3A_63 : i1
          %convert_element_type3A_65 = arith.extui %not3A_64 : i1 to i32
          %cond3A_66 = arith.constant 0 : i32
          %cond3A_67 = arith.cmpi ne, %convert_element_type3A_65, %cond3A_66 : i32
          scf.if %cond3A_67 {
            %dma_wait3A_98 = arith.constant 0 : i32
            %dma_wait3A_99 = arith.constant 0 : i32
            %dma_wait3A_100 = tpu.memref_slice %arg2[%dma_wait3A_98, %dma_wait3A_99] : memref<10240x128xf32, #tpu.memory_space<hbm>> -> memref<128x128xf32, #tpu.memory_space<hbm>>
            %dma_wait3A_101 = arith.constant 0 : i32
            %dma_wait3A_102 = arith.constant 0 : i32
            %dma_wait3A_103 = tpu.memref_slice %arg2[%dma_wait3A_101, %dma_wait3A_102] : memref<10240x128xf32, #tpu.memory_space<hbm>> -> memref<128x128xf32, #tpu.memory_space<hbm>>
            tpu.wait_dma2 semaphore(%arg16 : memref<!tpu.dma_semaphore, #tpu.memory_space<semaphore_mem>>) src(%dma_wait3A_103 : memref<128x128xf32, #tpu.memory_space<hbm>>) dst(%arg11 : memref<128x128xf32, #tpu.memory_space<vmem>>)
          } else {
          }
          %dma_start3A_68 = arith.constant 0 : i32
          %dma_start3A_69 = tpu.memref_slice %arg8[%add3A_49, %dma_start3A_68] : memref<40x128xi32, #tpu.memory_space<vmem>> -> memref<1x128xi32, #tpu.memory_space<vmem>>
          %dma_start3A_70 = tpu.memref_squeeze %dma_start3A_69 : memref<1x128xi32, #tpu.memory_space<vmem>> -> memref<128xi32, #tpu.memory_space<vmem>>
          %dma_start3A_71 = arith.constant 0 : i32
          %dma_start3A_72 = arith.constant 0 : i32
          %dma_start3A_73 = tpu.memref_slice %arg2[%dma_start3A_71, %dma_start3A_72] : memref<10240x128xf32, #tpu.memory_space<hbm>> -> memref<10240x128xf32, #tpu.memory_space<hbm>>
          tpu.enqueue_indirect_dma source(%dma_start3A_73 : memref<10240x128xf32, #tpu.memory_space<hbm>>) target(%arg11 : memref<128x128xf32, #tpu.memory_space<vmem>>) offsets(%dma_start3A_70 : memref<128xi32, #tpu.memory_space<vmem>>) semaphore(%arg14 : memref<!tpu.dma_semaphore, #tpu.memory_space<semaphore_mem>>)
          %dma_wait3A_74 = arith.constant 0 : i32
          %dma_wait3A_75 = tpu.memref_slice %arg8[%mul3A_47, %dma_wait3A_74] : memref<40x128xi32, #tpu.memory_space<vmem>> -> memref<1x128xi32, #tpu.memory_space<vmem>>
          %dma_wait3A_76 = tpu.memref_squeeze %dma_wait3A_75 : memref<1x128xi32, #tpu.memory_space<vmem>> -> memref<128xi32, #tpu.memory_space<vmem>>
          %dma_wait3A_77 = arith.constant 0 : i32
          %dma_wait3A_78 = arith.constant 0 : i32
          %dma_wait3A_79 = tpu.memref_slice %arg2[%dma_wait3A_77, %dma_wait3A_78] : memref<10240x128xf32, #tpu.memory_space<hbm>> -> memref<10240x128xf32, #tpu.memory_space<hbm>>
          tpu.wait_indirect_dma semaphore(%arg13 : memref<!tpu.dma_semaphore, #tpu.memory_space<semaphore_mem>>) src(%dma_wait3A_79 : memref<10240x128xf32, #tpu.memory_space<hbm>>) dst(%arg10 : memref<128x128xf32, #tpu.memory_space<vmem>>)
          %dma_start3A_80 = arith.constant 0 : i32
          %dma_start3A_81 = tpu.memref_slice %arg9[%mul3A_47, %dma_start3A_80] : memref<40x128xi32, #tpu.memory_space<vmem>> -> memref<1x128xi32, #tpu.memory_space<vmem>>
          %dma_start3A_82 = tpu.memref_squeeze %dma_start3A_81 : memref<1x128xi32, #tpu.memory_space<vmem>> -> memref<128xi32, #tpu.memory_space<vmem>>
          %dma_start3A_83 = arith.constant 0 : i32
          %dma_start3A_84 = arith.constant 0 : i32
          %dma_start3A_85 = tpu.memref_slice %arg12[%dma_start3A_83, %dma_start3A_84] : memref<10240x128xf32, #tpu.memory_space<vmem_shared>> -> memref<10240x128xf32, #tpu.memory_space<vmem_shared>>
          tpu.enqueue_indirect_dma source(%arg10 : memref<128x128xf32, #tpu.memory_space<vmem>>) target(%dma_start3A_85 : memref<10240x128xf32, #tpu.memory_space<vmem_shared>>) offsets(%dma_start3A_82 : memref<128xi32, #tpu.memory_space<vmem>>) semaphore(%arg15 : memref<!tpu.dma_semaphore, #tpu.memory_space<semaphore_mem>>) {add = true}
          %dma_wait3A_86 = arith.constant 0 : i32
          %dma_wait3A_87 = tpu.memref_slice %arg8[%add3A_49, %dma_wait3A_86] : memref<40x128xi32, #tpu.memory_space<vmem>> -> memref<1x128xi32, #tpu.memory_space<vmem>>
          %dma_wait3A_88 = tpu.memref_squeeze %dma_wait3A_87 : memref<1x128xi32, #tpu.memory_space<vmem>> -> memref<128xi32, #tpu.memory_space<vmem>>
          %dma_wait3A_89 = arith.constant 0 : i32
          %dma_wait3A_90 = arith.constant 0 : i32
          %dma_wait3A_91 = tpu.memref_slice %arg2[%dma_wait3A_89, %dma_wait3A_90] : memref<10240x128xf32, #tpu.memory_space<hbm>> -> memref<10240x128xf32, #tpu.memory_space<hbm>>
          tpu.wait_indirect_dma semaphore(%arg14 : memref<!tpu.dma_semaphore, #tpu.memory_space<semaphore_mem>>) src(%dma_wait3A_91 : memref<10240x128xf32, #tpu.memory_space<hbm>>) dst(%arg11 : memref<128x128xf32, #tpu.memory_space<vmem>>)
          %dma_start3A_92 = arith.constant 0 : i32
          %dma_start3A_93 = tpu.memref_slice %arg9[%add3A_49, %dma_start3A_92] : memref<40x128xi32, #tpu.memory_space<vmem>> -> memref<1x128xi32, #tpu.memory_space<vmem>>
          %dma_start3A_94 = tpu.memref_squeeze %dma_start3A_93 : memref<1x128xi32, #tpu.memory_space<vmem>> -> memref<128xi32, #tpu.memory_space<vmem>>
          %dma_start3A_95 = arith.constant 0 : i32
          %dma_start3A_96 = arith.constant 0 : i32
          %dma_start3A_97 = tpu.memref_slice %arg12[%dma_start3A_95, %dma_start3A_96] : memref<10240x128xf32, #tpu.memory_space<vmem_shared>> -> memref<10240x128xf32, #tpu.memory_space<vmem_shared>>
          tpu.enqueue_indirect_dma source(%arg11 : memref<128x128xf32, #tpu.memory_space<vmem>>) target(%dma_start3A_97 : memref<10240x128xf32, #tpu.memory_space<vmem_shared>>) offsets(%dma_start3A_94 : memref<128xi32, #tpu.memory_space<vmem>>) semaphore(%arg16 : memref<!tpu.dma_semaphore, #tpu.memory_space<semaphore_mem>>) {add = true}
        }
        %scan3A_44 = arith.constant 20 : i32
      }
      %scan3A_16 = arith.constant 4 : i32
      %dma_wait3A = arith.constant 0 : i32
      %dma_wait3A_17 = arith.constant 0 : i32
      %dma_wait3A_18 = tpu.memref_slice %arg2[%dma_wait3A, %dma_wait3A_17] : memref<10240x128xf32, #tpu.memory_space<hbm>> -> memref<128x128xf32, #tpu.memory_space<hbm>>
      %dma_wait3A_19 = arith.constant 0 : i32
      %dma_wait3A_20 = arith.constant 0 : i32
      %dma_wait3A_21 = tpu.memref_slice %arg2[%dma_wait3A_19, %dma_wait3A_20] : memref<10240x128xf32, #tpu.memory_space<hbm>> -> memref<128x128xf32, #tpu.memory_space<hbm>>
      tpu.wait_dma2 semaphore(%arg15 : memref<!tpu.dma_semaphore, #tpu.memory_space<semaphore_mem>>) src(%dma_wait3A_21 : memref<128x128xf32, #tpu.memory_space<hbm>>) dst(%arg10 : memref<128x128xf32, #tpu.memory_space<vmem>>)
      %dma_wait3A_22 = arith.constant 0 : i32
      %dma_wait3A_23 = arith.constant 0 : i32
      %dma_wait3A_24 = tpu.memref_slice %arg2[%dma_wait3A_22, %dma_wait3A_23] : memref<10240x128xf32, #tpu.memory_space<hbm>> -> memref<128x128xf32, #tpu.memory_space<hbm>>
      %dma_wait3A_25 = arith.constant 0 : i32
      %dma_wait3A_26 = arith.constant 0 : i32
      %dma_wait3A_27 = tpu.memref_slice %arg2[%dma_wait3A_25, %dma_wait3A_26] : memref<10240x128xf32, #tpu.memory_space<hbm>> -> memref<128x128xf32, #tpu.memory_space<hbm>>
      tpu.wait_dma2 semaphore(%arg16 : memref<!tpu.dma_semaphore, #tpu.memory_space<semaphore_mem>>) src(%dma_wait3A_27 : memref<128x128xf32, #tpu.memory_space<hbm>>) dst(%arg11 : memref<128x128xf32, #tpu.memory_space<vmem>>)
      %barrier3A_28 = arith.constant 0 : index
      tpu.barrier barrier_id(%barrier3A_28)
      %mul3A_29 = arith.constant 640 : i32
      %mul3A_30 = arith.muli %arg1, %mul3A_29 : i32
      %mul3A_31 = arith.constant 640 : i32
      %mul3A_32 = arith.muli %arg1, %mul3A_31 : i32
      "tpu.region"() ({
        %run_scoped3A = tpu.sem_alloc : memref<!tpu.dma_semaphore, #tpu.memory_space<semaphore_mem>>
        %dma_start3A = arith.constant 0 : i32
        %dma_start3A_33 = tpu.memref_slice %arg6[%mul3A_32, %dma_start3A] : memref<10240x128xf32, #tpu.memory_space<hbm>> -> memref<640x128xf32, #tpu.memory_space<hbm>>
        %dma_start3A_34 = arith.constant 0 : i32
        %dma_start3A_35 = tpu.memref_slice %arg12[%mul3A_30, %dma_start3A_34] : memref<10240x128xf32, #tpu.memory_space<vmem_shared>> -> memref<640x128xf32, #tpu.memory_space<vmem_shared>>
        tpu.enqueue_dma source(%dma_start3A_35 : memref<640x128xf32, #tpu.memory_space<vmem_shared>>) target(%dma_start3A_33 : memref<640x128xf32, #tpu.memory_space<hbm>>) target_semaphore(%run_scoped3A : memref<!tpu.dma_semaphore, #tpu.memory_space<semaphore_mem>>)
        %dma_wait3A_36 = arith.constant 0 : i32
        %dma_wait3A_37 = tpu.memref_slice %arg6[%mul3A_32, %dma_wait3A_36] : memref<10240x128xf32, #tpu.memory_space<hbm>> -> memref<640x128xf32, #tpu.memory_space<hbm>>
        %dma_wait3A_38 = arith.constant 0 : i32
        %dma_wait3A_39 = tpu.memref_slice %arg12[%mul3A_30, %dma_wait3A_38] : memref<10240x128xf32, #tpu.memory_space<vmem_shared>> -> memref<640x128xf32, #tpu.memory_space<vmem_shared>>
        tpu.wait_dma2 semaphore(%run_scoped3A : memref<!tpu.dma_semaphore, #tpu.memory_space<semaphore_mem>>) src(%dma_wait3A_39 : memref<640x128xf32, #tpu.memory_space<vmem_shared>>) dst(%dma_wait3A_37 : memref<640x128xf32, #tpu.memory_space<hbm>>)
        tpu.yield
      }) : () -> ()
    } else {
    }
    %eq3A_3 = arith.constant 1 : i32
    %eq3A_4 = arith.cmpi eq, %arg0, %eq3A_3 : i32
    %convert_element_type3A_5 = arith.extui %eq3A_4 : i1 to i32
    %cond3A_6 = arith.constant 0 : i32
    %cond3A_7 = arith.cmpi ne, %convert_element_type3A_5, %cond3A_6 : i32
    scf.if %cond3A_7 {
      %mul3A_8 = arith.constant 640 : i32
      %mul3A_9 = arith.muli %arg1, %mul3A_8 : i32
      %mul3A_10 = arith.constant 640 : i32
      %mul3A_11 = arith.muli %arg1, %mul3A_10 : i32
      "tpu.region"() ({
        %run_scoped3A = tpu.sem_alloc : memref<!tpu.dma_semaphore, #tpu.memory_space<semaphore_mem>>
        %dma_start3A = arith.constant 0 : i32
        %dma_start3A_33 = tpu.memref_slice %arg12[%mul3A_11, %dma_start3A] : memref<10240x128xf32, #tpu.memory_space<vmem_shared>> -> memref<640x128xf32, #tpu.memory_space<vmem_shared>>
        %dma_start3A_34 = arith.constant 0 : i32
        %dma_start3A_35 = tpu.memref_slice %arg3[%mul3A_9, %dma_start3A_34] : memref<10240x128xf32, #tpu.memory_space<hbm>> -> memref<640x128xf32, #tpu.memory_space<hbm>>
        tpu.enqueue_dma source(%dma_start3A_35 : memref<640x128xf32, #tpu.memory_space<hbm>>) target(%dma_start3A_33 : memref<640x128xf32, #tpu.memory_space<vmem_shared>>) target_semaphore(%run_scoped3A : memref<!tpu.dma_semaphore, #tpu.memory_space<semaphore_mem>>)
        %dma_wait3A_36 = arith.constant 0 : i32
        %dma_wait3A_37 = tpu.memref_slice %arg12[%mul3A_11, %dma_wait3A_36] : memref<10240x128xf32, #tpu.memory_space<vmem_shared>> -> memref<640x128xf32, #tpu.memory_space<vmem_shared>>
        %dma_wait3A_38 = arith.constant 0 : i32
        %dma_wait3A_39 = tpu.memref_slice %arg3[%mul3A_9, %dma_wait3A_38] : memref<10240x128xf32, #tpu.memory_space<hbm>> -> memref<640x128xf32, #tpu.memory_space<hbm>>
        tpu.wait_dma2 semaphore(%run_scoped3A : memref<!tpu.dma_semaphore, #tpu.memory_space<semaphore_mem>>) src(%dma_wait3A_39 : memref<640x128xf32, #tpu.memory_space<hbm>>) dst(%dma_wait3A_37 : memref<640x128xf32, #tpu.memory_space<vmem_shared>>)
        tpu.yield
      }) : () -> ()
      %barrier3A = arith.constant 0 : index
      tpu.barrier barrier_id(%barrier3A)
      %scan3A = arith.constant 0 : i32
      %scan3A_12 = arith.constant 0 : i32
      %scan3A_13 = arith.constant 4 : i32
      %scan3A_14 = arith.addi %scan3A_12, %scan3A_13 : i32
      %scan3A_15 = arith.constant 1 : i32
      scf.for %scan3A_33 = %scan3A_12 to %scan3A_14 step %scan3A_15  : i32 {
        %mul3A_34 = arith.constant 40 : i32
        %mul3A_35 = arith.muli %scan3A_33, %mul3A_34 : i32
        %add3A = arith.addi %mul3A_0, %mul3A_35 : i32
        "tpu.region"() ({
          %run_scoped3A = tpu.sem_alloc : memref<!tpu.dma_semaphore, #tpu.memory_space<semaphore_mem>>
          %dma_start3A = arith.constant 0 : i32
          %dma_start3A_45 = tpu.memref_slice %arg4[%add3A, %dma_start3A] : memref<2560x128xi32, #tpu.memory_space<hbm>> -> memref<40x128xi32, #tpu.memory_space<hbm>>
          %dma_start3A_46 = arith.constant 0 : i32
          %dma_start3A_47 = tpu.memref_slice %arg4[%add3A, %dma_start3A_46] : memref<2560x128xi32, #tpu.memory_space<hbm>> -> memref<40x128xi32, #tpu.memory_space<hbm>>
          tpu.enqueue_dma source(%dma_start3A_47 : memref<40x128xi32, #tpu.memory_space<hbm>>) target(%arg8 : memref<40x128xi32, #tpu.memory_space<vmem>>) target_semaphore(%run_scoped3A : memref<!tpu.dma_semaphore, #tpu.memory_space<semaphore_mem>>)
          %dma_wait3A_48 = arith.constant 0 : i32
          %dma_wait3A_49 = tpu.memref_slice %arg4[%add3A, %dma_wait3A_48] : memref<2560x128xi32, #tpu.memory_space<hbm>> -> memref<40x128xi32, #tpu.memory_space<hbm>>
          %dma_wait3A_50 = arith.constant 0 : i32
          %dma_wait3A_51 = tpu.memref_slice %arg4[%add3A, %dma_wait3A_50] : memref<2560x128xi32, #tpu.memory_space<hbm>> -> memref<40x128xi32, #tpu.memory_space<hbm>>
          tpu.wait_dma2 semaphore(%run_scoped3A : memref<!tpu.dma_semaphore, #tpu.memory_space<semaphore_mem>>) src(%dma_wait3A_51 : memref<40x128xi32, #tpu.memory_space<hbm>>) dst(%arg8 : memref<40x128xi32, #tpu.memory_space<vmem>>)
          tpu.yield
        }) : () -> ()
        %mul3A_36 = arith.constant 40 : i32
        %mul3A_37 = arith.muli %scan3A_33, %mul3A_36 : i32
        %add3A_38 = arith.addi %mul3A_0, %mul3A_37 : i32
        "tpu.region"() ({
          %run_scoped3A = tpu.sem_alloc : memref<!tpu.dma_semaphore, #tpu.memory_space<semaphore_mem>>
          %dma_start3A = arith.constant 0 : i32
          %dma_start3A_45 = tpu.memref_slice %arg5[%add3A_38, %dma_start3A] : memref<2560x128xi32, #tpu.memory_space<hbm>> -> memref<40x128xi32, #tpu.memory_space<hbm>>
          %dma_start3A_46 = arith.constant 0 : i32
          %dma_start3A_47 = tpu.memref_slice %arg5[%add3A_38, %dma_start3A_46] : memref<2560x128xi32, #tpu.memory_space<hbm>> -> memref<40x128xi32, #tpu.memory_space<hbm>>
          tpu.enqueue_dma source(%dma_start3A_47 : memref<40x128xi32, #tpu.memory_space<hbm>>) target(%arg9 : memref<40x128xi32, #tpu.memory_space<vmem>>) target_semaphore(%run_scoped3A : memref<!tpu.dma_semaphore, #tpu.memory_space<semaphore_mem>>)
          %dma_wait3A_48 = arith.constant 0 : i32
          %dma_wait3A_49 = tpu.memref_slice %arg5[%add3A_38, %dma_wait3A_48] : memref<2560x128xi32, #tpu.memory_space<hbm>> -> memref<40x128xi32, #tpu.memory_space<hbm>>
          %dma_wait3A_50 = arith.constant 0 : i32
          %dma_wait3A_51 = tpu.memref_slice %arg5[%add3A_38, %dma_wait3A_50] : memref<2560x128xi32, #tpu.memory_space<hbm>> -> memref<40x128xi32, #tpu.memory_space<hbm>>
          tpu.wait_dma2 semaphore(%run_scoped3A : memref<!tpu.dma_semaphore, #tpu.memory_space<semaphore_mem>>) src(%dma_wait3A_51 : memref<40x128xi32, #tpu.memory_space<hbm>>) dst(%arg9 : memref<40x128xi32, #tpu.memory_space<vmem>>)
          tpu.yield
        }) : () -> ()
        %scan3A_39 = arith.constant 0 : i32
        %scan3A_40 = arith.constant 0 : i32
        %scan3A_41 = arith.constant 20 : i32
        %scan3A_42 = arith.addi %scan3A_40, %scan3A_41 : i32
        %scan3A_43 = arith.constant 1 : i32
        scf.for %scan3A_45 = %scan3A_40 to %scan3A_42 step %scan3A_43  : i32 {
          %mul3A_46 = arith.constant 2 : i32
          %mul3A_47 = arith.muli %scan3A_45, %mul3A_46 : i32
          %add3A_48 = arith.constant 1 : i32
          %add3A_49 = arith.addi %mul3A_47, %add3A_48 : i32
          %eq3A_50 = arith.constant 0 : i32
          %eq3A_51 = arith.cmpi eq, %scan3A_33, %eq3A_50 : i32
          %eq3A_52 = arith.constant 0 : i32
          %eq3A_53 = arith.cmpi eq, %scan3A_45, %eq3A_52 : i32
          %and3A = arith.andi %eq3A_51, %eq3A_53 : i1
          %not3A = arith.constant true
          %not3A_54 = arith.xori %and3A, %not3A : i1
          %convert_element_type3A_55 = arith.extui %not3A_54 : i1 to i32
          %cond3A_56 = arith.constant 0 : i32
          %cond3A_57 = arith.cmpi ne, %convert_element_type3A_55, %cond3A_56 : i32
          scf.if %cond3A_57 {
            %dma_wait3A_98 = arith.constant 0 : i32
            %dma_wait3A_99 = arith.constant 0 : i32
            %dma_wait3A_100 = tpu.memref_slice %arg3[%dma_wait3A_98, %dma_wait3A_99] : memref<10240x128xf32, #tpu.memory_space<hbm>> -> memref<128x128xf32, #tpu.memory_space<hbm>>
            %dma_wait3A_101 = arith.constant 0 : i32
            %dma_wait3A_102 = arith.constant 0 : i32
            %dma_wait3A_103 = tpu.memref_slice %arg3[%dma_wait3A_101, %dma_wait3A_102] : memref<10240x128xf32, #tpu.memory_space<hbm>> -> memref<128x128xf32, #tpu.memory_space<hbm>>
            tpu.wait_dma2 semaphore(%arg15 : memref<!tpu.dma_semaphore, #tpu.memory_space<semaphore_mem>>) src(%dma_wait3A_103 : memref<128x128xf32, #tpu.memory_space<hbm>>) dst(%arg10 : memref<128x128xf32, #tpu.memory_space<vmem>>)
          } else {
          }
          %dma_start3A = arith.constant 0 : i32
          %dma_start3A_58 = tpu.memref_slice %arg8[%mul3A_47, %dma_start3A] : memref<40x128xi32, #tpu.memory_space<vmem>> -> memref<1x128xi32, #tpu.memory_space<vmem>>
          %dma_start3A_59 = tpu.memref_squeeze %dma_start3A_58 : memref<1x128xi32, #tpu.memory_space<vmem>> -> memref<128xi32, #tpu.memory_space<vmem>>
          %dma_start3A_60 = arith.constant 0 : i32
          %dma_start3A_61 = arith.constant 0 : i32
          %dma_start3A_62 = tpu.memref_slice %arg3[%dma_start3A_60, %dma_start3A_61] : memref<10240x128xf32, #tpu.memory_space<hbm>> -> memref<10240x128xf32, #tpu.memory_space<hbm>>
          tpu.enqueue_indirect_dma source(%dma_start3A_62 : memref<10240x128xf32, #tpu.memory_space<hbm>>) target(%arg10 : memref<128x128xf32, #tpu.memory_space<vmem>>) offsets(%dma_start3A_59 : memref<128xi32, #tpu.memory_space<vmem>>) semaphore(%arg13 : memref<!tpu.dma_semaphore, #tpu.memory_space<semaphore_mem>>)
          %not3A_63 = arith.constant true
          %not3A_64 = arith.xori %and3A, %not3A_63 : i1
          %convert_element_type3A_65 = arith.extui %not3A_64 : i1 to i32
          %cond3A_66 = arith.constant 0 : i32
          %cond3A_67 = arith.cmpi ne, %convert_element_type3A_65, %cond3A_66 : i32
          scf.if %cond3A_67 {
            %dma_wait3A_98 = arith.constant 0 : i32
            %dma_wait3A_99 = arith.constant 0 : i32
            %dma_wait3A_100 = tpu.memref_slice %arg3[%dma_wait3A_98, %dma_wait3A_99] : memref<10240x128xf32, #tpu.memory_space<hbm>> -> memref<128x128xf32, #tpu.memory_space<hbm>>
            %dma_wait3A_101 = arith.constant 0 : i32
            %dma_wait3A_102 = arith.constant 0 : i32
            %dma_wait3A_103 = tpu.memref_slice %arg3[%dma_wait3A_101, %dma_wait3A_102] : memref<10240x128xf32, #tpu.memory_space<hbm>> -> memref<128x128xf32, #tpu.memory_space<hbm>>
            tpu.wait_dma2 semaphore(%arg16 : memref<!tpu.dma_semaphore, #tpu.memory_space<semaphore_mem>>) src(%dma_wait3A_103 : memref<128x128xf32, #tpu.memory_space<hbm>>) dst(%arg11 : memref<128x128xf32, #tpu.memory_space<vmem>>)
          } else {
          }
          %dma_start3A_68 = arith.constant 0 : i32
          %dma_start3A_69 = tpu.memref_slice %arg8[%add3A_49, %dma_start3A_68] : memref<40x128xi32, #tpu.memory_space<vmem>> -> memref<1x128xi32, #tpu.memory_space<vmem>>
          %dma_start3A_70 = tpu.memref_squeeze %dma_start3A_69 : memref<1x128xi32, #tpu.memory_space<vmem>> -> memref<128xi32, #tpu.memory_space<vmem>>
          %dma_start3A_71 = arith.constant 0 : i32
          %dma_start3A_72 = arith.constant 0 : i32
          %dma_start3A_73 = tpu.memref_slice %arg3[%dma_start3A_71, %dma_start3A_72] : memref<10240x128xf32, #tpu.memory_space<hbm>> -> memref<10240x128xf32, #tpu.memory_space<hbm>>
          tpu.enqueue_indirect_dma source(%dma_start3A_73 : memref<10240x128xf32, #tpu.memory_space<hbm>>) target(%arg11 : memref<128x128xf32, #tpu.memory_space<vmem>>) offsets(%dma_start3A_70 : memref<128xi32, #tpu.memory_space<vmem>>) semaphore(%arg14 : memref<!tpu.dma_semaphore, #tpu.memory_space<semaphore_mem>>)
          %dma_wait3A_74 = arith.constant 0 : i32
          %dma_wait3A_75 = tpu.memref_slice %arg8[%mul3A_47, %dma_wait3A_74] : memref<40x128xi32, #tpu.memory_space<vmem>> -> memref<1x128xi32, #tpu.memory_space<vmem>>
          %dma_wait3A_76 = tpu.memref_squeeze %dma_wait3A_75 : memref<1x128xi32, #tpu.memory_space<vmem>> -> memref<128xi32, #tpu.memory_space<vmem>>
          %dma_wait3A_77 = arith.constant 0 : i32
          %dma_wait3A_78 = arith.constant 0 : i32
          %dma_wait3A_79 = tpu.memref_slice %arg3[%dma_wait3A_77, %dma_wait3A_78] : memref<10240x128xf32, #tpu.memory_space<hbm>> -> memref<10240x128xf32, #tpu.memory_space<hbm>>
          tpu.wait_indirect_dma semaphore(%arg13 : memref<!tpu.dma_semaphore, #tpu.memory_space<semaphore_mem>>) src(%dma_wait3A_79 : memref<10240x128xf32, #tpu.memory_space<hbm>>) dst(%arg10 : memref<128x128xf32, #tpu.memory_space<vmem>>)
          %dma_start3A_80 = arith.constant 0 : i32
          %dma_start3A_81 = tpu.memref_slice %arg9[%mul3A_47, %dma_start3A_80] : memref<40x128xi32, #tpu.memory_space<vmem>> -> memref<1x128xi32, #tpu.memory_space<vmem>>
          %dma_start3A_82 = tpu.memref_squeeze %dma_start3A_81 : memref<1x128xi32, #tpu.memory_space<vmem>> -> memref<128xi32, #tpu.memory_space<vmem>>
          %dma_start3A_83 = arith.constant 0 : i32
          %dma_start3A_84 = arith.constant 0 : i32
          %dma_start3A_85 = tpu.memref_slice %arg12[%dma_start3A_83, %dma_start3A_84] : memref<10240x128xf32, #tpu.memory_space<vmem_shared>> -> memref<10240x128xf32, #tpu.memory_space<vmem_shared>>
          tpu.enqueue_indirect_dma source(%arg10 : memref<128x128xf32, #tpu.memory_space<vmem>>) target(%dma_start3A_85 : memref<10240x128xf32, #tpu.memory_space<vmem_shared>>) offsets(%dma_start3A_82 : memref<128xi32, #tpu.memory_space<vmem>>) semaphore(%arg15 : memref<!tpu.dma_semaphore, #tpu.memory_space<semaphore_mem>>) {add = true}
          %dma_wait3A_86 = arith.constant 0 : i32
          %dma_wait3A_87 = tpu.memref_slice %arg8[%add3A_49, %dma_wait3A_86] : memref<40x128xi32, #tpu.memory_space<vmem>> -> memref<1x128xi32, #tpu.memory_space<vmem>>
          %dma_wait3A_88 = tpu.memref_squeeze %dma_wait3A_87 : memref<1x128xi32, #tpu.memory_space<vmem>> -> memref<128xi32, #tpu.memory_space<vmem>>
          %dma_wait3A_89 = arith.constant 0 : i32
          %dma_wait3A_90 = arith.constant 0 : i32
          %dma_wait3A_91 = tpu.memref_slice %arg3[%dma_wait3A_89, %dma_wait3A_90] : memref<10240x128xf32, #tpu.memory_space<hbm>> -> memref<10240x128xf32, #tpu.memory_space<hbm>>
          tpu.wait_indirect_dma semaphore(%arg14 : memref<!tpu.dma_semaphore, #tpu.memory_space<semaphore_mem>>) src(%dma_wait3A_91 : memref<10240x128xf32, #tpu.memory_space<hbm>>) dst(%arg11 : memref<128x128xf32, #tpu.memory_space<vmem>>)
          %dma_start3A_92 = arith.constant 0 : i32
          %dma_start3A_93 = tpu.memref_slice %arg9[%add3A_49, %dma_start3A_92] : memref<40x128xi32, #tpu.memory_space<vmem>> -> memref<1x128xi32, #tpu.memory_space<vmem>>
          %dma_start3A_94 = tpu.memref_squeeze %dma_start3A_93 : memref<1x128xi32, #tpu.memory_space<vmem>> -> memref<128xi32, #tpu.memory_space<vmem>>
          %dma_start3A_95 = arith.constant 0 : i32
          %dma_start3A_96 = arith.constant 0 : i32
          %dma_start3A_97 = tpu.memref_slice %arg12[%dma_start3A_95, %dma_start3A_96] : memref<10240x128xf32, #tpu.memory_space<vmem_shared>> -> memref<10240x128xf32, #tpu.memory_space<vmem_shared>>
          tpu.enqueue_indirect_dma source(%arg11 : memref<128x128xf32, #tpu.memory_space<vmem>>) target(%dma_start3A_97 : memref<10240x128xf32, #tpu.memory_space<vmem_shared>>) offsets(%dma_start3A_94 : memref<128xi32, #tpu.memory_space<vmem>>) semaphore(%arg16 : memref<!tpu.dma_semaphore, #tpu.memory_space<semaphore_mem>>) {add = true}
        }
        %scan3A_44 = arith.constant 20 : i32
      }
      %scan3A_16 = arith.constant 4 : i32
      %dma_wait3A = arith.constant 0 : i32
      %dma_wait3A_17 = arith.constant 0 : i32
      %dma_wait3A_18 = tpu.memref_slice %arg3[%dma_wait3A, %dma_wait3A_17] : memref<10240x128xf32, #tpu.memory_space<hbm>> -> memref<128x128xf32, #tpu.memory_space<hbm>>
      %dma_wait3A_19 = arith.constant 0 : i32
      %dma_wait3A_20 = arith.constant 0 : i32
      %dma_wait3A_21 = tpu.memref_slice %arg3[%dma_wait3A_19, %dma_wait3A_20] : memref<10240x128xf32, #tpu.memory_space<hbm>> -> memref<128x128xf32, #tpu.memory_space<hbm>>
      tpu.wait_dma2 semaphore(%arg15 : memref<!tpu.dma_semaphore, #tpu.memory_space<semaphore_mem>>) src(%dma_wait3A_21 : memref<128x128xf32, #tpu.memory_space<hbm>>) dst(%arg10 : memref<128x128xf32, #tpu.memory_space<vmem>>)
      %dma_wait3A_22 = arith.constant 0 : i32
      %dma_wait3A_23 = arith.constant 0 : i32
      %dma_wait3A_24 = tpu.memref_slice %arg3[%dma_wait3A_22, %dma_wait3A_23] : memref<10240x128xf32, #tpu.memory_space<hbm>> -> memref<128x128xf32, #tpu.memory_space<hbm>>
      %dma_wait3A_25 = arith.constant 0 : i32
      %dma_wait3A_26 = arith.constant 0 : i32
      %dma_wait3A_27 = tpu.memref_slice %arg3[%dma_wait3A_25, %dma_wait3A_26] : memref<10240x128xf32, #tpu.memory_space<hbm>> -> memref<128x128xf32, #tpu.memory_space<hbm>>
      tpu.wait_dma2 semaphore(%arg16 : memref<!tpu.dma_semaphore, #tpu.memory_space<semaphore_mem>>) src(%dma_wait3A_27 : memref<128x128xf32, #tpu.memory_space<hbm>>) dst(%arg11 : memref<128x128xf32, #tpu.memory_space<vmem>>)
      %barrier3A_28 = arith.constant 0 : index
      tpu.barrier barrier_id(%barrier3A_28)
      %mul3A_29 = arith.constant 640 : i32
      %mul3A_30 = arith.muli %arg1, %mul3A_29 : i32
      %mul3A_31 = arith.constant 640 : i32
      %mul3A_32 = arith.muli %arg1, %mul3A_31 : i32
      "tpu.region"() ({
        %run_scoped3A = tpu.sem_alloc : memref<!tpu.dma_semaphore, #tpu.memory_space<semaphore_mem>>
        %dma_start3A = arith.constant 0 : i32
        %dma_start3A_33 = tpu.memref_slice %arg7[%mul3A_32, %dma_start3A] : memref<10240x128xf32, #tpu.memory_space<hbm>> -> memref<640x128xf32, #tpu.memory_space<hbm>>
        %dma_start3A_34 = arith.constant 0 : i32
        %dma_start3A_35 = tpu.memref_slice %arg12[%mul3A_30, %dma_start3A_34] : memref<10240x128xf32, #tpu.memory_space<vmem_shared>> -> memref<640x128xf32, #tpu.memory_space<vmem_shared>>
        tpu.enqueue_dma source(%dma_start3A_35 : memref<640x128xf32, #tpu.memory_space<vmem_shared>>) target(%dma_start3A_33 : memref<640x128xf32, #tpu.memory_space<hbm>>) target_semaphore(%run_scoped3A : memref<!tpu.dma_semaphore, #tpu.memory_space<semaphore_mem>>)
        %dma_wait3A_36 = arith.constant 0 : i32
        %dma_wait3A_37 = tpu.memref_slice %arg7[%mul3A_32, %dma_wait3A_36] : memref<10240x128xf32, #tpu.memory_space<hbm>> -> memref<640x128xf32, #tpu.memory_space<hbm>>
        %dma_wait3A_38 = arith.constant 0 : i32
        %dma_wait3A_39 = tpu.memref_slice %arg12[%mul3A_30, %dma_wait3A_38] : memref<10240x128xf32, #tpu.memory_space<vmem_shared>> -> memref<640x128xf32, #tpu.memory_space<vmem_shared>>
        tpu.wait_dma2 semaphore(%run_scoped3A : memref<!tpu.dma_semaphore, #tpu.memory_space<semaphore_mem>>) src(%dma_wait3A_39 : memref<640x128xf32, #tpu.memory_space<vmem_shared>>) dst(%dma_wait3A_37 : memref<640x128xf32, #tpu.memory_space<hbm>>)
        tpu.yield
      }) : () -> ()
    } else {
    }
    return
  }
}

module attributes {stable_mosaic.version = 14 : i64} {
  func.func @_mm1_body(%arg0: memref<10240x128xf32, #tpu.memory_space<vmem>>, %arg1: memref<128x128xf32, #tpu.memory_space<vmem>>, %arg2: memref<2x10240x128xf32, #tpu.memory_space<vmem>>, %arg3: memref<10240x128xf32, #tpu.memory_space<vmem>>, %arg4: memref<10240x1xf32, #tpu.memory_space<vmem>>) attributes {dimension_semantics = [], scalar_prefetch = 0 : i64, scratch_operands = 0 : i64, tpu.core_type = #tpu.core_type<tc>} {
    %get3A = arith.constant 0 : index
    %get3A_0 = arith.constant 0 : index
    %get3A_1 = arith.constant 0 : index
    %get3A_2 = vector.load %arg2[%get3A, %get3A_0, %get3A_1] : memref<2x10240x128xf32, #tpu.memory_space<vmem>>, vector<2x10240x128xf32>
    %slice3A = vector.extract_strided_slice %get3A_2 {offsets = [0, 0, 0], sizes = [1, 10240, 1], strides = [1, 1, 1]} : vector<2x10240x128xf32> to vector<1x10240x1xf32>
    %squeeze3A = vector.shape_cast %slice3A : vector<1x10240x1xf32> to vector<10240x1xf32>
    %slice3A_3 = vector.extract_strided_slice %get3A_2 {offsets = [1, 0, 0], sizes = [1, 10240, 1], strides = [1, 1, 1]} : vector<2x10240x128xf32> to vector<1x10240x1xf32>
    %squeeze3A_4 = vector.shape_cast %slice3A_3 : vector<1x10240x1xf32> to vector<10240x1xf32>
    %add3A = arith.addf %squeeze3A, %squeeze3A_4 : vector<10240x1xf32>
    %add3A_5 = arith.constant 1.000000e+00 : f32
    %add3A_6 = vector.broadcast %add3A_5 : f32 to vector<10240x1xf32>
    %add3A_7 = arith.addf %add3A, %add3A_6 : vector<10240x1xf32>
    %rsqrt3A = math.rsqrt %add3A_7 : vector<10240x1xf32>
    %swap3A = arith.constant 0 : index
    %swap3A_8 = arith.constant 0 : index
    %swap3A_9 = vector.load %arg4[%swap3A, %swap3A_8] : memref<10240x1xf32, #tpu.memory_space<vmem>>, vector<10240x1xf32>
    tpu.vector_store %arg4[%swap3A, %swap3A_8], %rsqrt3A {strides = array<i32>} : memref<10240x1xf32, #tpu.memory_space<vmem>>, vector<10240x1xf32>,
    %get3A_10 = arith.constant 0 : index
    %get3A_11 = arith.constant 0 : index
    %get3A_12 = vector.load %arg0[%get3A_10, %get3A_11] : memref<10240x128xf32, #tpu.memory_space<vmem>>, vector<10240x128xf32>
    %get3A_13 = arith.constant 0 : index
    %get3A_14 = arith.constant 0 : index
    %get3A_15 = vector.load %arg1[%get3A_13, %get3A_14] : memref<128x128xf32, #tpu.memory_space<vmem>>, vector<128x128xf32>
    %dot_general3A = arith.constant dense<0.000000e+00> : vector<10240x128xf32>
    %dot_general3A_16 = tpu.matmul %get3A_12, %get3A_15, %dot_general3A {dimension_numbers = #tpu.dot_dimension_numbers<[1], [0], [0], [1], [0, 0, 1, 1], [], []>, transpose_lhs_hint = false} : vector<10240x128xf32>, vector<128x128xf32>, vector<10240x128xf32> -> vector<10240x128xf32>
    %mul3A = vector.broadcast %rsqrt3A : vector<10240x1xf32> to vector<10240x128xf32>
    %mul3A_17 = arith.mulf %dot_general3A_16, %mul3A : vector<10240x128xf32>
    %swap3A_18 = arith.constant 0 : index
    %swap3A_19 = arith.constant 0 : index
    %swap3A_20 = vector.load %arg3[%swap3A_18, %swap3A_19] : memref<10240x128xf32, #tpu.memory_space<vmem>>, vector<10240x128xf32>
    tpu.vector_store %arg3[%swap3A_18, %swap3A_19], %mul3A_17 {strides = array<i32>} : memref<10240x128xf32, #tpu.memory_space<vmem>>, vector<10240x128xf32>,
    return
  }
}

module attributes {stable_mosaic.version = 14 : i64} {
  func.func @_bn_mm2_body(%arg0: memref<2x10240x128xf32, #tpu.memory_space<vmem>>, %arg1: memref<10240x128xf32, #tpu.memory_space<vmem>>, %arg2: memref<10240x1xf32, #tpu.memory_space<vmem>>, %arg3: memref<1x128xf32, #tpu.memory_space<vmem>>, %arg4: memref<1x128xf32, #tpu.memory_space<vmem>>, %arg5: memref<1x128xf32, #tpu.memory_space<vmem>>, %arg6: memref<128x256xf32, #tpu.memory_space<vmem>>, %arg7: memref<10240x128xf32, #tpu.memory_space<vmem>>, %arg8: memref<10240x128xf32, #tpu.memory_space<vmem>>) attributes {dimension_semantics = [], scalar_prefetch = 0 : i64, scratch_operands = 0 : i64, tpu.core_type = #tpu.core_type<tc>} {
    %get3A = arith.constant 0 : index
    %get3A_0 = arith.constant 0 : index
    %get3A_1 = vector.load %arg2[%get3A, %get3A_0] : memref<10240x1xf32, #tpu.memory_space<vmem>>, vector<10240x1xf32>
    %get3A_2 = arith.constant 0 : index
    %get3A_3 = arith.constant 0 : index
    %get3A_4 = arith.constant 0 : index
    %get3A_5 = vector.load %arg0[%get3A_2, %get3A_3, %get3A_4] : memref<2x10240x128xf32, #tpu.memory_space<vmem>>, vector<1x10240x128xf32>
    %get3A_6 = vector.shape_cast %get3A_5 : vector<1x10240x128xf32> to vector<10240x128xf32>
    %get3A_7 = arith.constant 1 : index
    %get3A_8 = arith.constant 0 : index
    %get3A_9 = arith.constant 0 : index
    %get3A_10 = vector.load %arg0[%get3A_7, %get3A_8, %get3A_9] : memref<2x10240x128xf32, #tpu.memory_space<vmem>>, vector<1x10240x128xf32>
    %get3A_11 = vector.shape_cast %get3A_10 : vector<1x10240x128xf32> to vector<10240x128xf32>
    %add3A = arith.addf %get3A_6, %get3A_11 : vector<10240x128xf32>
    %get3A_12 = arith.constant 0 : index
    %get3A_13 = arith.constant 0 : index
    %get3A_14 = vector.load %arg1[%get3A_12, %get3A_13] : memref<10240x128xf32, #tpu.memory_space<vmem>>, vector<10240x128xf32>
    %sub3A = arith.subf %add3A, %get3A_14 : vector<10240x128xf32>
    %mul3A = vector.broadcast %get3A_1 : vector<10240x1xf32> to vector<10240x128xf32>
    %mul3A_15 = arith.mulf %sub3A, %mul3A : vector<10240x128xf32>
    %get3A_16 = arith.constant 0 : index
    %get3A_17 = arith.constant 0 : index
    %get3A_18 = vector.load %arg3[%get3A_16, %get3A_17] : memref<1x128xf32, #tpu.memory_space<vmem>>, vector<1x128xf32>
    %add3A_19 = vector.broadcast %get3A_18 : vector<1x128xf32> to vector<10240x128xf32>
    %add3A_20 = arith.addf %mul3A_15, %add3A_19 : vector<10240x128xf32>
    %get3A_21 = arith.constant 0 : index
    %get3A_22 = arith.constant 0 : index
    %get3A_23 = vector.load %arg4[%get3A_21, %get3A_22] : memref<1x128xf32, #tpu.memory_space<vmem>>, vector<1x128xf32>
    %get3A_24 = arith.constant 0 : index
    %get3A_25 = arith.constant 0 : index
    %get3A_26 = vector.load %arg5[%get3A_24, %get3A_25] : memref<1x128xf32, #tpu.memory_space<vmem>>, vector<1x128xf32>
    %iota3A = tpu.iota {dimensions = array<i32: 0>} : vector<10240x1xi32>
    %lt3A = arith.constant 10000 : i32
    %lt3A_27 = vector.broadcast %lt3A : i32 to vector<10240x1xi32>
    %lt3A_28 = arith.cmpi slt, %iota3A, %lt3A_27 : vector<10240x1xi32>
    %jit3A = arith.constant 0.000000e+00 : f32
    %broadcast_in_dim3A = vector.shape_cast %lt3A_28 : vector<10240x1xi1> to vector<10240x1xi1>
    %broadcast_in_dim3A_29 = vector.broadcast %broadcast_in_dim3A : vector<10240x1xi1> to vector<10240x128xi1>
    %broadcast_in_dim3A_30 = vector.broadcast %jit3A : f32 to vector<10240x128xf32>
    %select_n3A = arith.select %broadcast_in_dim3A_29, %add3A_20, %broadcast_in_dim3A_30 : vector<10240x128xi1>, vector<10240x128xf32>
    %reduce_sum3A = arith.constant dense<0.000000e+00> : vector<128xf32>
    %reduce_sum3A_31 = vector.multi_reduction <add>, %select_n3A, %reduce_sum3A [0] : vector<10240x128xf32> to vector<128xf32>
    %broadcast_in_dim3A_32 = vector.shape_cast %reduce_sum3A_31 : vector<128xf32> to vector<1x128xf32>
    %div3A = arith.constant 1.000000e+04 : f32
    %div3A_33 = vector.broadcast %div3A : f32 to vector<1x128xf32>
    %div3A_34 = arith.divf %broadcast_in_dim3A_32, %div3A_33 : vector<1x128xf32>
    %sub3A_35 = vector.broadcast %div3A_34 : vector<1x128xf32> to vector<10240x128xf32>
    %sub3A_36 = arith.subf %add3A_20, %sub3A_35 : vector<10240x128xf32>
    %jit3A_37 = arith.constant 0.000000e+00 : f32
    %broadcast_in_dim3A_38 = vector.shape_cast %lt3A_28 : vector<10240x1xi1> to vector<10240x1xi1>
    %broadcast_in_dim3A_39 = vector.broadcast %broadcast_in_dim3A_38 : vector<10240x1xi1> to vector<10240x128xi1>
    %broadcast_in_dim3A_40 = vector.broadcast %jit3A_37 : f32 to vector<10240x128xf32>
    %select_n3A_41 = arith.select %broadcast_in_dim3A_39, %sub3A_36, %broadcast_in_dim3A_40 : vector<10240x128xi1>, vector<10240x128xf32>
    %mul3A_42 = arith.mulf %select_n3A_41, %select_n3A_41 : vector<10240x128xf32>
    %reduce_sum3A_43 = arith.constant dense<0.000000e+00> : vector<128xf32>
    %reduce_sum3A_44 = vector.multi_reduction <add>, %mul3A_42, %reduce_sum3A_43 [0] : vector<10240x128xf32> to vector<128xf32>
    %broadcast_in_dim3A_45 = vector.shape_cast %reduce_sum3A_44 : vector<128xf32> to vector<1x128xf32>
    %div3A_46 = arith.constant 1.000000e+04 : f32
    %div3A_47 = vector.broadcast %div3A_46 : f32 to vector<1x128xf32>
    %div3A_48 = arith.divf %broadcast_in_dim3A_45, %div3A_47 : vector<1x128xf32>
    %sub3A_49 = vector.broadcast %div3A_34 : vector<1x128xf32> to vector<10240x128xf32>
    %sub3A_50 = arith.subf %add3A_20, %sub3A_49 : vector<10240x128xf32>
    %mul3A_51 = vector.broadcast %get3A_23 : vector<1x128xf32> to vector<10240x128xf32>
    %mul3A_52 = arith.mulf %mul3A_51, %sub3A_50 : vector<10240x128xf32>
    %add3A_53 = arith.constant 9.99999974E-6 : f32
    %add3A_54 = vector.broadcast %add3A_53 : f32 to vector<1x128xf32>
    %add3A_55 = arith.addf %div3A_48, %add3A_54 : vector<1x128xf32>
    %rsqrt3A = math.rsqrt %add3A_55 : vector<1x128xf32>
    %mul3A_56 = vector.broadcast %rsqrt3A : vector<1x128xf32> to vector<10240x128xf32>
    %mul3A_57 = arith.mulf %mul3A_52, %mul3A_56 : vector<10240x128xf32>
    %add3A_58 = vector.broadcast %get3A_26 : vector<1x128xf32> to vector<10240x128xf32>
    %add3A_59 = arith.addf %mul3A_57, %add3A_58 : vector<10240x128xf32>
    %max3A = arith.constant 0.000000e+00 : f32
    %max3A_60 = vector.broadcast %max3A : f32 to vector<10240x128xf32>
    %max3A_61 = arith.maximumf %add3A_59, %max3A_60 : vector<10240x128xf32>
    %jit3A_62 = arith.constant 0.000000e+00 : f32
    %broadcast_in_dim3A_63 = vector.shape_cast %lt3A_28 : vector<10240x1xi1> to vector<10240x1xi1>
    %broadcast_in_dim3A_64 = vector.broadcast %broadcast_in_dim3A_63 : vector<10240x1xi1> to vector<10240x128xi1>
    %broadcast_in_dim3A_65 = vector.broadcast %jit3A_62 : f32 to vector<10240x128xf32>
    %select_n3A_66 = arith.select %broadcast_in_dim3A_64, %max3A_61, %broadcast_in_dim3A_65 : vector<10240x128xi1>, vector<10240x128xf32>
    %get3A_67 = arith.constant 0 : index
    %get3A_68 = arith.constant 0 : index
    %get3A_69 = vector.load %arg6[%get3A_67, %get3A_68] : memref<128x256xf32, #tpu.memory_space<vmem>>, vector<128x256xf32>
    %dot_general3A = arith.constant dense<0.000000e+00> : vector<10240x256xf32>
    %dot_general3A_70 = tpu.matmul %select_n3A_66, %get3A_69, %dot_general3A {dimension_numbers = #tpu.dot_dimension_numbers<[1], [0], [0], [1], [0, 0, 1, 1], [], []>, transpose_lhs_hint = false} : vector<10240x128xf32>, vector<128x256xf32>, vector<10240x256xf32> -> vector<10240x256xf32>
    %mul3A_71 = vector.broadcast %get3A_1 : vector<10240x1xf32> to vector<10240x256xf32>
    %mul3A_72 = arith.mulf %dot_general3A_70, %mul3A_71 : vector<10240x256xf32>
    %slice3A = vector.extract_strided_slice %mul3A_72 {offsets = [0, 0], sizes = [10240, 128], strides = [1, 1]} : vector<10240x256xf32> to vector<10240x128xf32>
    %swap3A = arith.constant 0 : index
    %swap3A_73 = arith.constant 0 : index
    %swap3A_74 = vector.load %arg7[%swap3A, %swap3A_73] : memref<10240x128xf32, #tpu.memory_space<vmem>>, vector<10240x128xf32>
    tpu.vector_store %arg7[%swap3A, %swap3A_73], %slice3A {strides = array<i32>} : memref<10240x128xf32, #tpu.memory_space<vmem>>, vector<10240x128xf32>,
    %slice3A_75 = vector.extract_strided_slice %mul3A_72 {offsets = [0, 128], sizes = [10240, 128], strides = [1, 1]} : vector<10240x256xf32> to vector<10240x128xf32>
    %swap3A_76 = arith.constant 0 : index
    %swap3A_77 = arith.constant 0 : index
    %swap3A_78 = vector.load %arg8[%swap3A_76, %swap3A_77] : memref<10240x128xf32, #tpu.memory_space<vmem>>, vector<10240x128xf32>
    tpu.vector_store %arg8[%swap3A_76, %swap3A_77], %slice3A_75 {strides = array<i32>} : memref<10240x128xf32, #tpu.memory_space<vmem>>, vector<10240x128xf32>,
    return
  }
}

module attributes {stable_mosaic.version = 14 : i64} {
  func.func @_bn2_body(%arg0: memref<10240x128xf32, #tpu.memory_space<vmem>>, %arg1: memref<10240x128xf32, #tpu.memory_space<vmem>>, %arg2: memref<10240x1xf32, #tpu.memory_space<vmem>>, %arg3: memref<1x256xf32, #tpu.memory_space<vmem>>, %arg4: memref<1x256xf32, #tpu.memory_space<vmem>>, %arg5: memref<1x256xf32, #tpu.memory_space<vmem>>, %arg6: memref<10240x128xf32, #tpu.memory_space<vmem>>, %arg7: memref<10240x128xf32, #tpu.memory_space<vmem>>) attributes {dimension_semantics = [], scalar_prefetch = 0 : i64, scratch_operands = 0 : i64, tpu.core_type = #tpu.core_type<tc>} {
    %get3A = arith.constant 0 : index
    %get3A_0 = arith.constant 0 : index
    %get3A_1 = vector.load %arg2[%get3A, %get3A_0] : memref<10240x1xf32, #tpu.memory_space<vmem>>, vector<10240x1xf32>
    %get3A_2 = arith.constant 0 : index
    %get3A_3 = arith.constant 0 : index
    %get3A_4 = vector.load %arg0[%get3A_2, %get3A_3] : memref<10240x128xf32, #tpu.memory_space<vmem>>, vector<10240x128xf32>
    %get3A_5 = arith.constant 0 : index
    %get3A_6 = arith.constant 0 : index
    %get3A_7 = vector.load %arg1[%get3A_5, %get3A_6] : memref<10240x128xf32, #tpu.memory_space<vmem>>, vector<10240x128xf32>
    %concatenate3A = tpu.concatenate %get3A_4, %get3A_7 in 1 : vector<10240x128xf32>, vector<10240x128xf32> -> vector<10240x256xf32>
    %mul3A = vector.broadcast %get3A_1 : vector<10240x1xf32> to vector<10240x256xf32>
    %mul3A_8 = arith.mulf %concatenate3A, %mul3A : vector<10240x256xf32>
    %get3A_9 = arith.constant 0 : index
    %get3A_10 = arith.constant 0 : index
    %get3A_11 = vector.load %arg3[%get3A_9, %get3A_10] : memref<1x256xf32, #tpu.memory_space<vmem>>, vector<1x256xf32>
    %add3A = vector.broadcast %get3A_11 : vector<1x256xf32> to vector<10240x256xf32>
    %add3A_12 = arith.addf %mul3A_8, %add3A : vector<10240x256xf32>
    %get3A_13 = arith.constant 0 : index
    %get3A_14 = arith.constant 0 : index
    %get3A_15 = vector.load %arg4[%get3A_13, %get3A_14] : memref<1x256xf32, #tpu.memory_space<vmem>>, vector<1x256xf32>
    %get3A_16 = arith.constant 0 : index
    %get3A_17 = arith.constant 0 : index
    %get3A_18 = vector.load %arg5[%get3A_16, %get3A_17] : memref<1x256xf32, #tpu.memory_space<vmem>>, vector<1x256xf32>
    %iota3A = tpu.iota {dimensions = array<i32: 0>} : vector<10240x1xi32>
    %lt3A = arith.constant 10000 : i32
    %lt3A_19 = vector.broadcast %lt3A : i32 to vector<10240x1xi32>
    %lt3A_20 = arith.cmpi slt, %iota3A, %lt3A_19 : vector<10240x1xi32>
    %jit3A = arith.constant 0.000000e+00 : f32
    %broadcast_in_dim3A = vector.shape_cast %lt3A_20 : vector<10240x1xi1> to vector<10240x1xi1>
    %broadcast_in_dim3A_21 = vector.broadcast %broadcast_in_dim3A : vector<10240x1xi1> to vector<10240x256xi1>
    %broadcast_in_dim3A_22 = vector.broadcast %jit3A : f32 to vector<10240x256xf32>
    %select_n3A = arith.select %broadcast_in_dim3A_21, %add3A_12, %broadcast_in_dim3A_22 : vector<10240x256xi1>, vector<10240x256xf32>
    %reduce_sum3A = arith.constant dense<0.000000e+00> : vector<256xf32>
    %reduce_sum3A_23 = vector.multi_reduction <add>, %select_n3A, %reduce_sum3A [0] : vector<10240x256xf32> to vector<256xf32>
    %broadcast_in_dim3A_24 = vector.shape_cast %reduce_sum3A_23 : vector<256xf32> to vector<1x256xf32>
    %div3A = arith.constant 1.000000e+04 : f32
    %div3A_25 = vector.broadcast %div3A : f32 to vector<1x256xf32>
    %div3A_26 = arith.divf %broadcast_in_dim3A_24, %div3A_25 : vector<1x256xf32>
    %sub3A = vector.broadcast %div3A_26 : vector<1x256xf32> to vector<10240x256xf32>
    %sub3A_27 = arith.subf %add3A_12, %sub3A : vector<10240x256xf32>
    %jit3A_28 = arith.constant 0.000000e+00 : f32
    %broadcast_in_dim3A_29 = vector.shape_cast %lt3A_20 : vector<10240x1xi1> to vector<10240x1xi1>
    %broadcast_in_dim3A_30 = vector.broadcast %broadcast_in_dim3A_29 : vector<10240x1xi1> to vector<10240x256xi1>
    %broadcast_in_dim3A_31 = vector.broadcast %jit3A_28 : f32 to vector<10240x256xf32>
    %select_n3A_32 = arith.select %broadcast_in_dim3A_30, %sub3A_27, %broadcast_in_dim3A_31 : vector<10240x256xi1>, vector<10240x256xf32>
    %mul3A_33 = arith.mulf %select_n3A_32, %select_n3A_32 : vector<10240x256xf32>
    %reduce_sum3A_34 = arith.constant dense<0.000000e+00> : vector<256xf32>
    %reduce_sum3A_35 = vector.multi_reduction <add>, %mul3A_33, %reduce_sum3A_34 [0] : vector<10240x256xf32> to vector<256xf32>
    %broadcast_in_dim3A_36 = vector.shape_cast %reduce_sum3A_35 : vector<256xf32> to vector<1x256xf32>
    %div3A_37 = arith.constant 1.000000e+04 : f32
    %div3A_38 = vector.broadcast %div3A_37 : f32 to vector<1x256xf32>
    %div3A_39 = arith.divf %broadcast_in_dim3A_36, %div3A_38 : vector<1x256xf32>
    %sub3A_40 = vector.broadcast %div3A_26 : vector<1x256xf32> to vector<10240x256xf32>
    %sub3A_41 = arith.subf %add3A_12, %sub3A_40 : vector<10240x256xf32>
    %mul3A_42 = vector.broadcast %get3A_15 : vector<1x256xf32> to vector<10240x256xf32>
    %mul3A_43 = arith.mulf %mul3A_42, %sub3A_41 : vector<10240x256xf32>
    %add3A_44 = arith.constant 9.99999974E-6 : f32
    %add3A_45 = vector.broadcast %add3A_44 : f32 to vector<1x256xf32>
    %add3A_46 = arith.addf %div3A_39, %add3A_45 : vector<1x256xf32>
    %rsqrt3A = math.rsqrt %add3A_46 : vector<1x256xf32>
    %mul3A_47 = vector.broadcast %rsqrt3A : vector<1x256xf32> to vector<10240x256xf32>
    %mul3A_48 = arith.mulf %mul3A_43, %mul3A_47 : vector<10240x256xf32>
    %add3A_49 = vector.broadcast %get3A_18 : vector<1x256xf32> to vector<10240x256xf32>
    %add3A_50 = arith.addf %mul3A_48, %add3A_49 : vector<10240x256xf32>
    %max3A = arith.constant 0.000000e+00 : f32
    %max3A_51 = vector.broadcast %max3A : f32 to vector<10240x256xf32>
    %max3A_52 = arith.maximumf %add3A_50, %max3A_51 : vector<10240x256xf32>
    %jit3A_53 = arith.constant 0.000000e+00 : f32
    %broadcast_in_dim3A_54 = vector.shape_cast %lt3A_20 : vector<10240x1xi1> to vector<10240x1xi1>
    %broadcast_in_dim3A_55 = vector.broadcast %broadcast_in_dim3A_54 : vector<10240x1xi1> to vector<10240x256xi1>
    %broadcast_in_dim3A_56 = vector.broadcast %jit3A_53 : f32 to vector<10240x256xf32>
    %select_n3A_57 = arith.select %broadcast_in_dim3A_55, %max3A_52, %broadcast_in_dim3A_56 : vector<10240x256xi1>, vector<10240x256xf32>
    %slice3A = vector.extract_strided_slice %select_n3A_57 {offsets = [0, 0], sizes = [10240, 128], strides = [1, 1]} : vector<10240x256xf32> to vector<10240x128xf32>
    %swap3A = arith.constant 0 : index
    %swap3A_58 = arith.constant 0 : index
    %swap3A_59 = vector.load %arg6[%swap3A, %swap3A_58] : memref<10240x128xf32, #tpu.memory_space<vmem>>, vector<10240x128xf32>
    tpu.vector_store %arg6[%swap3A, %swap3A_58], %slice3A {strides = array<i32>} : memref<10240x128xf32, #tpu.memory_space<vmem>>, vector<10240x128xf32>,
    %slice3A_60 = vector.extract_strided_slice %select_n3A_57 {offsets = [0, 128], sizes = [10240, 128], strides = [1, 1]} : vector<10240x256xf32> to vector<10240x128xf32>
    %swap3A_61 = arith.constant 0 : index
    %swap3A_62 = arith.constant 0 : index
    %swap3A_63 = vector.load %arg7[%swap3A_61, %swap3A_62] : memref<10240x128xf32, #tpu.memory_space<vmem>>, vector<10240x128xf32>
    tpu.vector_store %arg7[%swap3A_61, %swap3A_62], %slice3A_60 {strides = array<i32>} : memref<10240x128xf32, #tpu.memory_space<vmem>>, vector<10240x128xf32>,
    return
  }
}

module attributes {stable_mosaic.version = 14 : i64} {
  func.func @_head_body(%arg0: memref<2x384x128xf32, #tpu.memory_space<vmem>>, %arg1: memref<1x10240xi32, #tpu.memory_space<vmem>>, %arg2: memref<256x128xf32, #tpu.memory_space<vmem>>, %arg3: memref<128x128xf32, #tpu.memory_space<vmem>>, %arg4: memref<1x128xf32, #tpu.memory_space<vmem>>, %arg5: memref<384x128xf32, #tpu.memory_space<vmem>>, %arg6: memref<1x128xf32, #tpu.memory_space<vmem>>, %arg7: memref<1x128xf32, #tpu.memory_space<vmem>>, %arg8: memref<1x128xf32, #tpu.memory_space<vmem>>, %arg9: memref<128x1xf32, #tpu.memory_space<vmem>>, %arg10: memref<1x1xf32, #tpu.memory_space<vmem>>, %arg11: memref<256x1xf32, #tpu.memory_space<vmem>>) attributes {dimension_semantics = [], scalar_prefetch = 0 : i64, scratch_operands = 0 : i64, tpu.core_type = #tpu.core_type<tc>} {
    %get3A = arith.constant 0 : index
    %get3A_0 = arith.constant 0 : index
    %get3A_1 = arith.constant 0 : index
    %get3A_2 = vector.load %arg0[%get3A, %get3A_0, %get3A_1] : memref<2x384x128xf32, #tpu.memory_space<vmem>>, vector<1x256x128xf32>
    %get3A_3 = vector.shape_cast %get3A_2 : vector<1x256x128xf32> to vector<256x128xf32>
    %get3A_4 = arith.constant 1 : index
    %get3A_5 = arith.constant 0 : index
    %get3A_6 = arith.constant 0 : index
    %get3A_7 = vector.load %arg0[%get3A_4, %get3A_5, %get3A_6] : memref<2x384x128xf32, #tpu.memory_space<vmem>>, vector<1x256x128xf32>
    %get3A_8 = vector.shape_cast %get3A_7 : vector<1x256x128xf32> to vector<256x128xf32>
    %concatenate3A = tpu.concatenate %get3A_3, %get3A_8 in 1 : vector<256x128xf32>, vector<256x128xf32> -> vector<256x256xf32>
    %iota3A = tpu.iota {dimensions = array<i32: 0>} : vector<256x10240xi32>
    %get3A_9 = arith.constant 0 : index
    %get3A_10 = arith.constant 0 : index
    %get3A_11 = vector.load %arg1[%get3A_9, %get3A_10] : memref<1x10240xi32, #tpu.memory_space<vmem>>, vector<1x10240xi32>
    %eq3A = vector.broadcast %get3A_11 : vector<1x10240xi32> to vector<256x10240xi32>
    %eq3A_12 = arith.cmpi eq, %iota3A, %eq3A : vector<256x10240xi32>
    %convert_element_type3A = arith.extui %eq3A_12 : vector<256x10240xi1> to vector<256x10240xi32>
    %convert_element_type3A_13 = arith.sitofp %convert_element_type3A : vector<256x10240xi32> to vector<256x10240xf32>
    %reduce_sum3A = arith.constant dense<0.000000e+00> : vector<256xf32>
    %reduce_sum3A_14 = vector.multi_reduction <add>, %convert_element_type3A_13, %reduce_sum3A [1] : vector<256x10240xf32> to vector<256xf32>
    %broadcast_in_dim3A = vector.shape_cast %reduce_sum3A_14 : vector<256xf32> to vector<256x1xf32>
    %max3A = arith.constant 1.000000e+00 : f32
    %max3A_15 = vector.broadcast %max3A : f32 to vector<256x1xf32>
    %max3A_16 = arith.maximumf %broadcast_in_dim3A, %max3A_15 : vector<256x1xf32>
    %div3A = vector.broadcast %max3A_16 : vector<256x1xf32> to vector<256x256xf32>
    %div3A_17 = arith.divf %concatenate3A, %div3A : vector<256x256xf32>
    %get3A_18 = arith.constant 0 : index
    %get3A_19 = arith.constant 0 : index
    %get3A_20 = vector.load %arg2[%get3A_18, %get3A_19] : memref<256x128xf32, #tpu.memory_space<vmem>>, vector<256x128xf32>
    %get3A_21 = arith.constant 0 : index
    %get3A_22 = arith.constant 0 : index
    %get3A_23 = vector.load %arg3[%get3A_21, %get3A_22] : memref<128x128xf32, #tpu.memory_space<vmem>>, vector<128x128xf32>
    %dot_general3A = arith.constant dense<0.000000e+00> : vector<256x128xf32>
    %dot_general3A_24 = tpu.matmul %get3A_20, %get3A_23, %dot_general3A {dimension_numbers = #tpu.dot_dimension_numbers<[1], [0], [0], [1], [0, 0, 1, 1], [], []>, transpose_lhs_hint = false} : vector<256x128xf32>, vector<128x128xf32>, vector<256x128xf32> -> vector<256x128xf32>
    %get3A_25 = arith.constant 0 : index
    %get3A_26 = arith.constant 0 : index
    %get3A_27 = vector.load %arg4[%get3A_25, %get3A_26] : memref<1x128xf32, #tpu.memory_space<vmem>>, vector<1x128xf32>
    %add3A = vector.broadcast %get3A_27 : vector<1x128xf32> to vector<256x128xf32>
    %add3A_28 = arith.addf %dot_general3A_24, %add3A : vector<256x128xf32>
    %max3A_29 = arith.constant 0.000000e+00 : f32
    %max3A_30 = vector.broadcast %max3A_29 : f32 to vector<256x128xf32>
    %max3A_31 = arith.maximumf %add3A_28, %max3A_30 : vector<256x128xf32>
    %concatenate3A_32 = tpu.concatenate %div3A_17, %max3A_31 in 1 : vector<256x256xf32>, vector<256x128xf32> -> vector<256x384xf32>
    %get3A_33 = arith.constant 0 : index
    %get3A_34 = arith.constant 0 : index
    %get3A_35 = vector.load %arg5[%get3A_33, %get3A_34] : memref<384x128xf32, #tpu.memory_space<vmem>>, vector<384x128xf32>
    %dot_general3A_36 = arith.constant dense<0.000000e+00> : vector<256x128xf32>
    %dot_general3A_37 = tpu.matmul %concatenate3A_32, %get3A_35, %dot_general3A_36 {dimension_numbers = #tpu.dot_dimension_numbers<[1], [0], [0], [1], [0, 0, 1, 1], [], []>, transpose_lhs_hint = false} : vector<256x384xf32>, vector<384x128xf32>, vector<256x128xf32> -> vector<256x128xf32>
    %get3A_38 = arith.constant 0 : index
    %get3A_39 = arith.constant 0 : index
    %get3A_40 = vector.load %arg6[%get3A_38, %get3A_39] : memref<1x128xf32, #tpu.memory_space<vmem>>, vector<1x128xf32>
    %add3A_41 = vector.broadcast %get3A_40 : vector<1x128xf32> to vector<256x128xf32>
    %add3A_42 = arith.addf %dot_general3A_37, %add3A_41 : vector<256x128xf32>
    %reduce_sum3A_43 = arith.constant dense<0.000000e+00> : vector<128xf32>
    %reduce_sum3A_44 = vector.multi_reduction <add>, %add3A_42, %reduce_sum3A_43 [0] : vector<256x128xf32> to vector<128xf32>
    %broadcast_in_dim3A_45 = vector.shape_cast %reduce_sum3A_44 : vector<128xf32> to vector<1x128xf32>
    %div3A_46 = arith.constant 2.560000e+02 : f32
    %div3A_47 = vector.broadcast %div3A_46 : f32 to vector<1x128xf32>
    %div3A_48 = arith.divf %broadcast_in_dim3A_45, %div3A_47 : vector<1x128xf32>
    %sub3A = vector.broadcast %div3A_48 : vector<1x128xf32> to vector<256x128xf32>
    %sub3A_49 = arith.subf %add3A_42, %sub3A : vector<256x128xf32>
    %mul3A = arith.mulf %sub3A_49, %sub3A_49 : vector<256x128xf32>
    %reduce_sum3A_50 = arith.constant dense<0.000000e+00> : vector<128xf32>
    %reduce_sum3A_51 = vector.multi_reduction <add>, %mul3A, %reduce_sum3A_50 [0] : vector<256x128xf32> to vector<128xf32>
    %broadcast_in_dim3A_52 = vector.shape_cast %reduce_sum3A_51 : vector<128xf32> to vector<1x128xf32>
    %div3A_53 = arith.constant 2.560000e+02 : f32
    %div3A_54 = vector.broadcast %div3A_53 : f32 to vector<1x128xf32>
    %div3A_55 = arith.divf %broadcast_in_dim3A_52, %div3A_54 : vector<1x128xf32>
    %get3A_56 = arith.constant 0 : index
    %get3A_57 = arith.constant 0 : index
    %get3A_58 = vector.load %arg7[%get3A_56, %get3A_57] : memref<1x128xf32, #tpu.memory_space<vmem>>, vector<1x128xf32>
    %mul3A_59 = vector.broadcast %get3A_58 : vector<1x128xf32> to vector<256x128xf32>
    %mul3A_60 = arith.mulf %mul3A_59, %sub3A_49 : vector<256x128xf32>
    %add3A_61 = arith.constant 9.99999974E-6 : f32
    %add3A_62 = vector.broadcast %add3A_61 : f32 to vector<1x128xf32>
    %add3A_63 = arith.addf %div3A_55, %add3A_62 : vector<1x128xf32>
    %rsqrt3A = math.rsqrt %add3A_63 : vector<1x128xf32>
    %mul3A_64 = vector.broadcast %rsqrt3A : vector<1x128xf32> to vector<256x128xf32>
    %mul3A_65 = arith.mulf %mul3A_60, %mul3A_64 : vector<256x128xf32>
    %get3A_66 = arith.constant 0 : index
    %get3A_67 = arith.constant 0 : index
    %get3A_68 = vector.load %arg8[%get3A_66, %get3A_67] : memref<1x128xf32, #tpu.memory_space<vmem>>, vector<1x128xf32>
    %add3A_69 = vector.broadcast %get3A_68 : vector<1x128xf32> to vector<256x128xf32>
    %add3A_70 = arith.addf %mul3A_65, %add3A_69 : vector<256x128xf32>
    %max3A_71 = arith.constant 0.000000e+00 : f32
    %max3A_72 = vector.broadcast %max3A_71 : f32 to vector<256x128xf32>
    %max3A_73 = arith.maximumf %add3A_70, %max3A_72 : vector<256x128xf32>
    %get3A_74 = arith.constant 0 : index
    %get3A_75 = arith.constant 0 : index
    %get3A_76 = vector.load %arg9[%get3A_74, %get3A_75] : memref<128x1xf32, #tpu.memory_space<vmem>>, vector<128x1xf32>
    %dot_general3A_77 = arith.constant dense<0.000000e+00> : vector<256x1xf32>
    %dot_general3A_78 = tpu.matmul %max3A_73, %get3A_76, %dot_general3A_77 {dimension_numbers = #tpu.dot_dimension_numbers<[1], [0], [0], [1], [0, 0, 1, 1], [], []>, transpose_lhs_hint = false} : vector<256x128xf32>, vector<128x1xf32>, vector<256x1xf32> -> vector<256x1xf32>
    %get3A_79 = arith.constant 0 : index
    %get3A_80 = arith.constant 0 : index
    %get3A_81 = vector.load %arg10[%get3A_79, %get3A_80] : memref<1x1xf32, #tpu.memory_space<vmem>>, vector<1x1xf32>
    %add3A_82 = vector.broadcast %get3A_81 : vector<1x1xf32> to vector<256x1xf32>
    %add3A_83 = arith.addf %dot_general3A_78, %add3A_82 : vector<256x1xf32>
    %swap3A = arith.constant 0 : index
    %swap3A_84 = arith.constant 0 : index
    %swap3A_85 = vector.load %arg11[%swap3A, %swap3A_84] : memref<256x1xf32, #tpu.memory_space<vmem>>, vector<256x1xf32>
    tpu.vector_store %arg11[%swap3A, %swap3A_84], %add3A_83 {strides = array<i32>} : memref<256x1xf32, #tpu.memory_space<vmem>>, vector<256x1xf32>,
    return
  }
}

</mosaic_0001>

<sc_bundles>
// kernel: kernel.10.cloned.1.call-start
scs
__scs_entry_jumppad:
0x0: {  	(pc) =	sbr.rel $0x88, $3  }
0x1: {  	(tag) =	ssettag $0x0;
	lr =	simm.s32 $0x1  }
0x2: {  	[smem:$0x3F8D] =	sst lr;
	_ =	strace $0xD0000000  }
0x3: {  	_ = 	snop  }
0x4: {  	_ = 	snop  }
0x5: {  	_ = 	snop  }
0x6: {  	_ = 	snop  }
0x7: {  	_ = 	snop  }
__scs_overlays_trampoline_lowered:
0x8: {  	[smem:$0x3F9C] =	sst s0  }
0x9: {  	[smem:$0x3F9D] =	sst s1  }
0xa: {  	[smem:$0x3F9E] =	sst s2  }
0xb: {  	[smem:$0x3F9F] =	sst s3  }
0xc: {  	[smem:$0x3FA0] =	sst s4  }
0xd: {  	[smem:$0x3FA1] =	sst s5  }
0xe: {  	[smem:$0x3FA2] =	sst s6  }
0xf: {  	[smem:$0x3FA3] =	sst s7  }
0x10: {  	[smem:$0x3FA4] =	sst s8  }
0x11: {  	[smem:$0x3FA5] =	sst s9;
	s0 =	simm.s32 @!p0 $0x0  }
0x12: {  	s1 =	sld [smem:$0x3F8B];
	s0 =	simm.s32 @p0 $0x1  }
0x13: {  	[smem:$0x3FA6] =	sst s0;
	s0 =	simm.s32 @!p1 $0x0  }
0x14: {  	s2 =	sld [smem:$0x3F8A];
	s0 =	simm.s32 @p1 $0x1  }
0x15: {  	[smem:$0x3FA7] =	sst s0;
	s0 =	simm.s32 @!p2 $0x0  }
0x16: {  	s3 =	sld [smem:$0x3FDB];
	s0 =	simm.s32 @p2 $0x1  }
0x17: {  	s4 =	simm.s32 $0x1BF5;
	[smem:$0x3FA9] =	sst s0  }
0x18: {  	s0 =	sld [smem:$0x3F8C];
	_ =	swait.ge [sflag:s4], $0x0  }
0x19: {  	s7 =	sld [smem:$0x3F8D]  }
0x1a: {  	s8 =	sadd.s32 $0xFFFFE003, lr  }
0x1b: {  	s9 =	sadd.s32 $0xFFFFFEF7, lr;
	s5 =	simm.s32 $0xFFFFFFFF;
	p2 =	slt.u32 s8, $0xFFFFF086  }
0x1c: {  	p1 =	slt.u32 s9, $0xF7A;
	s5 =	simm.s32 @!p2 $0x0  }
0x1d: {  	s5 =	simm.s32 @p1 $0x1;
	p0 =	seq.s32 s7, s2  }
0x1e: {  	s7 =	smul.u32 @!p0 $0xF7A, s2;
	p2 =	seq.s32 @!p0 s5, $0x0  }
0x1f: {  	s9 =	smul.u32 $0xF7A, s1;
	s8 =	simm.s32 @!p0 $0x1BF5;
	p2 =	por !p2, p0  }
0x20: {  	[sflag:s8] =	ssyncset.s32 @!p0 $0xFFFFF086;
	s6 =	sadd.s32 @!p0 s3, s7;
	s7 =	simm.s32 @!p0 $0x108  }
0x21: {  	s3 =	sadd.s32 s3, s9;
	s6 =	sadd.s32 @!p0 $0x88, s6;
	s7 =	simm.s32 @p2 $0x1082  }
0x22: {  	[simem:s7], [sflag:s8] =	dma.local @!p0 [hbm:s6], $0xF7A  }
0x23: {  	s9 =	sor.u32 $0xD0000000, s2;
	s6 =	simm.s32 $0x108;
	_ =	swait.ge @!p0 [sflag:s8], $0x0  }
0x24: {  	s3 =	sadd.s32 $0x88, s3;
	s6 =	simm.s32 @!p1 $0x1082;
	[sflag:s4] =	ssyncset.s32 $0xFFFFF086  }
0x25: {  	[simem:s6], [sflag:s4] =	dma.local [hbm:s3], $0xF7A  }
0x26: {  	[smem:$0x3F8D] =	sst s1;
	(tag) =	ssettag s2;
	_ =	strace s9  }
0x27: {  	s1 =	sld [smem:$0x3F9D]  }
0x28: {  	s2 =	sld [smem:$0x3F9E]  }
0x29: {  	s4 =	sld [smem:$0x3FA0]  }
0x2a: {  	p0 =	seq.s32 s5, $0x0;
	s5 =	sld [smem:$0x3FA1]  }
0x2b: {  	s6 =	sld [smem:$0x3FA2]  }
0x2c: {  	s7 =	sld [smem:$0x3FA3]  }
0x2d: {  	s3 =	simm.s32 $0x108;
	s8 =	sld [smem:$0x3FA4]  }
0x2e: {  	s3 =	simm.s32 @!p0 $0x1082;
	s9 =	sld [smem:$0x3FA5]  }
0x2f: {  	lr =	sadd.s32 s0, s3;
	s0 =	sld [smem:$0x3F9C]  }
0x30: {  	s3 =	sld [smem:$0x3F9F]  }
0x31: {  	[smem:$0x3FA8] =	sst s10  }
0x32: {  	s10 =	sld [smem:$0x3FA6];
	_ =	sdelay $0x3  }
0x33: {  	p0 =	seq.s32 s10, $0x1;
	s10 =	sld [smem:$0x3FA8];
	_ =	sdelay $0x3  }
0x34: {  	[smem:$0x3FA8] =	sst s10  }
0x35: {  	s10 =	sld [smem:$0x3FA7];
	_ =	sdelay $0x3  }
0x36: {  	p1 =	seq.s32 s10, $0x1;
	s10 =	sld [smem:$0x3FA8];
	_ =	sdelay $0x3  }
0x37: {  	[smem:$0x3FA8] =	sst s10  }
0x38: {  	s10 =	sld [smem:$0x3FA9]  }
0x39: {  	_ = 	snop;
	(pc) =	sbr.ind lr, $3  }
0x3a: {  	_ = 	snop  }
0x3b: {  	_ = 	snop  }
0x3c: {  	p2 =	seq.s32 s10, $0x1;
	s10 =	sld [smem:$0x3FA8]  }
0x3d: {  	_ =	shalt  }
0x3e: {  	_ =	shalt  }
0x3f: {  	_ =	shalt  }
0x40: {  	_ =	shalt  }
0x41: {  	_ =	shalt  }
0x42: {  	_ =	shalt  }
0x43: {  	_ =	shalt  }
0x44: {  	_ =	shalt  }
0x45: {  	_ =	shalt  }
0x46: {  	_ =	shalt  }
0x47: {  	_ =	shalt  }
0x48: {  	_ =	shalt  }
0x49: {  	_ =	shalt  }
0x4a: {  	_ =	shalt  }
0x4b: {  	_ =	shalt  }
0x4c: {  	_ =	shalt  }
0x4d: {  	_ =	shalt  }
0x4e: {  	_ =	shalt  }
0x4f: {  	_ =	shalt  }
0x50: {  	_ =	shalt  }
0x51: {  	_ =	shalt  }
0x52: {  	_ =	shalt  }
0x53: {  	_ =	shalt  }
0x54: {  	_ =	shalt  }
0x55: {  	_ =	shalt  }
0x56: {  	_ =	shalt  }
0x57: {  	_ =	shalt  }
0x58: {  	_ =	shalt  }
0x59: {  	_ =	shalt  }
0x5a: {  	_ =	shalt  }
0x5b: {  	_ =	shalt  }
0x5c: {  	_ =	shalt  }
0x5d: {  	_ =	shalt  }
0x5e: {  	_ =	shalt  }
0x5f: {  	_ =	shalt  }
0x60: {  	_ =	shalt  }
0x61: {  	_ =	shalt  }
0x62: {  	_ =	shalt  }
0x63: {  	_ =	shalt  }
0x64: {  	_ =	shalt  }
0x65: {  	_ =	shalt  }
0x66: {  	_ =	shalt  }
0x67: {  	_ =	shalt  }
0x68: {  	_ =	shalt  }
0x69: {  	_ =	shalt  }
0x6a: {  	_ =	shalt  }
0x6b: {  	_ =	shalt  }
0x6c: {  	_ =	shalt  }
0x6d: {  	_ =	shalt  }
0x6e: {  	_ =	shalt  }
0x6f: {  	_ =	shalt  }
0x70: {  	_ =	shalt  }
0x71: {  	_ =	shalt  }
0x72: {  	_ =	shalt  }
0x73: {  	_ =	shalt  }
0x74: {  	_ =	shalt  }
0x75: {  	_ =	shalt  }
0x76: {  	_ =	shalt  }
0x77: {  	_ =	shalt  }
0x78: {  	_ =	shalt  }
0x79: {  	_ =	shalt  }
0x7a: {  	_ =	shalt  }
0x7b: {  	_ =	shalt  }
0x7c: {  	_ =	shalt  }
0x7d: {  	_ =	shalt  }
0x7e: {  	_ =	shalt  }
0x7f: {  	_ =	shalt  }
0x80: {  	_ =	shalt  }
0x81: {  	_ =	shalt  }
0x82: {  	_ =	shalt  }
0x83: {  	_ =	shalt  }
0x84: {  	_ =	shalt  }
0x85: {  	_ =	shalt  }
0x86: {  	_ =	shalt  }
0x87: {  	_ =	shalt  }
.Lfunc_end0:
.L_simem_size_0:
called_computation_lowered:
.L_overlay_start_0:
0x88: {  	s2 =	sld [smem:$0x3FD9]  }
0x89: {  	s3 =	sld [smem:$0x3FFE];
	_ =	sdelay $0x1  }
0x8a: {  	s1 =	srdreg.scid  }
0x8b: {  	s0 =	sand.u32 $0x1, s1  }
0x8c: {  	s16 =	sshll.u32 s0, $0xA;
	s2 =	sadd.s32 s3, s2  }
0x8d: {  	s2 =	sadd.s32 s2, s16  }
0x8e: {  	[smem:$0x3FB4] =	sst s2  }
0x8f: {  	_ = 	snop  }
0x90: {  	(tm) =	ssettm $0x1  }
0x91: {  	s17 =	sld [smem:$0x3FFB];
	_ =	sdelay $0x3  }
0x92: {  	_ =	strace s17  }
0x93: {  	s2 =	sld [smem:$0x3FFC];
	_ =	sdelay $0x3  }
0x94: {  	_ =	strace s2  }
0x95: {  	s2 =	sld [smem:$0x3FFD];
	_ =	sdelay $0x3  }
0x96: {  	_ =	strace s2  }
0x97: {  	_ =	strace $0x8FFFFFFF  }
0x98: {  	s18 =	sld [smem:$0x3FDB];
	_ =	sdelay $0x1  }
0x99: {  	s19 =	simm.s32 $_scs_section_size  }
0x9a: {  	s4 =	simm.s32 $_size__tile_overlayer_lowered;
	s5 =	simm.s32 $_tile_overlayer_lowered  }
0x9b: {  	s22 =	simm.s32 $0x1BFF;
	s21 =	sshll.u32 s5, $0x1;
	s2 =	sadd.s32 s19, s18  }
0x9c: {  	s6 =	simm.s32 $0x0;
	s20 =	sshll.u32 s4, $0x1;
	s4 =	sadd.s32 s21, s2  }
0x9d: {  	[timem:s6], [sflag:s22] =	dma.local [hbm:s4], s20  }
0x9e: {  	_ =	swait.ge [sflag:s22], s20  }
0x9f: {  	s3 =	ssub.s32 $0x0, s20;
	[sflag:s22] =	ssyncset.done $0x0  }
0xa0: {  	[sflag:s22] =	ssyncadd.s32 s3;
	_ =	sdelay $0x1  }
0xa1: {  	s23 =	simm.s32 $0x1B8B  }
0xa2: {  	_ =	swait.ge [sflag:s23], $0x1  }
0xa3: {  	[sflag:s23] =	ssyncset.done $0x0  }
0xa4: {  	s25 =	simm.s32 $0x1B8E;
	s24 =	sld [smem:$0x3FFE];
	[sflag:s23] =	ssyncadd.s32 $0xFFFFFFFF  }
0xa5: {  	s26 =	simm.s32 $execute0_lowered;
	[smem:$0x3FD2] =	sst s25  }
0xa6: {  	s4 =	sshll.u32 s26, $0x1;
	_ =	strace $0x80000046;
	[dreg:$0x1] =	wrdreg $0xFFFFFFFF  }
0xa7: {  	s28 =	simm.s32 $_size_execute0_lowered;
	s2 =	sadd.s32 s2, s4;
	[dreg:$0x0] =	wrdreg $0x0  }
0xa8: {  	s4 =	sshll.u32 s28, $0x1;
	[dreg:$0x2] =	wrdreg s2  }
0xa9: {  	[dreg:$0x3] =	wrdreg s4  }
0xaa: {  	[dreg:$0x4] =	wrdreg $0xC0  }
0xab: {  	_ =	task [dreg:s6], $0x5FFFF  }
0xac: {  	[dreg:$0x1] =	wrdreg $0xFFFFFFFF  }
0xad: {  	[dreg:$0x0] =	wrdreg $0x60  }
0xae: {  	[dreg:$0x2] =	wrdreg s24  }
0xaf: {  	[dreg:$0x3] =	wrdreg $0x54000  }
0xb0: {  	[dreg:$0x4] =	wrdreg $0x9  }
0xb1: {  	_ =	task.clear_ibuf [dreg:s6], $0x5FFFF;
	_ =	strace $0x90000046  }
0xb2: {  	s29 =	simm.s32 $0x9;
	_ =	strace $0x80000048  }
0xb3: {  	_ =	swait.ge [sflag:s29], $0x1  }
0xb4: {  	[sflag:s29] =	ssyncadd.s32 $0xFFFFFFFF  }
0xb5: {  	_ =	strace $0x90000048  }
0xb6: {  	_ =	sfence  }
0xb7: {  	s30 =	sld [smem:$0x0];
	_ =	sdelay $0x2  }
0xb8: {  	s31 =	sshll.u32 s1, $0xD;
	s1 =	sshrl.u32 s1, $0x2  }
0xb9: {  	s3 =	sand.u32 $0x4000, s31;
	s1 =	sadd.s32 s1, s30  }
0xba: {  	s0 =	sor.u32 s3, s0;
	s1 =	sshll.u32 s1, $0x11  }
0xbb: {  	s0 =	sor.u32 s1, s0  }
0xbc: {  	s0 =	sadd.s32 $0x8F2B, s0  }
0xbd: {  	[sflag:s0] =	ssyncadd.remote.s32 $0x1  }
0xbe: {  	_ =	sfence.sel $0xFFFF  }
0xbf: {  	[dreg:$0x0] =	wrdreg $0xFFFFFFFF;
	(pc) =	sbr.abs _section_cstart, $3  }
0xc0: {  	[dreg:$0x1] =	wrdreg $0xFFFFFFFF  }
0xc1: {  	_ =	task.clear_ibuf [dreg:s6], $0x2FFFF;
	_ =	strace $0x9FFFFFFF  }
0xc2: {  	(tm) =	ssettm $0x7FFFFFFF  }
0xc3: {  	_ =	shalt  }
tec
execute0_lowered:
.L_overlay_start_1:
0x0: {  	(tag) =	ssettag $0x1  }
0x1: {  	s5 =	rddreg [dreg:$0x0]  }
0x2: {  	s0 =	srdreg.scid;
	s2 =	rddreg [dreg:$0x1];
	s3 =	simm.s32 $0x0  }
0x3: {  	s12 =	simm.s32 $0x1;
	s4 =	sand.u32 $0x1, s0;
	s0 =	stileid.u32  }
0x4: {  	s13 =	simm.s32 $0x1400;
	s14 =	simm.s32 $0x80;
	s7 =	smul.u32 $0x14000, s0  }
0x5: {  	s15 =	simm.s32 $0x0;
	[smem:$0x7FF] =	sst s3;
	s8 =	smul.u32 $0x140000, s4  }
0x6: {  	s1 =	sshll.u32 s4, $0x4;
	s26 =	ssub.s32 $0x2, s4;
	s28 =	smul.u32 $0x50000, s0  }
0x7: {  	s4 =	sadd.s32 $0x41800, s5;
	s31 =	sshll.u32 s0, $0x6;
	s1 =	sor.u32 s0, s1  }
0x8: {  	s29 =	sshrl.u32 s26, $0x1;
	s6 =	smul.u32 $0x2800, s1;
	s1 =	rddreg [dreg:$0x2]  }
0x9: {  	_ =	strace $0x80000047;
	s9 =	sshrl.u32 s7, $0x3;
	s7 =	sadd.s32 s7, s8  }
0xa: {  	s8 =	ssub.s32 s26, s29;
	s30 =	sshrl.u32 s28, $0x2;
	s25 =	sadd.s32 s9, s5  }
0xb: {  	s7 =	sshrl.u32 s7, $0x3;
	s11 =	sadd.s32 s30, s2;
	s8 =	smax.u32 s8, $0x1  }
0xc: {  	s6 =	sshrl.u32 s6, $0x3;
	s7 =	sadd.s32 s7, s5;
	s11 =	sshrl.u32 s11, $0x3  }
0xd: {  	s10 =	sadd.s32 s6, s5;
	s5 =	sadd.s32 $0x19800, s25;
	s6 =	sor.u32 $0x1C01, s31  }
0xe: {  	s7 =	sadd.s32 $0x42000, s7;
	s9 =	sadd.s32 $0x5800, s10;
	s10 =	sadd.s32 $0x5A80, s10  }
.LBB2_1:
0xf: {  	[spmem:s11], [sflag:s6] =	dma.local [hbm:s5], $0x2800  }
0x10: {  	_ =	swait.ge [sflag:s12], $0x2800  }
0x11: {  	[sflag:s12] =	ssyncset.done $0x0  }
0x12: {  	[sflag:s12] =	ssyncadd.s32 $0xFFFFD800  }
0x13: {  	[tilespmem:s13], [sflag:$0x1] =	stream.linear.gather [hbm4b:s4+s3], $0x4000, $0x38;
	[tilespmem:$0x19400] =	vst v63  }
0x14: {  	_ =	swait.ge [sflag:s12], $0x4000  }
0x15: {  	[sflag:s12] =	ssyncset.done $0x0  }
0x16: {  	[sflag:s12] =	ssyncadd.s32 $0xFFFFC000  }
0x17: {  	[bflag:$0x0] =	sbarrier.arrive $0xFFFF  }
0x18: {  	[tilespmem:s3], [sflag:$0x1] =	stream.linear.gather [hbm4b:s9+s3], $0x1400, $0x38;
	[tilespmem:$0x19400] =	vst v63  }
0x19: {  	_ =	swait.ge [sflag:s12], $0x1400  }
0x1a: {  	[sflag:s12] =	ssyncset.done $0x0  }
0x1b: {  	s16 =	simm.s32 $0x0;
	[sflag:s12] =	ssyncadd.s32 $0xFFFFEC00  }
0x1c: {  	[spmem:s2] =	stream.indirect.scatter.add.f32 [tilespmem:s13], [sflag:$0x1], $0x80, s16, s14, $0xb8;
	[tilespmem:$0x19400] =	vst v63  }
0x1d: {  	_ =	swait.ge [sflag:s12], $0x4000  }
0x1e: {  	s16 =	simm.s32 $0x200;
	[sflag:s12] =	ssyncset.done $0x0  }
.LBB2_2:
0x1f: {  	s17 =	sshra.s32 s16, $0x2;
	[sflag:s12] =	ssyncadd.s32 $0xFFFFC000;
	p0 =	sne.s32 s16, $0x4E00  }
0x20: {  	[spmem:s2] =	stream.indirect.scatter.add.f32 [tilespmem:s13], [sflag:$0x1], $0x80, s17, s14, $0xb8;
	[tilespmem:$0x19400] =	vst v63  }
.Ltmp0:
0x21: {  	_ = 	snop;
	(pc) =	sbr.rel @p0 .LBB2_2-.Ltmp0, $4  }
0x22: {  	_ = 	snop  }
0x23: {  	s16 =	sadd.s32 $0x200, s16  }
0x24: {  	_ =	swait.ge [sflag:s12], $0x4000  }
0x25: {  	[sflag:s12] =	ssyncset.done $0x0  }
0x26: {  	[sflag:s12] =	ssyncadd.s32 $0xFFFFC000;
	s16 =	simm.s32 $0x0  }
0x27: {  	[tilespmem:s16], [sflag:$0x1] =	stream.linear.gather [hbm4b:s10+s16], $0x1400, $0x38;
	[tilespmem:$0x19400] =	vst v63  }
0x28: {  	_ =	swait.ge [sflag:s12], $0x1400  }
0x29: {  	[sflag:s12] =	ssyncset.done $0x0  }
0x2a: {  	s31 =	simm.s32 $0x0;
	[sflag:s12] =	ssyncadd.s32 $0xFFFFEC00  }
0x2b: {  	[spmem:s2] =	stream.indirect.scatter.add.f32 [tilespmem:s13], [sflag:$0x1], $0x80, s31, s14, $0xb8;
	[tilespmem:$0x19400] =	vst v63  }
0x2c: {  	_ =	swait.ge [sflag:s12], $0x4000  }
0x2d: {  	s16 =	simm.s32 $0x200;
	[sflag:s12] =	ssyncset.done $0x0  }
.LBB2_4:
0x2e: {  	s17 =	sshra.s32 s16, $0x2;
	[sflag:s12] =	ssyncadd.s32 $0xFFFFC000;
	p0 =	sne.s32 s16, $0x4E00  }
0x2f: {  	[spmem:s2] =	stream.indirect.scatter.add.f32 [tilespmem:s13], [sflag:$0x1], $0x80, s17, s14, $0xb8;
	[tilespmem:$0x19400] =	vst v63  }
.Ltmp1:
0x30: {  	_ = 	snop;
	(pc) =	sbr.rel @p0 .LBB2_4-.Ltmp1, $4  }
0x31: {  	_ = 	snop  }
0x32: {  	s16 =	sadd.s32 $0x200, s16  }
0x33: {  	_ =	swait.ge [sflag:s12], $0x4000  }
0x34: {  	[sflag:s12] =	ssyncset.done $0x0  }
0x35: {  	s15 =	sadd.s32 $0x1, s15  }
0x36: {  	[sflag:s12] =	ssyncadd.s32 $0xFFFFC000;
	p0 =	sne.s32 s15, s8  }
.Ltmp2:
0x37: {  	[bflag:$0x0] =	sbarrier.arrive $0xFFFF;
	(pc) =	sbr.rel @p0 .LBB2_1-.Ltmp2, $4  }
0x38: {  	[hbm:s7], [sflag:s6] =	dma.local [spmem:s11], $0x2800  }
0x39: {  	_ =	swait.ge [sflag:s12], $0x2800  }
0x3a: {  	[sflag:s12] =	ssyncset.done $0x0  }
0x3b: {  	[sflag:s12] =	ssyncadd.s32 $0xFFFFD800  }
0x3c: {  	_ =	sfence.sel $0x180000  }
0x3d: {  	[bflag:$0x0] =	sbarrier.arrive $0xFFFF  }
0x3e: {  	p0 =	sne.s32 s0, $0x0;
	_ =	strace $0x90000047  }
0x3f: {  	s0 =	sadd.s32 @!p0 $0x100000, s1;
	[bflag:$0x2] =	sbarrier.arrive $0xFFFF  }
0x40: {  	[sflag:s0] =	ssyncadd.tile.s32 @!p0 $0x1;
	_ =	shalt  }
.Lfunc_end2:
_tile_overlayer_lowered:
.L_overlay_start_2:
0x41: {  	(tag) =	ssettag $0x2  }
0x42: {  	s0 =	rddreg [dreg:$0x0];
	s2 =	stileid.u32  }
0x43: {  	s1 =	rddreg [dreg:$0x1];
	p0 =	sne.s32 s2, $0x0  }
0x44: {  	s3 =	rddreg [dreg:$0x2];
	[bflag:$0x3] =	sbarrier.arrive $0xFFFF;
	s2 =	simm.s32 @!p0 $0x1C01  }
0x45: {  	[timem:s3], [sflag:s2] =	dma.local @!p0 [hbm:s0], s1  }
0x46: {  	s0 =	simm.s32 @!p0 $0x1  }
0x47: {  	_ =	swait.ge @!p0 [sflag:s0], s1  }
0x48: {  	s1 =	ssub.s32 @!p0 $0x0, s1;
	[sflag:s0] =	ssyncset.done @!p0 $0x0  }
0x49: {  	[sflag:s0] =	ssyncadd.s32 @!p0 s1  }
0x4a: {  	[bflag:$0x3] =	sbarrier.arrive $0xFFFF  }
0x4b: {  	_ =	shalt  }

// kernel: kernel.13.cloned.1.call-start
scs
__scs_entry_jumppad:
0x0: {  	(pc) =	sbr.rel $0x88, $3  }
0x1: {  	(tag) =	ssettag $0x0;
	lr =	simm.s32 $0x1  }
0x2: {  	[smem:$0x3F8D] =	sst lr;
	_ =	strace $0xD0000000  }
0x3: {  	_ = 	snop  }
0x4: {  	_ = 	snop  }
0x5: {  	_ = 	snop  }
0x6: {  	_ = 	snop  }
0x7: {  	_ = 	snop  }
__scs_overlays_trampoline_lowered:
0x8: {  	[smem:$0x3F9C] =	sst s0  }
0x9: {  	[smem:$0x3F9D] =	sst s1  }
0xa: {  	[smem:$0x3F9E] =	sst s2  }
0xb: {  	[smem:$0x3F9F] =	sst s3  }
0xc: {  	[smem:$0x3FA0] =	sst s4  }
0xd: {  	[smem:$0x3FA1] =	sst s5  }
0xe: {  	[smem:$0x3FA2] =	sst s6  }
0xf: {  	[smem:$0x3FA3] =	sst s7  }
0x10: {  	[smem:$0x3FA4] =	sst s8  }
0x11: {  	[smem:$0x3FA5] =	sst s9;
	s0 =	simm.s32 @!p0 $0x0  }
0x12: {  	s1 =	sld [smem:$0x3F8B];
	s0 =	simm.s32 @p0 $0x1  }
0x13: {  	[smem:$0x3FA6] =	sst s0;
	s0 =	simm.s32 @!p1 $0x0  }
0x14: {  	s2 =	sld [smem:$0x3F8A];
	s0 =	simm.s32 @p1 $0x1  }
0x15: {  	[smem:$0x3FA7] =	sst s0;
	s0 =	simm.s32 @!p2 $0x0  }
0x16: {  	s3 =	sld [smem:$0x3FDB];
	s0 =	simm.s32 @p2 $0x1  }
0x17: {  	s4 =	simm.s32 $0x1BF5;
	[smem:$0x3FA9] =	sst s0  }
0x18: {  	s0 =	sld [smem:$0x3F8C];
	_ =	swait.ge [sflag:s4], $0x0  }
0x19: {  	s7 =	sld [smem:$0x3F8D]  }
0x1a: {  	s8 =	sadd.s32 $0xFFFFE003, lr  }
0x1b: {  	s9 =	sadd.s32 $0xFFFFFEF7, lr;
	s5 =	simm.s32 $0xFFFFFFFF;
	p2 =	slt.u32 s8, $0xFFFFF086  }
0x1c: {  	p1 =	slt.u32 s9, $0xF7A;
	s5 =	simm.s32 @!p2 $0x0  }
0x1d: {  	s5 =	simm.s32 @p1 $0x1;
	p0 =	seq.s32 s7, s2  }
0x1e: {  	s7 =	smul.u32 @!p0 $0xF7A, s2;
	p2 =	seq.s32 @!p0 s5, $0x0  }
0x1f: {  	s9 =	smul.u32 $0xF7A, s1;
	s8 =	simm.s32 @!p0 $0x1BF5;
	p2 =	por !p2, p0  }
0x20: {  	[sflag:s8] =	ssyncset.s32 @!p0 $0xFFFFF086;
	s6 =	sadd.s32 @!p0 s3, s7;
	s7 =	simm.s32 @!p0 $0x108  }
0x21: {  	s3 =	sadd.s32 s3, s9;
	s6 =	sadd.s32 @!p0 $0x88, s6;
	s7 =	simm.s32 @p2 $0x1082  }
0x22: {  	[simem:s7], [sflag:s8] =	dma.local @!p0 [hbm:s6], $0xF7A  }
0x23: {  	s9 =	sor.u32 $0xD0000000, s2;
	s6 =	simm.s32 $0x108;
	_ =	swait.ge @!p0 [sflag:s8], $0x0  }
0x24: {  	s3 =	sadd.s32 $0x88, s3;
	s6 =	simm.s32 @!p1 $0x1082;
	[sflag:s4] =	ssyncset.s32 $0xFFFFF086  }
0x25: {  	[simem:s6], [sflag:s4] =	dma.local [hbm:s3], $0xF7A  }
0x26: {  	[smem:$0x3F8D] =	sst s1;
	(tag) =	ssettag s2;
	_ =	strace s9  }
0x27: {  	s1 =	sld [smem:$0x3F9D]  }
0x28: {  	s2 =	sld [smem:$0x3F9E]  }
0x29: {  	s4 =	sld [smem:$0x3FA0]  }
0x2a: {  	p0 =	seq.s32 s5, $0x0;
	s5 =	sld [smem:$0x3FA1]  }
0x2b: {  	s6 =	sld [smem:$0x3FA2]  }
0x2c: {  	s7 =	sld [smem:$0x3FA3]  }
0x2d: {  	s3 =	simm.s32 $0x108;
	s8 =	sld [smem:$0x3FA4]  }
0x2e: {  	s3 =	simm.s32 @!p0 $0x1082;
	s9 =	sld [smem:$0x3FA5]  }
0x2f: {  	lr =	sadd.s32 s0, s3;
	s0 =	sld [smem:$0x3F9C]  }
0x30: {  	s3 =	sld [smem:$0x3F9F]  }
0x31: {  	[smem:$0x3FA8] =	sst s10  }
0x32: {  	s10 =	sld [smem:$0x3FA6];
	_ =	sdelay $0x3  }
0x33: {  	p0 =	seq.s32 s10, $0x1;
	s10 =	sld [smem:$0x3FA8];
	_ =	sdelay $0x3  }
0x34: {  	[smem:$0x3FA8] =	sst s10  }
0x35: {  	s10 =	sld [smem:$0x3FA7];
	_ =	sdelay $0x3  }
0x36: {  	p1 =	seq.s32 s10, $0x1;
	s10 =	sld [smem:$0x3FA8];
	_ =	sdelay $0x3  }
0x37: {  	[smem:$0x3FA8] =	sst s10  }
0x38: {  	s10 =	sld [smem:$0x3FA9]  }
0x39: {  	_ = 	snop;
	(pc) =	sbr.ind lr, $3  }
0x3a: {  	_ = 	snop  }
0x3b: {  	_ = 	snop  }
0x3c: {  	p2 =	seq.s32 s10, $0x1;
	s10 =	sld [smem:$0x3FA8]  }
0x3d: {  	_ =	shalt  }
0x3e: {  	_ =	shalt  }
0x3f: {  	_ =	shalt  }
0x40: {  	_ =	shalt  }
0x41: {  	_ =	shalt  }
0x42: {  	_ =	shalt  }
0x43: {  	_ =	shalt  }
0x44: {  	_ =	shalt  }
0x45: {  	_ =	shalt  }
0x46: {  	_ =	shalt  }
0x47: {  	_ =	shalt  }
0x48: {  	_ =	shalt  }
0x49: {  	_ =	shalt  }
0x4a: {  	_ =	shalt  }
0x4b: {  	_ =	shalt  }
0x4c: {  	_ =	shalt  }
0x4d: {  	_ =	shalt  }
0x4e: {  	_ =	shalt  }
0x4f: {  	_ =	shalt  }
0x50: {  	_ =	shalt  }
0x51: {  	_ =	shalt  }
0x52: {  	_ =	shalt  }
0x53: {  	_ =	shalt  }
0x54: {  	_ =	shalt  }
0x55: {  	_ =	shalt  }
0x56: {  	_ =	shalt  }
0x57: {  	_ =	shalt  }
0x58: {  	_ =	shalt  }
0x59: {  	_ =	shalt  }
0x5a: {  	_ =	shalt  }
0x5b: {  	_ =	shalt  }
0x5c: {  	_ =	shalt  }
0x5d: {  	_ =	shalt  }
0x5e: {  	_ =	shalt  }
0x5f: {  	_ =	shalt  }
0x60: {  	_ =	shalt  }
0x61: {  	_ =	shalt  }
0x62: {  	_ =	shalt  }
0x63: {  	_ =	shalt  }
0x64: {  	_ =	shalt  }
0x65: {  	_ =	shalt  }
0x66: {  	_ =	shalt  }
0x67: {  	_ =	shalt  }
0x68: {  	_ =	shalt  }
0x69: {  	_ =	shalt  }
0x6a: {  	_ =	shalt  }
0x6b: {  	_ =	shalt  }
0x6c: {  	_ =	shalt  }
0x6d: {  	_ =	shalt  }
0x6e: {  	_ =	shalt  }
0x6f: {  	_ =	shalt  }
0x70: {  	_ =	shalt  }
0x71: {  	_ =	shalt  }
0x72: {  	_ =	shalt  }
0x73: {  	_ =	shalt  }
0x74: {  	_ =	shalt  }
0x75: {  	_ =	shalt  }
0x76: {  	_ =	shalt  }
0x77: {  	_ =	shalt  }
0x78: {  	_ =	shalt  }
0x79: {  	_ =	shalt  }
0x7a: {  	_ =	shalt  }
0x7b: {  	_ =	shalt  }
0x7c: {  	_ =	shalt  }
0x7d: {  	_ =	shalt  }
0x7e: {  	_ =	shalt  }
0x7f: {  	_ =	shalt  }
0x80: {  	_ =	shalt  }
0x81: {  	_ =	shalt  }
0x82: {  	_ =	shalt  }
0x83: {  	_ =	shalt  }
0x84: {  	_ =	shalt  }
0x85: {  	_ =	shalt  }
0x86: {  	_ =	shalt  }
0x87: {  	_ =	shalt  }
.Lfunc_end0:
.L_simem_size_0:
called_computation.1_lowered:
.L_overlay_start_0:
0x88: {  	s2 =	sld [smem:$0x3FD9]  }
0x89: {  	s3 =	sld [smem:$0x3FFE];
	_ =	sdelay $0x1  }
0x8a: {  	s1 =	srdreg.scid  }
0x8b: {  	s0 =	sand.u32 $0x1, s1  }
0x8c: {  	s16 =	sshll.u32 s0, $0xA;
	s2 =	sadd.s32 s3, s2  }
0x8d: {  	s2 =	sadd.s32 s2, s16  }
0x8e: {  	[smem:$0x3FB4] =	sst s2  }
0x8f: {  	_ = 	snop  }
0x90: {  	(tm) =	ssettm $0x1  }
0x91: {  	s17 =	sld [smem:$0x3FFB];
	_ =	sdelay $0x3  }
0x92: {  	_ =	strace s17  }
0x93: {  	s2 =	sld [smem:$0x3FFC];
	_ =	sdelay $0x3  }
0x94: {  	_ =	strace s2  }
0x95: {  	s2 =	sld [smem:$0x3FFD];
	_ =	sdelay $0x3  }
0x96: {  	_ =	strace s2  }
0x97: {  	_ =	strace $0x8FFFFFFF  }
0x98: {  	s18 =	sld [smem:$0x3FDB];
	_ =	sdelay $0x1  }
0x99: {  	s19 =	simm.s32 $_scs_section_size  }
0x9a: {  	s4 =	simm.s32 $_size__tile_overlayer_lowered;
	s5 =	simm.s32 $_tile_overlayer_lowered  }
0x9b: {  	s22 =	simm.s32 $0x1BFF;
	s21 =	sshll.u32 s5, $0x1;
	s2 =	sadd.s32 s19, s18  }
0x9c: {  	s6 =	simm.s32 $0x0;
	s20 =	sshll.u32 s4, $0x1;
	s4 =	sadd.s32 s21, s2  }
0x9d: {  	[timem:s6], [sflag:s22] =	dma.local [hbm:s4], s20  }
0x9e: {  	_ =	swait.ge [sflag:s22], s20  }
0x9f: {  	s3 =	ssub.s32 $0x0, s20;
	[sflag:s22] =	ssyncset.done $0x0  }
0xa0: {  	[sflag:s22] =	ssyncadd.s32 s3;
	_ =	sdelay $0x1  }
0xa1: {  	s23 =	simm.s32 $0x1B8B  }
0xa2: {  	_ =	swait.ge [sflag:s23], $0x1  }
0xa3: {  	[sflag:s23] =	ssyncset.done $0x0  }
0xa4: {  	s25 =	simm.s32 $0x1B8E;
	s24 =	sld [smem:$0x3FFE];
	[sflag:s23] =	ssyncadd.s32 $0xFFFFFFFF  }
0xa5: {  	s26 =	simm.s32 $execute0_lowered;
	[smem:$0x3FD2] =	sst s25  }
0xa6: {  	s4 =	sshll.u32 s26, $0x1;
	_ =	strace $0x80000049;
	[dreg:$0x1] =	wrdreg $0xFFFFFFFF  }
0xa7: {  	s28 =	simm.s32 $_size_execute0_lowered;
	s2 =	sadd.s32 s2, s4;
	[dreg:$0x0] =	wrdreg $0x0  }
0xa8: {  	s4 =	sshll.u32 s28, $0x1;
	[dreg:$0x2] =	wrdreg s2  }
0xa9: {  	[dreg:$0x3] =	wrdreg s4  }
0xaa: {  	[dreg:$0x4] =	wrdreg $0xC0  }
0xab: {  	_ =	task [dreg:s6], $0x5FFFF  }
0xac: {  	[dreg:$0x1] =	wrdreg $0xFFFFFFFF  }
0xad: {  	[dreg:$0x0] =	wrdreg $0x60  }
0xae: {  	[dreg:$0x2] =	wrdreg s24  }
0xaf: {  	[dreg:$0x3] =	wrdreg $0xA8000  }
0xb0: {  	[dreg:$0x4] =	wrdreg $0x9  }
0xb1: {  	_ =	task.clear_ibuf [dreg:s6], $0x5FFFF;
	_ =	strace $0x90000049  }
0xb2: {  	s29 =	simm.s32 $0x9;
	_ =	strace $0x8000004B  }
0xb3: {  	_ =	swait.ge [sflag:s29], $0x1  }
0xb4: {  	[sflag:s29] =	ssyncadd.s32 $0xFFFFFFFF  }
0xb5: {  	_ =	strace $0x9000004B  }
0xb6: {  	_ =	sfence  }
0xb7: {  	s30 =	sld [smem:$0x0];
	_ =	sdelay $0x2  }
0xb8: {  	s31 =	sshll.u32 s1, $0xD;
	s1 =	sshrl.u32 s1, $0x2  }
0xb9: {  	s3 =	sand.u32 $0x4000, s31;
	s1 =	sadd.s32 s1, s30  }
0xba: {  	s0 =	sor.u32 s3, s0;
	s1 =	sshll.u32 s1, $0x11  }
0xbb: {  	s0 =	sor.u32 s1, s0  }
0xbc: {  	s0 =	sadd.s32 $0x8F2B, s0  }
0xbd: {  	[sflag:s0] =	ssyncadd.remote.s32 $0x1  }
0xbe: {  	_ =	sfence.sel $0xFFFF  }
0xbf: {  	[dreg:$0x0] =	wrdreg $0xFFFFFFFF;
	(pc) =	sbr.abs _section_cstart, $3  }
0xc0: {  	[dreg:$0x1] =	wrdreg $0xFFFFFFFF  }
0xc1: {  	_ =	task.clear_ibuf [dreg:s6], $0x2FFFF;
	_ =	strace $0x9FFFFFFF  }
0xc2: {  	(tm) =	ssettm $0x7FFFFFFF  }
0xc3: {  	_ =	shalt  }
tec
execute0_lowered:
.L_overlay_start_1:
0x0: {  	(tag) =	ssettag $0x1  }
0x1: {  	s5 =	rddreg [dreg:$0x0];
	s1 =	srdreg.scid  }
0x2: {  	s0 =	stileid.u32;
	s2 =	rddreg [dreg:$0x1]  }
0x3: {  	s3 =	simm.s32 $0x0;
	s16 =	simm.s32 $0x80;
	s17 =	simm.s32 $0x2800  }
0x4: {  	s18 =	simm.s32 $0x6800;
	s19 =	simm.s32 $0x1;
	s20 =	simm.s32 $0x2  }
0x5: {  	s21 =	simm.s32 $0x1480;
	s22 =	simm.s32 $0x3;
	s23 =	simm.s32 $0x4  }
0x6: {  	s24 =	simm.s32 $0x0;
	s6 =	sand.u32 $0x1, s1;
	s1 =	rddreg [dreg:$0x2]  }
0x7: {  	s7 =	smul.u32 $0x14000, s0;
	[smem:$0x7FF] =	sst s3;
	s4 =	sadd.s32 $0x19800, s5  }
0x8: {  	s11 =	sadd.s32 $0x92000, s5;
	s9 =	smul.u32 $0x50000, s0;
	s12 =	sadd.s32 $0xF800, s5  }
0x9: {  	s31 =	sshll.u32 s0, $0x6;
	s8 =	smul.u32 $0x140000, s6;
	s28 =	ssub.s32 $0x2, s6  }
0xa: {  	_ =	strace $0x8000004A;
	s6 =	sshll.u32 s6, $0x4;
	s10 =	sshrl.u32 s28, $0x1  }
0xb: {  	s9 =	sshrl.u32 s9, $0x2;
	s29 =	sor.u32 s0, s6;
	s30 =	sshrl.u32 s7, $0x3  }
0xc: {  	s6 =	sor.u32 $0x1C05, s31;
	s8 =	sadd.s32 s7, s8;
	s10 =	ssub.s32 s28, s10  }
0xd: {  	s13 =	sadd.s32 s9, s2;
	s14 =	smul.u32 $0x500, s29;
	s8 =	sshrl.u32 s8, $0x3  }
0xe: {  	s13 =	sshrl.u32 s13, $0x3;
	s8 =	sadd.s32 s8, s5;
	s5 =	sadd.s32 s4, s30  }
0xf: {  	s9 =	sadd.s32 s11, s14;
	s15 =	sadd.s32 $0x280, s14;
	s7 =	sadd.s32 $0x9C000, s8  }
0x10: {  	s8 =	smax.u32 s10, $0x1;
	s10 =	sadd.s32 s12, s14;
	s11 =	sadd.s32 s11, s15  }
0x11: {  	s12 =	sadd.s32 s12, s15;
	s14 =	simm.s32 $0x5;
	s15 =	simm.s32 $0x1400  }
.LBB2_1:
0x12: {  	[spmem:s13], [sflag:s6] =	dma.local [hbm:s5], $0x2800  }
0x13: {  	_ =	swait.ge [sflag:s14], $0x2800  }
0x14: {  	[sflag:s14] =	ssyncset.done $0x0  }
0x15: {  	[sflag:s14] =	ssyncadd.s32 $0xFFFFD800  }
0x16: {  	[bflag:$0x0] =	sbarrier.arrive $0xFFFF  }
0x17: {  	[tilespmem:s3], [sflag:$0x5] =	stream.linear.gather [hbm4b:s9+s3], $0x1400, $0x38;
	[tilespmem:$0x1E800] =	vst v63  }
0x18: {  	_ =	swait.ge [sflag:s14], $0x1400  }
0x19: {  	[sflag:s14] =	ssyncset.done $0x0  }
0x1a: {  	[sflag:s14] =	ssyncadd.s32 $0xFFFFEC00  }
0x1b: {  	[tilespmem:s15], [sflag:$0x5] =	stream.linear.gather [hbm4b:s10+s3], $0x1400, $0x38;
	[tilespmem:$0x1E800] =	vst v63  }
0x1c: {  	_ =	swait.ge [sflag:s14], $0x1400  }
0x1d: {  	[sflag:s14] =	ssyncset.done $0x0  }
0x1e: {  	[sflag:s14] =	ssyncadd.s32 $0xFFFFEC00  }
0x1f: {  	[tilespmem:s17], [sflag:$0x1] =	stream.indirect.gather [hbm4b:s4+s16], $0x80, s3, s16, $0xb8;
	[tilespmem:$0x1E800] =	vst v63  }
0x20: {  	_ = 	snop  }
0x21: {  	[tilespmem:s18], [sflag:$0x2] =	stream.indirect.gather [hbm4b:s4+s16], $0x80, s16, s16, $0xb8;
	[tilespmem:$0x1E800] =	vst v63  }
0x22: {  	_ =	swait.ge [sflag:s19], $0x4000  }
0x23: {  	[sflag:s19] =	ssyncset.done $0x0  }
0x24: {  	[sflag:s19] =	ssyncadd.s32 $0xFFFFC000  }
0x25: {  	[spmem:s2] =	stream.indirect.scatter.add.f32 [tilespmem:s17], [sflag:$0x3], $0x80, s15, s16, $0xb8;
	[tilespmem:$0x1E800] =	vst v63  }
0x26: {  	_ =	swait.ge [sflag:s20], $0x4000  }
0x27: {  	[sflag:s20] =	ssyncset.done $0x0  }
0x28: {  	[sflag:s20] =	ssyncadd.s32 $0xFFFFC000  }
0x29: {  	[spmem:s2] =	stream.indirect.scatter.add.f32 [tilespmem:s18], [sflag:$0x4], $0x80, s21, s16, $0xb8;
	[tilespmem:$0x1E800] =	vst v63  }
0x2a: {  	_ =	swait.ge [sflag:s22], $0x4000  }
0x2b: {  	[sflag:s22] =	ssyncset.done $0x0  }
0x2c: {  	s25 =	simm.s32 $0x100;
	[sflag:s22] =	ssyncadd.s32 $0xFFFFC000  }
0x2d: {  	[tilespmem:s17], [sflag:$0x1] =	stream.indirect.gather [hbm4b:s4+s16], $0x80, s25, s16, $0xb8;
	[tilespmem:$0x1E800] =	vst v63  }
0x2e: {  	_ =	swait.ge [sflag:s23], $0x4000  }
0x2f: {  	[sflag:s23] =	ssyncset.done $0x0  }
0x30: {  	s30 =	simm.s32 $0x180;
	[sflag:s23] =	ssyncadd.s32 $0xFFFFC000  }
0x31: {  	[tilespmem:s18], [sflag:$0x2] =	stream.indirect.gather [hbm4b:s4+s16], $0x80, s30, s16, $0xb8;
	[tilespmem:$0x1E800] =	vst v63  }
0x32: {  	_ =	swait.ge [sflag:s19], $0x4000  }
0x33: {  	[sflag:s19] =	ssyncset.done $0x0  }
0x34: {  	s31 =	simm.s32 $0x1500;
	[sflag:s19] =	ssyncadd.s32 $0xFFFFC000  }
0x35: {  	[spmem:s2] =	stream.indirect.scatter.add.f32 [tilespmem:s17], [sflag:$0x3], $0x80, s31, s16, $0xb8;
	[tilespmem:$0x1E800] =	vst v63  }
0x36: {  	_ =	swait.ge [sflag:s20], $0x4000  }
0x37: {  	[sflag:s20] =	ssyncset.done $0x0  }
0x38: {  	s26 =	simm.s32 $0x1580;
	s25 =	simm.s32 $0xFFFFB800;
	[sflag:s20] =	ssyncadd.s32 $0xFFFFC000  }
.LBB2_2:
0x39: {  	[spmem:s2] =	stream.indirect.scatter.add.f32 [tilespmem:s18], [sflag:$0x4], $0x80, s26, s16, $0xb8;
	[tilespmem:$0x1E800] =	vst v63  }
0x3a: {  	s26 =	smov.u32 s25  }
0x3b: {  	p0 =	sne.s32 s25, $0xFFFFFC00;
	s25 =	sadd.s32 $0x400, s25;
	_ =	swait.ge [sflag:s22], $0x4000  }
0x3c: {  	s26 =	sshra.s32 s26, $0x2;
	[sflag:s22] =	ssyncset.done $0x0  }
0x3d: {  	s28 =	sadd.s32 $0x1400, s26;
	[sflag:s22] =	ssyncadd.s32 $0xFFFFC000  }
0x3e: {  	[tilespmem:s17], [sflag:$0x1] =	stream.indirect.gather [hbm4b:s4+s16], $0x80, s28, s16, $0xb8;
	[tilespmem:$0x1E800] =	vst v63  }
0x3f: {  	_ =	swait.ge [sflag:s23], $0x4000  }
0x40: {  	[sflag:s23] =	ssyncset.done $0x0  }
0x41: {  	s28 =	sadd.s32 $0x1480, s26;
	[sflag:s23] =	ssyncadd.s32 $0xFFFFC000  }
0x42: {  	[tilespmem:s18], [sflag:$0x2] =	stream.indirect.gather [hbm4b:s4+s16], $0x80, s28, s16, $0xb8;
	[tilespmem:$0x1E800] =	vst v63  }
0x43: {  	_ =	swait.ge [sflag:s19], $0x4000  }
0x44: {  	[sflag:s19] =	ssyncset.done $0x0  }
.Ltmp0:
0x45: {  	s28 =	sadd.s32 $0x2800, s26;
	[sflag:s19] =	ssyncadd.s32 $0xFFFFC000;
	(pc) =	sbr.rel @p0 .LBB2_2-.Ltmp0, $4  }
0x46: {  	[spmem:s2] =	stream.indirect.scatter.add.f32 [tilespmem:s17], [sflag:$0x3], $0x80, s28, s16, $0xb8;
	[tilespmem:$0x1E800] =	vst v63  }
0x47: {  	_ =	swait.ge [sflag:s20], $0x4000  }
0x48: {  	[sflag:s20] =	ssyncset.done $0x0  }
0x49: {  	s26 =	sadd.s32 $0x2880, s26;
	[sflag:s20] =	ssyncadd.s32 $0xFFFFC000  }
0x4a: {  	[spmem:s2] =	stream.indirect.scatter.add.f32 [tilespmem:s18], [sflag:$0x4], $0x80, s26, s16, $0xb8;
	[tilespmem:$0x1E800] =	vst v63  }
0x4b: {  	s25 =	simm.s32 $0x0  }
0x4c: {  	[tilespmem:s25], [sflag:$0x5] =	stream.linear.gather [hbm4b:s11+s25], $0x1400, $0x38;
	[tilespmem:$0x1E800] =	vst v63  }
0x4d: {  	_ =	swait.ge [sflag:s14], $0x1400  }
0x4e: {  	[sflag:s14] =	ssyncset.done $0x0  }
0x4f: {  	[sflag:s14] =	ssyncadd.s32 $0xFFFFEC00  }
0x50: {  	[tilespmem:s15], [sflag:$0x5] =	stream.linear.gather [hbm4b:s12+s25], $0x1400, $0x38;
	[tilespmem:$0x1E800] =	vst v63  }
0x51: {  	_ =	swait.ge [sflag:s14], $0x1400  }
0x52: {  	[sflag:s14] =	ssyncset.done $0x0  }
0x53: {  	[sflag:s14] =	ssyncadd.s32 $0xFFFFEC00  }
0x54: {  	_ =	swait.ge [sflag:s22], $0x4000  }
0x55: {  	[sflag:s22] =	ssyncset.done $0x0  }
0x56: {  	s29 =	simm.s32 $0x0;
	[sflag:s22] =	ssyncadd.s32 $0xFFFFC000  }
0x57: {  	[tilespmem:s17], [sflag:$0x1] =	stream.indirect.gather [hbm4b:s4+s16], $0x80, s29, s16, $0xb8;
	[tilespmem:$0x1E800] =	vst v63  }
0x58: {  	_ =	swait.ge [sflag:s23], $0x4000  }
0x59: {  	[sflag:s23] =	ssyncset.done $0x0  }
0x5a: {  	s30 =	simm.s32 $0x80;
	[sflag:s23] =	ssyncadd.s32 $0xFFFFC000  }
0x5b: {  	[tilespmem:s18], [sflag:$0x2] =	stream.indirect.gather [hbm4b:s4+s16], $0x80, s30, s16, $0xb8;
	[tilespmem:$0x1E800] =	vst v63  }
0x5c: {  	_ =	swait.ge [sflag:s19], $0x4000  }
0x5d: {  	[sflag:s19] =	ssyncset.done $0x0  }
0x5e: {  	s31 =	simm.s32 $0x1400;
	[sflag:s19] =	ssyncadd.s32 $0xFFFFC000  }
0x5f: {  	[spmem:s2] =	stream.indirect.scatter.add.f32 [tilespmem:s17], [sflag:$0x3], $0x80, s31, s16, $0xb8;
	[tilespmem:$0x1E800] =	vst v63  }
0x60: {  	_ =	swait.ge [sflag:s20], $0x4000  }
0x61: {  	[sflag:s20] =	ssyncset.done $0x0  }
0x62: {  	s26 =	simm.s32 $0x1480;
	s25 =	simm.s32 $0x400;
	[sflag:s20] =	ssyncadd.s32 $0xFFFFC000  }
.LBB2_4:
0x63: {  	[spmem:s2] =	stream.indirect.scatter.add.f32 [tilespmem:s18], [sflag:$0x4], $0x80, s26, s16, $0xb8;
	[tilespmem:$0x1E800] =	vst v63  }
0x64: {  	s26 =	smov.u32 s25  }
0x65: {  	p0 =	sne.s32 s25, $0x4C00;
	s25 =	sadd.s32 $0x400, s25;
	_ =	swait.ge [sflag:s22], $0x4000  }
0x66: {  	[sflag:s22] =	ssyncset.done $0x0  }
0x67: {  	s26 =	sshra.s32 s26, $0x2;
	[sflag:s22] =	ssyncadd.s32 $0xFFFFC000  }
0x68: {  	[tilespmem:s17], [sflag:$0x1] =	stream.indirect.gather [hbm4b:s4+s16], $0x80, s26, s16, $0xb8;
	[tilespmem:$0x1E800] =	vst v63  }
0x69: {  	_ =	swait.ge [sflag:s23], $0x4000  }
0x6a: {  	[sflag:s23] =	ssyncset.done $0x0  }
0x6b: {  	s28 =	sadd.s32 $0x80, s26;
	[sflag:s23] =	ssyncadd.s32 $0xFFFFC000  }
0x6c: {  	[tilespmem:s18], [sflag:$0x2] =	stream.indirect.gather [hbm4b:s4+s16], $0x80, s28, s16, $0xb8;
	[tilespmem:$0x1E800] =	vst v63  }
0x6d: {  	_ =	swait.ge [sflag:s19], $0x4000  }
0x6e: {  	[sflag:s19] =	ssyncset.done $0x0  }
.Ltmp1:
0x6f: {  	s28 =	sadd.s32 $0x1400, s26;
	[sflag:s19] =	ssyncadd.s32 $0xFFFFC000;
	(pc) =	sbr.rel @p0 .LBB2_4-.Ltmp1, $4  }
0x70: {  	[spmem:s2] =	stream.indirect.scatter.add.f32 [tilespmem:s17], [sflag:$0x3], $0x80, s28, s16, $0xb8;
	[tilespmem:$0x1E800] =	vst v63  }
0x71: {  	_ =	swait.ge [sflag:s20], $0x4000  }
0x72: {  	[sflag:s20] =	ssyncset.done $0x0  }
0x73: {  	s26 =	sadd.s32 $0x1480, s26;
	[sflag:s20] =	ssyncadd.s32 $0xFFFFC000  }
0x74: {  	[spmem:s2] =	stream.indirect.scatter.add.f32 [tilespmem:s18], [sflag:$0x4], $0x80, s26, s16, $0xb8;
	[tilespmem:$0x1E800] =	vst v63  }
0x75: {  	_ =	swait.ge [sflag:s22], $0x4000  }
0x76: {  	[sflag:s22] =	ssyncset.done $0x0  }
0x77: {  	[sflag:s22] =	ssyncadd.s32 $0xFFFFC000  }
0x78: {  	_ =	swait.ge [sflag:s23], $0x4000  }
0x79: {  	s24 =	sadd.s32 $0x1, s24;
	[sflag:s23] =	ssyncset.done $0x0  }
0x7a: {  	p0 =	sne.s32 s24, s8;
	[sflag:s23] =	ssyncadd.s32 $0xFFFFC000  }
.Ltmp2:
0x7b: {  	[bflag:$0x0] =	sbarrier.arrive $0xFFFF;
	(pc) =	sbr.rel @p0 .LBB2_1-.Ltmp2, $4  }
0x7c: {  	[hbm:s7], [sflag:s6] =	dma.local [spmem:s13], $0x2800  }
0x7d: {  	_ =	swait.ge [sflag:s14], $0x2800  }
0x7e: {  	[sflag:s14] =	ssyncset.done $0x0  }
0x7f: {  	[sflag:s14] =	ssyncadd.s32 $0xFFFFD800  }
0x80: {  	_ =	sfence.sel $0x180000  }
0x81: {  	[bflag:$0x0] =	sbarrier.arrive $0xFFFF  }
0x82: {  	p0 =	sne.s32 s0, $0x0;
	_ =	strace $0x9000004A  }
0x83: {  	s0 =	sadd.s32 @!p0 $0x100000, s1;
	[bflag:$0x2] =	sbarrier.arrive $0xFFFF  }
0x84: {  	[sflag:s0] =	ssyncadd.tile.s32 @!p0 $0x1;
	_ =	shalt  }
.Lfunc_end2:
_tile_overlayer_lowered:
.L_overlay_start_2:
0x85: {  	(tag) =	ssettag $0x2  }
0x86: {  	s0 =	rddreg [dreg:$0x0];
	s2 =	stileid.u32  }
0x87: {  	s1 =	rddreg [dreg:$0x1];
	p0 =	sne.s32 s2, $0x0  }
0x88: {  	s3 =	rddreg [dreg:$0x2];
	[bflag:$0x3] =	sbarrier.arrive $0xFFFF;
	s2 =	simm.s32 @!p0 $0x1C05  }
0x89: {  	[timem:s3], [sflag:s2] =	dma.local @!p0 [hbm:s0], s1  }
0x8a: {  	s0 =	simm.s32 @!p0 $0x5  }
0x8b: {  	_ =	swait.ge @!p0 [sflag:s0], s1  }
0x8c: {  	s1 =	ssub.s32 @!p0 $0x0, s1;
	[sflag:s0] =	ssyncset.done @!p0 $0x0  }
0x8d: {  	[sflag:s0] =	ssyncadd.s32 @!p0 s1  }
0x8e: {  	[bflag:$0x3] =	sbarrier.arrive $0xFFFF  }
0x8f: {  	_ =	shalt  }

// kernel: kernel.16.cloned.1.call-start
scs
__scs_entry_jumppad:
0x0: {  	(pc) =	sbr.rel $0x88, $3  }
0x1: {  	(tag) =	ssettag $0x0;
	lr =	simm.s32 $0x1  }
0x2: {  	[smem:$0x3F8D] =	sst lr;
	_ =	strace $0xD0000000  }
0x3: {  	_ = 	snop  }
0x4: {  	_ = 	snop  }
0x5: {  	_ = 	snop  }
0x6: {  	_ = 	snop  }
0x7: {  	_ = 	snop  }
__scs_overlays_trampoline_lowered:
0x8: {  	[smem:$0x3F9C] =	sst s0  }
0x9: {  	[smem:$0x3F9D] =	sst s1  }
0xa: {  	[smem:$0x3F9E] =	sst s2  }
0xb: {  	[smem:$0x3F9F] =	sst s3  }
0xc: {  	[smem:$0x3FA0] =	sst s4  }
0xd: {  	[smem:$0x3FA1] =	sst s5  }
0xe: {  	[smem:$0x3FA2] =	sst s6  }
0xf: {  	[smem:$0x3FA3] =	sst s7  }
0x10: {  	[smem:$0x3FA4] =	sst s8  }
0x11: {  	[smem:$0x3FA5] =	sst s9;
	s0 =	simm.s32 @!p0 $0x0  }
0x12: {  	s1 =	sld [smem:$0x3F8B];
	s0 =	simm.s32 @p0 $0x1  }
0x13: {  	[smem:$0x3FA6] =	sst s0;
	s0 =	simm.s32 @!p1 $0x0  }
0x14: {  	s2 =	sld [smem:$0x3F8A];
	s0 =	simm.s32 @p1 $0x1  }
0x15: {  	[smem:$0x3FA7] =	sst s0;
	s0 =	simm.s32 @!p2 $0x0  }
0x16: {  	s3 =	sld [smem:$0x3FDB];
	s0 =	simm.s32 @p2 $0x1  }
0x17: {  	s4 =	simm.s32 $0x1BF5;
	[smem:$0x3FA9] =	sst s0  }
0x18: {  	s0 =	sld [smem:$0x3F8C];
	_ =	swait.ge [sflag:s4], $0x0  }
0x19: {  	s7 =	sld [smem:$0x3F8D]  }
0x1a: {  	s8 =	sadd.s32 $0xFFFFE003, lr  }
0x1b: {  	s9 =	sadd.s32 $0xFFFFFEF7, lr;
	s5 =	simm.s32 $0xFFFFFFFF;
	p2 =	slt.u32 s8, $0xFFFFF086  }
0x1c: {  	p1 =	slt.u32 s9, $0xF7A;
	s5 =	simm.s32 @!p2 $0x0  }
0x1d: {  	s5 =	simm.s32 @p1 $0x1;
	p0 =	seq.s32 s7, s2  }
0x1e: {  	s7 =	smul.u32 @!p0 $0xF7A, s2;
	p2 =	seq.s32 @!p0 s5, $0x0  }
0x1f: {  	s9 =	smul.u32 $0xF7A, s1;
	s8 =	simm.s32 @!p0 $0x1BF5;
	p2 =	por !p2, p0  }
0x20: {  	[sflag:s8] =	ssyncset.s32 @!p0 $0xFFFFF086;
	s6 =	sadd.s32 @!p0 s3, s7;
	s7 =	simm.s32 @!p0 $0x108  }
0x21: {  	s3 =	sadd.s32 s3, s9;
	s6 =	sadd.s32 @!p0 $0x88, s6;
	s7 =	simm.s32 @p2 $0x1082  }
0x22: {  	[simem:s7], [sflag:s8] =	dma.local @!p0 [hbm:s6], $0xF7A  }
0x23: {  	s9 =	sor.u32 $0xD0000000, s2;
	s6 =	simm.s32 $0x108;
	_ =	swait.ge @!p0 [sflag:s8], $0x0  }
0x24: {  	s3 =	sadd.s32 $0x88, s3;
	s6 =	simm.s32 @!p1 $0x1082;
	[sflag:s4] =	ssyncset.s32 $0xFFFFF086  }
0x25: {  	[simem:s6], [sflag:s4] =	dma.local [hbm:s3], $0xF7A  }
0x26: {  	[smem:$0x3F8D] =	sst s1;
	(tag) =	ssettag s2;
	_ =	strace s9  }
0x27: {  	s1 =	sld [smem:$0x3F9D]  }
0x28: {  	s2 =	sld [smem:$0x3F9E]  }
0x29: {  	s4 =	sld [smem:$0x3FA0]  }
0x2a: {  	p0 =	seq.s32 s5, $0x0;
	s5 =	sld [smem:$0x3FA1]  }
0x2b: {  	s6 =	sld [smem:$0x3FA2]  }
0x2c: {  	s7 =	sld [smem:$0x3FA3]  }
0x2d: {  	s3 =	simm.s32 $0x108;
	s8 =	sld [smem:$0x3FA4]  }
0x2e: {  	s3 =	simm.s32 @!p0 $0x1082;
	s9 =	sld [smem:$0x3FA5]  }
0x2f: {  	lr =	sadd.s32 s0, s3;
	s0 =	sld [smem:$0x3F9C]  }
0x30: {  	s3 =	sld [smem:$0x3F9F]  }
0x31: {  	[smem:$0x3FA8] =	sst s10  }
0x32: {  	s10 =	sld [smem:$0x3FA6];
	_ =	sdelay $0x3  }
0x33: {  	p0 =	seq.s32 s10, $0x1;
	s10 =	sld [smem:$0x3FA8];
	_ =	sdelay $0x3  }
0x34: {  	[smem:$0x3FA8] =	sst s10  }
0x35: {  	s10 =	sld [smem:$0x3FA7];
	_ =	sdelay $0x3  }
0x36: {  	p1 =	seq.s32 s10, $0x1;
	s10 =	sld [smem:$0x3FA8];
	_ =	sdelay $0x3  }
0x37: {  	[smem:$0x3FA8] =	sst s10  }
0x38: {  	s10 =	sld [smem:$0x3FA9]  }
0x39: {  	_ = 	snop;
	(pc) =	sbr.ind lr, $3  }
0x3a: {  	_ = 	snop  }
0x3b: {  	_ = 	snop  }
0x3c: {  	p2 =	seq.s32 s10, $0x1;
	s10 =	sld [smem:$0x3FA8]  }
0x3d: {  	_ =	shalt  }
0x3e: {  	_ =	shalt  }
0x3f: {  	_ =	shalt  }
0x40: {  	_ =	shalt  }
0x41: {  	_ =	shalt  }
0x42: {  	_ =	shalt  }
0x43: {  	_ =	shalt  }
0x44: {  	_ =	shalt  }
0x45: {  	_ =	shalt  }
0x46: {  	_ =	shalt  }
0x47: {  	_ =	shalt  }
0x48: {  	_ =	shalt  }
0x49: {  	_ =	shalt  }
0x4a: {  	_ =	shalt  }
0x4b: {  	_ =	shalt  }
0x4c: {  	_ =	shalt  }
0x4d: {  	_ =	shalt  }
0x4e: {  	_ =	shalt  }
0x4f: {  	_ =	shalt  }
0x50: {  	_ =	shalt  }
0x51: {  	_ =	shalt  }
0x52: {  	_ =	shalt  }
0x53: {  	_ =	shalt  }
0x54: {  	_ =	shalt  }
0x55: {  	_ =	shalt  }
0x56: {  	_ =	shalt  }
0x57: {  	_ =	shalt  }
0x58: {  	_ =	shalt  }
0x59: {  	_ =	shalt  }
0x5a: {  	_ =	shalt  }
0x5b: {  	_ =	shalt  }
0x5c: {  	_ =	shalt  }
0x5d: {  	_ =	shalt  }
0x5e: {  	_ =	shalt  }
0x5f: {  	_ =	shalt  }
0x60: {  	_ =	shalt  }
0x61: {  	_ =	shalt  }
0x62: {  	_ =	shalt  }
0x63: {  	_ =	shalt  }
0x64: {  	_ =	shalt  }
0x65: {  	_ =	shalt  }
0x66: {  	_ =	shalt  }
0x67: {  	_ =	shalt  }
0x68: {  	_ =	shalt  }
0x69: {  	_ =	shalt  }
0x6a: {  	_ =	shalt  }
0x6b: {  	_ =	shalt  }
0x6c: {  	_ =	shalt  }
0x6d: {  	_ =	shalt  }
0x6e: {  	_ =	shalt  }
0x6f: {  	_ =	shalt  }
0x70: {  	_ =	shalt  }
0x71: {  	_ =	shalt  }
0x72: {  	_ =	shalt  }
0x73: {  	_ =	shalt  }
0x74: {  	_ =	shalt  }
0x75: {  	_ =	shalt  }
0x76: {  	_ =	shalt  }
0x77: {  	_ =	shalt  }
0x78: {  	_ =	shalt  }
0x79: {  	_ =	shalt  }
0x7a: {  	_ =	shalt  }
0x7b: {  	_ =	shalt  }
0x7c: {  	_ =	shalt  }
0x7d: {  	_ =	shalt  }
0x7e: {  	_ =	shalt  }
0x7f: {  	_ =	shalt  }
0x80: {  	_ =	shalt  }
0x81: {  	_ =	shalt  }
0x82: {  	_ =	shalt  }
0x83: {  	_ =	shalt  }
0x84: {  	_ =	shalt  }
0x85: {  	_ =	shalt  }
0x86: {  	_ =	shalt  }
0x87: {  	_ =	shalt  }
.Lfunc_end0:
.L_simem_size_0:
called_computation.2_lowered:
.L_overlay_start_0:
0x88: {  	s2 =	sld [smem:$0x3FD9]  }
0x89: {  	s3 =	sld [smem:$0x3FFE];
	_ =	sdelay $0x1  }
0x8a: {  	s1 =	srdreg.scid  }
0x8b: {  	s0 =	sand.u32 $0x1, s1  }
0x8c: {  	s16 =	sshll.u32 s0, $0xA;
	s2 =	sadd.s32 s3, s2  }
0x8d: {  	s2 =	sadd.s32 s2, s16  }
0x8e: {  	[smem:$0x3FB4] =	sst s2  }
0x8f: {  	_ = 	snop  }
0x90: {  	(tm) =	ssettm $0x1  }
0x91: {  	s17 =	sld [smem:$0x3FFB];
	_ =	sdelay $0x3  }
0x92: {  	_ =	strace s17  }
0x93: {  	s2 =	sld [smem:$0x3FFC];
	_ =	sdelay $0x3  }
0x94: {  	_ =	strace s2  }
0x95: {  	s2 =	sld [smem:$0x3FFD];
	_ =	sdelay $0x3  }
0x96: {  	_ =	strace s2  }
0x97: {  	_ =	strace $0x8FFFFFFF  }
0x98: {  	s18 =	sld [smem:$0x3FDB];
	_ =	sdelay $0x1  }
0x99: {  	s19 =	simm.s32 $_scs_section_size  }
0x9a: {  	s4 =	simm.s32 $_size__tile_overlayer_lowered;
	s5 =	simm.s32 $_tile_overlayer_lowered  }
0x9b: {  	s22 =	simm.s32 $0x1BFF;
	s21 =	sshll.u32 s5, $0x1;
	s2 =	sadd.s32 s19, s18  }
0x9c: {  	s6 =	simm.s32 $0x0;
	s20 =	sshll.u32 s4, $0x1;
	s4 =	sadd.s32 s21, s2  }
0x9d: {  	[timem:s6], [sflag:s22] =	dma.local [hbm:s4], s20  }
0x9e: {  	_ =	swait.ge [sflag:s22], s20  }
0x9f: {  	s3 =	ssub.s32 $0x0, s20;
	[sflag:s22] =	ssyncset.done $0x0  }
0xa0: {  	[sflag:s22] =	ssyncadd.s32 s3;
	_ =	sdelay $0x1  }
0xa1: {  	s23 =	simm.s32 $0x1B8B  }
0xa2: {  	_ =	swait.ge [sflag:s23], $0x1  }
0xa3: {  	[sflag:s23] =	ssyncset.done $0x0  }
0xa4: {  	s25 =	simm.s32 $0x1B8E;
	s24 =	sld [smem:$0x3FFE];
	[sflag:s23] =	ssyncadd.s32 $0xFFFFFFFF  }
0xa5: {  	s26 =	simm.s32 $execute0_lowered;
	[smem:$0x3FD2] =	sst s25  }
0xa6: {  	s4 =	sshll.u32 s26, $0x1;
	_ =	strace $0x8000004C;
	[dreg:$0x1] =	wrdreg $0xFFFFFFFF  }
0xa7: {  	s28 =	simm.s32 $_size_execute0_lowered;
	s2 =	sadd.s32 s2, s4;
	[dreg:$0x0] =	wrdreg $0x0  }
0xa8: {  	s4 =	sshll.u32 s28, $0x1;
	[dreg:$0x2] =	wrdreg s2  }
0xa9: {  	[dreg:$0x3] =	wrdreg s4  }
0xaa: {  	[dreg:$0x4] =	wrdreg $0xC0  }
0xab: {  	_ =	task [dreg:s6], $0x5FFFF  }
0xac: {  	[dreg:$0x1] =	wrdreg $0xFFFFFFFF  }
0xad: {  	[dreg:$0x0] =	wrdreg $0x60  }
0xae: {  	[dreg:$0x2] =	wrdreg s24  }
0xaf: {  	[dreg:$0x3] =	wrdreg $0xA8000  }
0xb0: {  	[dreg:$0x4] =	wrdreg $0x9  }
0xb1: {  	_ =	task.clear_ibuf [dreg:s6], $0x5FFFF;
	_ =	strace $0x9000004C  }
0xb2: {  	s29 =	simm.s32 $0x9;
	_ =	strace $0x8000004E  }
0xb3: {  	_ =	swait.ge [sflag:s29], $0x1  }
0xb4: {  	[sflag:s29] =	ssyncadd.s32 $0xFFFFFFFF  }
0xb5: {  	_ =	strace $0x9000004E  }
0xb6: {  	_ =	sfence  }
0xb7: {  	s30 =	sld [smem:$0x0];
	_ =	sdelay $0x2  }
0xb8: {  	s31 =	sshll.u32 s1, $0xD;
	s1 =	sshrl.u32 s1, $0x2  }
0xb9: {  	s3 =	sand.u32 $0x4000, s31;
	s1 =	sadd.s32 s1, s30  }
0xba: {  	s0 =	sor.u32 s3, s0;
	s1 =	sshll.u32 s1, $0x11  }
0xbb: {  	s0 =	sor.u32 s1, s0  }
0xbc: {  	s0 =	sadd.s32 $0x8F2B, s0  }
0xbd: {  	[sflag:s0] =	ssyncadd.remote.s32 $0x1  }
0xbe: {  	_ =	sfence.sel $0xFFFF  }
0xbf: {  	[dreg:$0x0] =	wrdreg $0xFFFFFFFF;
	(pc) =	sbr.abs _section_cstart, $3  }
0xc0: {  	[dreg:$0x1] =	wrdreg $0xFFFFFFFF  }
0xc1: {  	_ =	task.clear_ibuf [dreg:s6], $0x2FFFF;
	_ =	strace $0x9FFFFFFF  }
0xc2: {  	(tm) =	ssettm $0x7FFFFFFF  }
0xc3: {  	_ =	shalt  }
tec
execute0_lowered:
.L_overlay_start_1:
0x0: {  	(tag) =	ssettag $0x1  }
0x1: {  	s0 =	rddreg [dreg:$0x0]  }
0x2: {  	s1 =	rddreg [dreg:$0x1];
	s2 =	simm.s32 $0x0  }
0x3: {  	s4 =	srdreg.scid;
	s8 =	stileid.u32;
	s18 =	simm.s32 $0x5  }
0x4: {  	s19 =	simm.s32 $0x80;
	s20 =	simm.s32 $0x6800;
	s21 =	simm.s32 $0x1  }
0x5: {  	s22 =	simm.s32 $0x2800;
	s23 =	simm.s32 $0x2;
	s24 =	simm.s32 $0x3  }
0x6: {  	s25 =	simm.s32 $0x4;
	[smem:$0x7FF] =	sst s2;
	s3 =	sadd.s32 $0x19800, s0  }
0x7: {  	s5 =	sadd.s32 $0x69800, s0;
	s6 =	sadd.s32 $0x92000, s0;
	s4 =	sand.u32 $0x1, s4  }
0x8: {  	s7 =	sadd.s32 $0xF800, s0;
	s9 =	sadd.s32 $0x9C000, s0;
	s10 =	ssub.s32 $0x2, s4  }
0x9: {  	s12 =	smul.u32 $0x50000, s8;
	s0 =	sadd.s32 $0xC4000, s0;
	s11 =	sshrl.u32 s10, $0x1  }
0xa: {  	s13 =	sshll.u32 s8, $0x6;
	s28 =	ssub.s32 s10, s11;
	s10 =	smul.u32 $0x2800, s8  }
.Ltmp0:
0xb: {  	_ =	strace $0x8000004D;
	[dreg:$0x3] =	wrdreg s9;
	(pc) =	sbr.rel .LBB2_1-.Ltmp0, $4  }
0xc: {  	[dreg:$0x4] =	wrdreg s0;
	p0 =	seq.s32 s4, $0x1;
	s16 =	sor.u32 $0x1C05, s13  }
0xd: {  	s29 =	sshrl.u32 s12, $0x2;
	s11 =	smul.u32 $0xA0, s8;
	s30 =	sadd.s32 s3, s10  }
0xe: {  	s4 =	sadd.s32 s29, s1;
	s31 =	sadd.s32 s5, s10;
	[dreg:$0x5] =	wrdreg s30  }
0xf: {  	s15 =	smax.u32 s28, $0x1;
	s17 =	sshrl.u32 s4, $0x3;
	[dreg:$0x6] =	wrdreg s31  }
.LBB2_12:
0x10: {  	_ =	swait.ge [sflag:s24], $0x4000  }
0x11: {  	[sflag:s24] =	ssyncset.done $0x0  }
0x12: {  	[sflag:s24] =	ssyncadd.s32 $0xFFFFC000  }
0x13: {  	_ =	swait.ge [sflag:s25], $0x4000  }
0x14: {  	s2 =	sadd.s32 $0x1, s2;
	[sflag:s25] =	ssyncset.done $0x0  }
0x15: {  	p1 =	sne.s32 s2, s15;
	[sflag:s25] =	ssyncadd.s32 $0xFFFFC000  }
.Ltmp1:
0x16: {  	s0 =	sadd.s32 s0, s10;
	[bflag:$0x0] =	sbarrier.arrive $0xFFFF;
	(pc) =	sbr.rel @!p1 .LBB2_13-.Ltmp1, $4  }
0x17: {  	[hbm:s0], [sflag:s26] =	dma.local [spmem:s17], $0x2800  }
0x18: {  	_ =	swait.ge [sflag:s18], $0x2800  }
0x19: {  	[sflag:s18] =	ssyncset.done $0x0  }
0x1a: {  	[sflag:s18] =	ssyncadd.s32 $0xFFFFD800  }
.LBB2_1:
.Ltmp2:
0x1b: {  	(pc) =	sbr.rel @!p0 .LBB2_2-.Ltmp2, $1  }
0x1c: {  	_ =	sdelay $0x3  }
0x1d: {  	s0 =	rddreg [dreg:$0x6]  }
0x1e: {  	[spmem:s17], [sflag:s16] =	dma.local [hbm:s0], $0x2800  }
0x1f: {  	_ =	swait.ge [sflag:s18], $0x2800  }
0x20: {  	[sflag:s18] =	ssyncset.done $0x0  }
0x21: {  	[sflag:s18] =	ssyncadd.s32 $0xFFFFD800  }
0x22: {  	s26 =	simm.s32 $0x0;
	s28 =	simm.s32 $0x0;
	[bflag:$0x0] =	sbarrier.arrive $0xFFFF  }
.LBB2_8:
0x23: {  	s0 =	smul.u32 $0x28, s28;
	_ =	sdelay $0x1  }
0x24: {  	s0 =	sadd.s32 s11, s0  }
0x25: {  	s0 =	sshll.u32 s0, $0x4  }
0x26: {  	s4 =	sadd.s32 s6, s0  }
0x27: {  	[tilespmem:s26], [sflag:$0x5] =	stream.linear.gather [hbm4b:s4+s26], $0x1400, $0x38;
	[tilespmem:$0x1E800] =	vst v63  }
0x28: {  	_ =	swait.ge [sflag:s18], $0x1400  }
0x29: {  	[sflag:s18] =	ssyncset.done $0x0  }
0x2a: {  	s31 =	simm.s32 $0x1400;
	s0 =	sadd.s32 s7, s0;
	[sflag:s18] =	ssyncadd.s32 $0xFFFFEC00  }
0x2b: {  	[tilespmem:s31], [sflag:$0x5] =	stream.linear.gather [hbm4b:s0+s26], $0x1400, $0x38;
	[tilespmem:$0x1E800] =	vst v63  }
0x2c: {  	s9 =	sor.u32 s28, s26;
	_ =	swait.ge [sflag:s18], $0x1400  }
0x2d: {  	p1 =	sne.s32 s9, $0x0;
	[sflag:s18] =	ssyncset.done $0x0  }
0x2e: {  	s0 =	simm.s32 @p1 $0x3;
	[sflag:s18] =	ssyncadd.s32 $0xFFFFEC00  }
0x2f: {  	_ =	swait.ge @p1 [sflag:s0], $0x4000  }
0x30: {  	s8 =	simm.s32 @p1 $0x4;
	[sflag:s0] =	ssyncset.done @p1 $0x0  }
0x31: {  	s9 =	simm.s32 @p1 $0x2800;
	[sflag:s0] =	ssyncadd.s32 @p1 $0xFFFFC000;
	s0 =	simm.s32 @p1 $0x80  }
0x32: {  	[tilespmem:s9], [sflag:$0x1] =	stream.indirect.gather @p1 [hbm4b:s5+s0], $0x80, s26, s0, $0xb8;
	[tilespmem:$0x1E800] =	vst v63  }
0x33: {  	_ =	swait.ge @p1 [sflag:s8], $0x4000  }
0x34: {  	[sflag:s8] =	ssyncset.done @p1 $0x0  }
0x35: {  	s0 =	simm.s32 @!p1 $0x80;
	[sflag:s8] =	ssyncadd.s32 @p1 $0xFFFFC000;
	s8 =	simm.s32 @!p1 $0x2800  }
0x36: {  	[tilespmem:s8], [sflag:$0x1] =	stream.indirect.gather @!p1 [hbm4b:s5+s0], $0x80, s26, s0, $0xb8;
	[tilespmem:$0x1E800] =	vst v63  }
0x37: {  	s12 =	simm.s32 $0x80  }
0x38: {  	[tilespmem:s20], [sflag:$0x2] =	stream.indirect.gather [hbm4b:s5+s19], $0x80, s12, s19, $0xb8;
	[tilespmem:$0x1E800] =	vst v63  }
0x39: {  	_ =	swait.ge [sflag:s21], $0x4000  }
0x3a: {  	s14 =	simm.s32 $0x1;
	[sflag:s21] =	ssyncset.done $0x0  }
0x3b: {  	s29 =	simm.s32 $0x1500;
	s30 =	simm.s32 $0x100;
	[sflag:s21] =	ssyncadd.s32 $0xFFFFC000  }
0x3c: {  	[spmem:s1] =	stream.indirect.scatter.add.f32 [tilespmem:s22], [sflag:$0x3], $0x80, s31, s19, $0xb8;
	[tilespmem:$0x1E800] =	vst v63  }
0x3d: {  	s4 =	simm.s32 $0x1480;
	s31 =	sor.u32 s28, s14;
	_ =	swait.ge [sflag:s23], $0x4000  }
0x3e: {  	s0 =	simm.s32 $0x2;
	p1 =	sne.s32 s31, $0x0;
	[sflag:s23] =	ssyncset.done $0x0  }
.LBB2_9:
0x3f: {  	s8 =	simm.s32 @p1 $0x3;
	[sflag:s23] =	ssyncadd.s32 $0xFFFFC000  }
0x40: {  	s9 =	smov.u32 s0;
	s0 =	sadd.s32 $0x1, s0;
	s12 =	smov.u32 s29  }
0x41: {  	[spmem:s1] =	stream.indirect.scatter.add.f32 [tilespmem:s20], [sflag:$0x4], $0x80, s4, s19, $0xb8;
	[tilespmem:$0x1E800] =	vst v63  }
0x42: {  	p2 =	sne.s32 s0, $0x14;
	_ =	swait.ge @p1 [sflag:s8], $0x4000  }
0x43: {  	s4 =	simm.s32 @p1 $0x4;
	[sflag:s8] =	ssyncset.done @p1 $0x0  }
0x44: {  	s14 =	simm.s32 @p1 $0x2800;
	[sflag:s8] =	ssyncadd.s32 @p1 $0xFFFFC000;
	s8 =	simm.s32 @p1 $0x80  }
0x45: {  	[tilespmem:s14], [sflag:$0x1] =	stream.indirect.gather @p1 [hbm4b:s5+s8], $0x80, s30, s8, $0xb8;
	[tilespmem:$0x1E800] =	vst v63  }
0x46: {  	_ =	swait.ge @p1 [sflag:s4], $0x4000  }
0x47: {  	[sflag:s4] =	ssyncset.done @p1 $0x0  }
0x48: {  	s8 =	simm.s32 @!p1 $0x2800;
	[sflag:s4] =	ssyncadd.s32 @p1 $0xFFFFC000;
	s4 =	simm.s32 @!p1 $0x80  }
0x49: {  	[tilespmem:s8], [sflag:$0x1] =	stream.indirect.gather @!p1 [hbm4b:s5+s4], $0x80, s30, s4, $0xb8;
	[tilespmem:$0x1E800] =	vst v63  }
0x4a: {  	s4 =	sadd.s32 $0x80, s30  }
0x4b: {  	[tilespmem:s20], [sflag:$0x2] =	stream.indirect.gather [hbm4b:s5+s19], $0x80, s4, s19, $0xb8;
	[tilespmem:$0x1E800] =	vst v63  }
0x4c: {  	_ =	swait.ge [sflag:s21], $0x4000  }
.Ltmp3:
0x4d: {  	[sflag:s21] =	ssyncset.done $0x0;
	(pc) =	sbr.rel @p2 .LBB2_9-.Ltmp3, $4  }
0x4e: {  	s29 =	sadd.s32 $0x100, s29;
	[sflag:s21] =	ssyncadd.s32 $0xFFFFC000  }
0x4f: {  	[spmem:s1] =	stream.indirect.scatter.add.f32 [tilespmem:s22], [sflag:$0x3], $0x80, s12, s19, $0xb8;
	[tilespmem:$0x1E800] =	vst v63  }
0x50: {  	s30 =	sadd.s32 $0x100, s30;
	s4 =	sor.u32 s28, s9;
	_ =	swait.ge [sflag:s23], $0x4000  }
0x51: {  	p1 =	sne.s32 s4, $0x0;
	s4 =	sadd.s32 $0x80, s12;
	[sflag:s23] =	ssyncset.done $0x0  }
0x52: {  	s0 =	simm.s32 @p1 $0x3;
	[sflag:s23] =	ssyncadd.s32 $0xFFFFC000  }
0x53: {  	[spmem:s1] =	stream.indirect.scatter.add.f32 [tilespmem:s20], [sflag:$0x4], $0x80, s4, s19, $0xb8;
	[tilespmem:$0x1E800] =	vst v63  }
0x54: {  	_ =	swait.ge @p1 [sflag:s0], $0x4000  }
0x55: {  	s8 =	simm.s32 @p1 $0x2800;
	[sflag:s0] =	ssyncset.done @p1 $0x0  }
0x56: {  	s4 =	simm.s32 @p1 $0x4;
	[sflag:s0] =	ssyncadd.s32 @p1 $0xFFFFC000;
	s0 =	simm.s32 @p1 $0x80  }
0x57: {  	[tilespmem:s8], [sflag:$0x1] =	stream.indirect.gather @p1 [hbm4b:s5+s0], $0x80, s30, s0, $0xb8;
	[tilespmem:$0x1E800] =	vst v63  }
0x58: {  	_ =	swait.ge @p1 [sflag:s4], $0x4000  }
0x59: {  	[sflag:s4] =	ssyncset.done @p1 $0x0  }
0x5a: {  	s0 =	simm.s32 @!p1 $0x80;
	[sflag:s4] =	ssyncadd.s32 @p1 $0xFFFFC000;
	s4 =	simm.s32 @!p1 $0x2800  }
0x5b: {  	[tilespmem:s4], [sflag:$0x1] =	stream.indirect.gather @!p1 [hbm4b:s5+s0], $0x80, s30, s0, $0xb8;
	[tilespmem:$0x1E800] =	vst v63  }
0x5c: {  	s30 =	sadd.s32 $0x80, s30  }
0x5d: {  	[tilespmem:s20], [sflag:$0x2] =	stream.indirect.gather [hbm4b:s5+s19], $0x80, s30, s19, $0xb8;
	[tilespmem:$0x1E800] =	vst v63  }
0x5e: {  	_ =	swait.ge [sflag:s21], $0x4000  }
0x5f: {  	s28 =	sadd.s32 $0x1, s28;
	[sflag:s21] =	ssyncset.done $0x0  }
0x60: {  	p1 =	sne.s32 s28, $0x4;
	[sflag:s21] =	ssyncadd.s32 $0xFFFFC000  }
0x61: {  	[spmem:s1] =	stream.indirect.scatter.add.f32 [tilespmem:s22], [sflag:$0x3], $0x80, s29, s19, $0xb8;
	[tilespmem:$0x1E800] =	vst v63  }
.Ltmp4:
0x62: {  	_ = 	snop;
	(pc) =	sbr.rel @p1 .LBB2_8-.Ltmp4, $4  }
0x63: {  	_ =	swait.ge [sflag:s23], $0x4000  }
0x64: {  	[sflag:s23] =	ssyncset.done $0x0  }
0x65: {  	s31 =	sadd.s32 $0x80, s29;
	[sflag:s23] =	ssyncadd.s32 $0xFFFFC000  }
0x66: {  	[spmem:s1] =	stream.indirect.scatter.add.f32 [tilespmem:s20], [sflag:$0x4], $0x80, s31, s19, $0xb8;
	[tilespmem:$0x1E800] =	vst v63  }
.Ltmp5:
0x67: {  	(pc) =	sbr.rel .LBB2_12-.Ltmp5, $2  }
0x68: {  	_ =	sdelay $0x2  }
0x69: {  	s0 =	rddreg [dreg:$0x4];
	s26 =	smov.u32 s16  }
.LBB2_2:
0x6a: {  	s26 =	sor.u32 $0x1C05, s13;
	s0 =	rddreg [dreg:$0x5]  }
0x6b: {  	[spmem:s17], [sflag:s26] =	dma.local [hbm:s0], $0x2800  }
0x6c: {  	_ =	swait.ge [sflag:s18], $0x2800  }
0x6d: {  	[sflag:s18] =	ssyncset.done $0x0  }
0x6e: {  	[sflag:s18] =	ssyncadd.s32 $0xFFFFD800  }
0x6f: {  	s28 =	simm.s32 $0x0;
	s29 =	simm.s32 $0x0;
	[bflag:$0x0] =	sbarrier.arrive $0xFFFF  }
.LBB2_3:
0x70: {  	s0 =	smul.u32 $0x28, s29;
	_ =	sdelay $0x1  }
0x71: {  	s0 =	sadd.s32 s11, s0  }
0x72: {  	s0 =	sshll.u32 s0, $0x4  }
0x73: {  	s4 =	sadd.s32 s6, s0  }
0x74: {  	[tilespmem:s28], [sflag:$0x5] =	stream.linear.gather [hbm4b:s4+s28], $0x1400, $0x38;
	[tilespmem:$0x1E800] =	vst v63  }
0x75: {  	_ =	swait.ge [sflag:s18], $0x1400  }
0x76: {  	[sflag:s18] =	ssyncset.done $0x0  }
0x77: {  	s8 =	simm.s32 $0x1400;
	s0 =	sadd.s32 s7, s0;
	[sflag:s18] =	ssyncadd.s32 $0xFFFFEC00  }
0x78: {  	[tilespmem:s8], [sflag:$0x5] =	stream.linear.gather [hbm4b:s0+s28], $0x1400, $0x38;
	[tilespmem:$0x1E800] =	vst v63  }
0x79: {  	s9 =	sor.u32 s29, s28;
	_ =	swait.ge [sflag:s18], $0x1400  }
0x7a: {  	p1 =	sne.s32 s9, $0x0;
	[sflag:s18] =	ssyncset.done $0x0  }
0x7b: {  	s0 =	simm.s32 @p1 $0x3;
	[sflag:s18] =	ssyncadd.s32 $0xFFFFEC00  }
0x7c: {  	_ =	swait.ge @p1 [sflag:s0], $0x4000  }
0x7d: {  	s30 =	simm.s32 @p1 $0x4;
	[sflag:s0] =	ssyncset.done @p1 $0x0  }
0x7e: {  	s31 =	simm.s32 @p1 $0x2800;
	[sflag:s0] =	ssyncadd.s32 @p1 $0xFFFFC000;
	s0 =	simm.s32 @p1 $0x80  }
0x7f: {  	[tilespmem:s31], [sflag:$0x1] =	stream.indirect.gather @p1 [hbm4b:s3+s0], $0x80, s28, s0, $0xb8;
	[tilespmem:$0x1E800] =	vst v63  }
0x80: {  	_ =	swait.ge @p1 [sflag:s30], $0x4000  }
0x81: {  	[sflag:s30] =	ssyncset.done @p1 $0x0  }
0x82: {  	s0 =	simm.s32 @!p1 $0x80;
	[sflag:s30] =	ssyncadd.s32 @p1 $0xFFFFC000;
	s30 =	simm.s32 @!p1 $0x2800  }
0x83: {  	[tilespmem:s30], [sflag:$0x1] =	stream.indirect.gather @!p1 [hbm4b:s3+s0], $0x80, s28, s0, $0xb8;
	[tilespmem:$0x1E800] =	vst v63  }
0x84: {  	s12 =	simm.s32 $0x80  }
0x85: {  	[tilespmem:s20], [sflag:$0x2] =	stream.indirect.gather [hbm4b:s3+s19], $0x80, s12, s19, $0xb8;
	[tilespmem:$0x1E800] =	vst v63  }
0x86: {  	_ =	swait.ge [sflag:s21], $0x4000  }
0x87: {  	s31 =	simm.s32 $0x1;
	[sflag:s21] =	ssyncset.done $0x0  }
0x88: {  	s4 =	simm.s32 $0x1480;
	s14 =	sor.u32 s29, s31;
	[sflag:s21] =	ssyncadd.s32 $0xFFFFC000  }
0x89: {  	[spmem:s1] =	stream.indirect.scatter.add.f32 [tilespmem:s22], [sflag:$0x3], $0x80, s8, s19, $0xb8;
	[tilespmem:$0x1E800] =	vst v63  }
0x8a: {  	s31 =	simm.s32 $0x100;
	s0 =	simm.s32 $0x2;
	_ =	swait.ge [sflag:s23], $0x4000  }
0x8b: {  	s30 =	simm.s32 $0x1500;
	p1 =	sne.s32 s14, $0x0;
	[sflag:s23] =	ssyncset.done $0x0  }
.LBB2_4:
0x8c: {  	s8 =	simm.s32 @p1 $0x3;
	[sflag:s23] =	ssyncadd.s32 $0xFFFFC000  }
0x8d: {  	s9 =	smov.u32 s0;
	s0 =	sadd.s32 $0x1, s0;
	s12 =	smov.u32 s30  }
0x8e: {  	[spmem:s1] =	stream.indirect.scatter.add.f32 [tilespmem:s20], [sflag:$0x4], $0x80, s4, s19, $0xb8;
	[tilespmem:$0x1E800] =	vst v63  }
0x8f: {  	p2 =	sne.s32 s0, $0x14;
	_ =	swait.ge @p1 [sflag:s8], $0x4000  }
0x90: {  	s4 =	simm.s32 @p1 $0x4;
	[sflag:s8] =	ssyncset.done @p1 $0x0  }
0x91: {  	s14 =	simm.s32 @p1 $0x2800;
	[sflag:s8] =	ssyncadd.s32 @p1 $0xFFFFC000;
	s8 =	simm.s32 @p1 $0x80  }
0x92: {  	[tilespmem:s14], [sflag:$0x1] =	stream.indirect.gather @p1 [hbm4b:s3+s8], $0x80, s31, s8, $0xb8;
	[tilespmem:$0x1E800] =	vst v63  }
0x93: {  	_ =	swait.ge @p1 [sflag:s4], $0x4000  }
0x94: {  	[sflag:s4] =	ssyncset.done @p1 $0x0  }
0x95: {  	s8 =	simm.s32 @!p1 $0x2800;
	[sflag:s4] =	ssyncadd.s32 @p1 $0xFFFFC000;
	s4 =	simm.s32 @!p1 $0x80  }
0x96: {  	[tilespmem:s8], [sflag:$0x1] =	stream.indirect.gather @!p1 [hbm4b:s3+s4], $0x80, s31, s4, $0xb8;
	[tilespmem:$0x1E800] =	vst v63  }
0x97: {  	s4 =	sadd.s32 $0x80, s31  }
0x98: {  	[tilespmem:s20], [sflag:$0x2] =	stream.indirect.gather [hbm4b:s3+s19], $0x80, s4, s19, $0xb8;
	[tilespmem:$0x1E800] =	vst v63  }
0x99: {  	_ =	swait.ge [sflag:s21], $0x4000  }
.Ltmp6:
0x9a: {  	[sflag:s21] =	ssyncset.done $0x0;
	(pc) =	sbr.rel @p2 .LBB2_4-.Ltmp6, $4  }
0x9b: {  	s30 =	sadd.s32 $0x100, s30;
	[sflag:s21] =	ssyncadd.s32 $0xFFFFC000  }
0x9c: {  	[spmem:s1] =	stream.indirect.scatter.add.f32 [tilespmem:s22], [sflag:$0x3], $0x80, s12, s19, $0xb8;
	[tilespmem:$0x1E800] =	vst v63  }
0x9d: {  	s31 =	sadd.s32 $0x100, s31;
	s4 =	sor.u32 s29, s9;
	_ =	swait.ge [sflag:s23], $0x4000  }
0x9e: {  	p1 =	sne.s32 s4, $0x0;
	s4 =	sadd.s32 $0x80, s12;
	[sflag:s23] =	ssyncset.done $0x0  }
0x9f: {  	s0 =	simm.s32 @p1 $0x3;
	[sflag:s23] =	ssyncadd.s32 $0xFFFFC000  }
0xa0: {  	[spmem:s1] =	stream.indirect.scatter.add.f32 [tilespmem:s20], [sflag:$0x4], $0x80, s4, s19, $0xb8;
	[tilespmem:$0x1E800] =	vst v63  }
0xa1: {  	_ =	swait.ge @p1 [sflag:s0], $0x4000  }
0xa2: {  	s8 =	simm.s32 @p1 $0x2800;
	[sflag:s0] =	ssyncset.done @p1 $0x0  }
0xa3: {  	s4 =	simm.s32 @p1 $0x4;
	[sflag:s0] =	ssyncadd.s32 @p1 $0xFFFFC000;
	s0 =	simm.s32 @p1 $0x80  }
0xa4: {  	[tilespmem:s8], [sflag:$0x1] =	stream.indirect.gather @p1 [hbm4b:s3+s0], $0x80, s31, s0, $0xb8;
	[tilespmem:$0x1E800] =	vst v63  }
0xa5: {  	_ =	swait.ge @p1 [sflag:s4], $0x4000  }
0xa6: {  	[sflag:s4] =	ssyncset.done @p1 $0x0  }
0xa7: {  	s0 =	simm.s32 @!p1 $0x80;
	[sflag:s4] =	ssyncadd.s32 @p1 $0xFFFFC000;
	s4 =	simm.s32 @!p1 $0x2800  }
0xa8: {  	[tilespmem:s4], [sflag:$0x1] =	stream.indirect.gather @!p1 [hbm4b:s3+s0], $0x80, s31, s0, $0xb8;
	[tilespmem:$0x1E800] =	vst v63  }
0xa9: {  	s14 =	sadd.s32 $0x80, s31  }
0xaa: {  	[tilespmem:s20], [sflag:$0x2] =	stream.indirect.gather [hbm4b:s3+s19], $0x80, s14, s19, $0xb8;
	[tilespmem:$0x1E800] =	vst v63  }
0xab: {  	_ =	swait.ge [sflag:s21], $0x4000  }
0xac: {  	s29 =	sadd.s32 $0x1, s29;
	[sflag:s21] =	ssyncset.done $0x0  }
0xad: {  	p1 =	seq.s32 s29, $0x4;
	[sflag:s21] =	ssyncadd.s32 $0xFFFFC000  }
0xae: {  	[spmem:s1] =	stream.indirect.scatter.add.f32 [tilespmem:s22], [sflag:$0x3], $0x80, s30, s19, $0xb8;
	[tilespmem:$0x1E800] =	vst v63  }
.Ltmp7:
0xaf: {  	_ = 	snop;
	(pc) =	sbr.rel @!p1 .LBB2_3-.Ltmp7, $4  }
0xb0: {  	_ =	swait.ge [sflag:s23], $0x4000  }
0xb1: {  	[sflag:s23] =	ssyncset.done $0x0  }
0xb2: {  	s31 =	sadd.s32 $0x80, s30;
	[sflag:s23] =	ssyncadd.s32 $0xFFFFC000  }
0xb3: {  	[spmem:s1] =	stream.indirect.scatter.add.f32 [tilespmem:s20], [sflag:$0x4], $0x80, s31, s19, $0xb8;
	[tilespmem:$0x1E800] =	vst v63  }
.Ltmp8:
0xb4: {  	(pc) =	sbr.rel .LBB2_12-.Ltmp8, $2  }
0xb5: {  	_ =	sdelay $0x2  }
0xb6: {  	s0 =	rddreg [dreg:$0x3]  }
.LBB2_13:
0xb7: {  	_ =	sfence.sel $0x180000  }
0xb8: {  	[bflag:$0x0] =	sbarrier.arrive $0xFFFF  }
0xb9: {  	_ =	strace $0x9000004D  }
0xba: {  	s0 =	stileid.u32;
	[bflag:$0x2] =	sbarrier.arrive $0xFFFF  }
0xbb: {  	p0 =	sne.s32 s0, $0x0;
	s0 =	rddreg [dreg:$0x2]  }
0xbc: {  	s0 =	sadd.s32 @!p0 $0x100000, s0  }
0xbd: {  	[sflag:s0] =	ssyncadd.tile.s32 @!p0 $0x1;
	_ =	shalt  }
.Lfunc_end2:
_tile_overlayer_lowered:
.L_overlay_start_2:
0xbe: {  	(tag) =	ssettag $0x2  }
0xbf: {  	s0 =	rddreg [dreg:$0x0];
	s2 =	stileid.u32  }
0xc0: {  	s1 =	rddreg [dreg:$0x1];
	p0 =	sne.s32 s2, $0x0  }
0xc1: {  	s3 =	rddreg [dreg:$0x2];
	[bflag:$0x3] =	sbarrier.arrive $0xFFFF;
	s2 =	simm.s32 @!p0 $0x1C05  }
0xc2: {  	[timem:s3], [sflag:s2] =	dma.local @!p0 [hbm:s0], s1  }
0xc3: {  	s0 =	simm.s32 @!p0 $0x5  }
0xc4: {  	_ =	swait.ge @!p0 [sflag:s0], s1  }
0xc5: {  	s1 =	ssub.s32 @!p0 $0x0, s1;
	[sflag:s0] =	ssyncset.done @!p0 $0x0  }
0xc6: {  	[sflag:s0] =	ssyncadd.s32 @!p0 s1  }
0xc7: {  	[bflag:$0x3] =	sbarrier.arrive $0xFFFF  }
0xc8: {  	_ =	shalt  }

// kernel: kernel.19.cloned.1.call-start
scs
__scs_entry_jumppad:
0x0: {  	(pc) =	sbr.rel $0x88, $3  }
0x1: {  	(tag) =	ssettag $0x0;
	lr =	simm.s32 $0x1  }
0x2: {  	[smem:$0x3F8D] =	sst lr;
	_ =	strace $0xD0000000  }
0x3: {  	_ = 	snop  }
0x4: {  	_ = 	snop  }
0x5: {  	_ = 	snop  }
0x6: {  	_ = 	snop  }
0x7: {  	_ = 	snop  }
__scs_overlays_trampoline_lowered:
0x8: {  	[smem:$0x3F9C] =	sst s0  }
0x9: {  	[smem:$0x3F9D] =	sst s1  }
0xa: {  	[smem:$0x3F9E] =	sst s2  }
0xb: {  	[smem:$0x3F9F] =	sst s3  }
0xc: {  	[smem:$0x3FA0] =	sst s4  }
0xd: {  	[smem:$0x3FA1] =	sst s5  }
0xe: {  	[smem:$0x3FA2] =	sst s6  }
0xf: {  	[smem:$0x3FA3] =	sst s7  }
0x10: {  	[smem:$0x3FA4] =	sst s8  }
0x11: {  	[smem:$0x3FA5] =	sst s9;
	s0 =	simm.s32 @!p0 $0x0  }
0x12: {  	s1 =	sld [smem:$0x3F8B];
	s0 =	simm.s32 @p0 $0x1  }
0x13: {  	[smem:$0x3FA6] =	sst s0;
	s0 =	simm.s32 @!p1 $0x0  }
0x14: {  	s2 =	sld [smem:$0x3F8A];
	s0 =	simm.s32 @p1 $0x1  }
0x15: {  	[smem:$0x3FA7] =	sst s0;
	s0 =	simm.s32 @!p2 $0x0  }
0x16: {  	s3 =	sld [smem:$0x3FDB];
	s0 =	simm.s32 @p2 $0x1  }
0x17: {  	s4 =	simm.s32 $0x1BF5;
	[smem:$0x3FA9] =	sst s0  }
0x18: {  	s0 =	sld [smem:$0x3F8C];
	_ =	swait.ge [sflag:s4], $0x0  }
0x19: {  	s7 =	sld [smem:$0x3F8D]  }
0x1a: {  	s8 =	sadd.s32 $0xFFFFE003, lr  }
0x1b: {  	s9 =	sadd.s32 $0xFFFFFEF7, lr;
	s5 =	simm.s32 $0xFFFFFFFF;
	p2 =	slt.u32 s8, $0xFFFFF086  }
0x1c: {  	p1 =	slt.u32 s9, $0xF7A;
	s5 =	simm.s32 @!p2 $0x0  }
0x1d: {  	s5 =	simm.s32 @p1 $0x1;
	p0 =	seq.s32 s7, s2  }
0x1e: {  	s7 =	smul.u32 @!p0 $0xF7A, s2;
	p2 =	seq.s32 @!p0 s5, $0x0  }
0x1f: {  	s9 =	smul.u32 $0xF7A, s1;
	s8 =	simm.s32 @!p0 $0x1BF5;
	p2 =	por !p2, p0  }
0x20: {  	[sflag:s8] =	ssyncset.s32 @!p0 $0xFFFFF086;
	s6 =	sadd.s32 @!p0 s3, s7;
	s7 =	simm.s32 @!p0 $0x108  }
0x21: {  	s3 =	sadd.s32 s3, s9;
	s6 =	sadd.s32 @!p0 $0x88, s6;
	s7 =	simm.s32 @p2 $0x1082  }
0x22: {  	[simem:s7], [sflag:s8] =	dma.local @!p0 [hbm:s6], $0xF7A  }
0x23: {  	s9 =	sor.u32 $0xD0000000, s2;
	s6 =	simm.s32 $0x108;
	_ =	swait.ge @!p0 [sflag:s8], $0x0  }
0x24: {  	s3 =	sadd.s32 $0x88, s3;
	s6 =	simm.s32 @!p1 $0x1082;
	[sflag:s4] =	ssyncset.s32 $0xFFFFF086  }
0x25: {  	[simem:s6], [sflag:s4] =	dma.local [hbm:s3], $0xF7A  }
0x26: {  	[smem:$0x3F8D] =	sst s1;
	(tag) =	ssettag s2;
	_ =	strace s9  }
0x27: {  	s1 =	sld [smem:$0x3F9D]  }
0x28: {  	s2 =	sld [smem:$0x3F9E]  }
0x29: {  	s4 =	sld [smem:$0x3FA0]  }
0x2a: {  	p0 =	seq.s32 s5, $0x0;
	s5 =	sld [smem:$0x3FA1]  }
0x2b: {  	s6 =	sld [smem:$0x3FA2]  }
0x2c: {  	s7 =	sld [smem:$0x3FA3]  }
0x2d: {  	s3 =	simm.s32 $0x108;
	s8 =	sld [smem:$0x3FA4]  }
0x2e: {  	s3 =	simm.s32 @!p0 $0x1082;
	s9 =	sld [smem:$0x3FA5]  }
0x2f: {  	lr =	sadd.s32 s0, s3;
	s0 =	sld [smem:$0x3F9C]  }
0x30: {  	s3 =	sld [smem:$0x3F9F]  }
0x31: {  	[smem:$0x3FA8] =	sst s10  }
0x32: {  	s10 =	sld [smem:$0x3FA6];
	_ =	sdelay $0x3  }
0x33: {  	p0 =	seq.s32 s10, $0x1;
	s10 =	sld [smem:$0x3FA8];
	_ =	sdelay $0x3  }
0x34: {  	[smem:$0x3FA8] =	sst s10  }
0x35: {  	s10 =	sld [smem:$0x3FA7];
	_ =	sdelay $0x3  }
0x36: {  	p1 =	seq.s32 s10, $0x1;
	s10 =	sld [smem:$0x3FA8];
	_ =	sdelay $0x3  }
0x37: {  	[smem:$0x3FA8] =	sst s10  }
0x38: {  	s10 =	sld [smem:$0x3FA9]  }
0x39: {  	_ = 	snop;
	(pc) =	sbr.ind lr, $3  }
0x3a: {  	_ = 	snop  }
0x3b: {  	_ = 	snop  }
0x3c: {  	p2 =	seq.s32 s10, $0x1;
	s10 =	sld [smem:$0x3FA8]  }
0x3d: {  	_ =	shalt  }
0x3e: {  	_ =	shalt  }
0x3f: {  	_ =	shalt  }
0x40: {  	_ =	shalt  }
0x41: {  	_ =	shalt  }
0x42: {  	_ =	shalt  }
0x43: {  	_ =	shalt  }
0x44: {  	_ =	shalt  }
0x45: {  	_ =	shalt  }
0x46: {  	_ =	shalt  }
0x47: {  	_ =	shalt  }
0x48: {  	_ =	shalt  }
0x49: {  	_ =	shalt  }
0x4a: {  	_ =	shalt  }
0x4b: {  	_ =	shalt  }
0x4c: {  	_ =	shalt  }
0x4d: {  	_ =	shalt  }
0x4e: {  	_ =	shalt  }
0x4f: {  	_ =	shalt  }
0x50: {  	_ =	shalt  }
0x51: {  	_ =	shalt  }
0x52: {  	_ =	shalt  }
0x53: {  	_ =	shalt  }
0x54: {  	_ =	shalt  }
0x55: {  	_ =	shalt  }
0x56: {  	_ =	shalt  }
0x57: {  	_ =	shalt  }
0x58: {  	_ =	shalt  }
0x59: {  	_ =	shalt  }
0x5a: {  	_ =	shalt  }
0x5b: {  	_ =	shalt  }
0x5c: {  	_ =	shalt  }
0x5d: {  	_ =	shalt  }
0x5e: {  	_ =	shalt  }
0x5f: {  	_ =	shalt  }
0x60: {  	_ =	shalt  }
0x61: {  	_ =	shalt  }
0x62: {  	_ =	shalt  }
0x63: {  	_ =	shalt  }
0x64: {  	_ =	shalt  }
0x65: {  	_ =	shalt  }
0x66: {  	_ =	shalt  }
0x67: {  	_ =	shalt  }
0x68: {  	_ =	shalt  }
0x69: {  	_ =	shalt  }
0x6a: {  	_ =	shalt  }
0x6b: {  	_ =	shalt  }
0x6c: {  	_ =	shalt  }
0x6d: {  	_ =	shalt  }
0x6e: {  	_ =	shalt  }
0x6f: {  	_ =	shalt  }
0x70: {  	_ =	shalt  }
0x71: {  	_ =	shalt  }
0x72: {  	_ =	shalt  }
0x73: {  	_ =	shalt  }
0x74: {  	_ =	shalt  }
0x75: {  	_ =	shalt  }
0x76: {  	_ =	shalt  }
0x77: {  	_ =	shalt  }
0x78: {  	_ =	shalt  }
0x79: {  	_ =	shalt  }
0x7a: {  	_ =	shalt  }
0x7b: {  	_ =	shalt  }
0x7c: {  	_ =	shalt  }
0x7d: {  	_ =	shalt  }
0x7e: {  	_ =	shalt  }
0x7f: {  	_ =	shalt  }
0x80: {  	_ =	shalt  }
0x81: {  	_ =	shalt  }
0x82: {  	_ =	shalt  }
0x83: {  	_ =	shalt  }
0x84: {  	_ =	shalt  }
0x85: {  	_ =	shalt  }
0x86: {  	_ =	shalt  }
0x87: {  	_ =	shalt  }
.Lfunc_end0:
.L_simem_size_0:
called_computation.3_lowered:
.L_overlay_start_0:
0x88: {  	s2 =	sld [smem:$0x3FD9]  }
0x89: {  	s3 =	sld [smem:$0x3FFE];
	_ =	sdelay $0x1  }
0x8a: {  	s1 =	srdreg.scid  }
0x8b: {  	s0 =	sand.u32 $0x1, s1  }
0x8c: {  	s16 =	sshll.u32 s0, $0xA;
	s2 =	sadd.s32 s3, s2  }
0x8d: {  	s2 =	sadd.s32 s2, s16  }
0x8e: {  	[smem:$0x3FB4] =	sst s2  }
0x8f: {  	_ = 	snop  }
0x90: {  	(tm) =	ssettm $0x1  }
0x91: {  	s17 =	sld [smem:$0x3FFB];
	_ =	sdelay $0x3  }
0x92: {  	_ =	strace s17  }
0x93: {  	s2 =	sld [smem:$0x3FFC];
	_ =	sdelay $0x3  }
0x94: {  	_ =	strace s2  }
0x95: {  	s2 =	sld [smem:$0x3FFD];
	_ =	sdelay $0x3  }
0x96: {  	_ =	strace s2  }
0x97: {  	_ =	strace $0x8FFFFFFF  }
0x98: {  	s18 =	sld [smem:$0x3FDB];
	_ =	sdelay $0x1  }
0x99: {  	s19 =	simm.s32 $_scs_section_size  }
0x9a: {  	s4 =	simm.s32 $_size__tile_overlayer_lowered;
	s5 =	simm.s32 $_tile_overlayer_lowered  }
0x9b: {  	s22 =	simm.s32 $0x1BFF;
	s21 =	sshll.u32 s5, $0x1;
	s2 =	sadd.s32 s19, s18  }
0x9c: {  	s6 =	simm.s32 $0x0;
	s20 =	sshll.u32 s4, $0x1;
	s4 =	sadd.s32 s21, s2  }
0x9d: {  	[timem:s6], [sflag:s22] =	dma.local [hbm:s4], s20  }
0x9e: {  	_ =	swait.ge [sflag:s22], s20  }
0x9f: {  	s3 =	ssub.s32 $0x0, s20;
	[sflag:s22] =	ssyncset.done $0x0  }
0xa0: {  	[sflag:s22] =	ssyncadd.s32 s3;
	_ =	sdelay $0x1  }
0xa1: {  	s23 =	simm.s32 $0x1B8B  }
0xa2: {  	_ =	swait.ge [sflag:s23], $0x1  }
0xa3: {  	[sflag:s23] =	ssyncset.done $0x0  }
0xa4: {  	s25 =	simm.s32 $0x1B8E;
	s24 =	sld [smem:$0x3FFE];
	[sflag:s23] =	ssyncadd.s32 $0xFFFFFFFF  }
0xa5: {  	s26 =	simm.s32 $execute0_lowered;
	[smem:$0x3FD2] =	sst s25  }
0xa6: {  	s4 =	sshll.u32 s26, $0x1;
	_ =	strace $0x8000004F;
	[dreg:$0x1] =	wrdreg $0xFFFFFFFF  }
0xa7: {  	s28 =	simm.s32 $_size_execute0_lowered;
	s2 =	sadd.s32 s2, s4;
	[dreg:$0x0] =	wrdreg $0x0  }
0xa8: {  	s4 =	sshll.u32 s28, $0x1;
	[dreg:$0x2] =	wrdreg s2  }
0xa9: {  	[dreg:$0x3] =	wrdreg s4  }
0xaa: {  	[dreg:$0x4] =	wrdreg $0xC0  }
0xab: {  	_ =	task [dreg:s6], $0x5FFFF  }
0xac: {  	[dreg:$0x1] =	wrdreg $0xFFFFFFFF  }
0xad: {  	[dreg:$0x0] =	wrdreg $0x60  }
0xae: {  	[dreg:$0x2] =	wrdreg s24  }
0xaf: {  	[dreg:$0x3] =	wrdreg $0x144000  }
0xb0: {  	[dreg:$0x4] =	wrdreg $0x9  }
0xb1: {  	_ =	task.clear_ibuf [dreg:s6], $0x5FFFF;
	_ =	strace $0x9000004F  }
0xb2: {  	s29 =	simm.s32 $0x9;
	_ =	strace $0x80000051  }
0xb3: {  	_ =	swait.ge [sflag:s29], $0x1  }
0xb4: {  	[sflag:s29] =	ssyncadd.s32 $0xFFFFFFFF  }
0xb5: {  	_ =	strace $0x90000051  }
0xb6: {  	_ =	sfence  }
0xb7: {  	s30 =	sld [smem:$0x0];
	_ =	sdelay $0x2  }
0xb8: {  	s31 =	sshll.u32 s1, $0xD;
	s1 =	sshrl.u32 s1, $0x2  }
0xb9: {  	s3 =	sand.u32 $0x4000, s31;
	s1 =	sadd.s32 s1, s30  }
0xba: {  	s0 =	sor.u32 s3, s0;
	s1 =	sshll.u32 s1, $0x11  }
0xbb: {  	s0 =	sor.u32 s1, s0  }
0xbc: {  	s0 =	sadd.s32 $0x8F2B, s0  }
0xbd: {  	[sflag:s0] =	ssyncadd.remote.s32 $0x1  }
0xbe: {  	_ =	sfence.sel $0xFFFF  }
0xbf: {  	[dreg:$0x0] =	wrdreg $0xFFFFFFFF;
	(pc) =	sbr.abs _section_cstart, $3  }
0xc0: {  	[dreg:$0x1] =	wrdreg $0xFFFFFFFF  }
0xc1: {  	_ =	task.clear_ibuf [dreg:s6], $0x2FFFF;
	_ =	strace $0x9FFFFFFF  }
0xc2: {  	(tm) =	ssettm $0x7FFFFFFF  }
0xc3: {  	_ =	shalt  }
tec
execute0_lowered:
.L_overlay_start_1:
0x0: {  	(tag) =	ssettag $0x1  }
0x1: {  	s13 =	rddreg [dreg:$0x0]  }
0x2: {  	s2 =	rddreg [dreg:$0x1];
	s6 =	stileid.u32;
	s5 =	simm.s32 $0x0  }
0x3: {  	s24 =	simm.s32 $0x14000;
	s25 =	srdreg.scid;
	s0 =	sshll.u32 s6, $0x7  }
0x4: {  	[smem:$0x7FF] =	sst s5;
	s14 =	smul.u32 $0x180, s6;
	s0 =	sadd.s32 s0, s13  }
0x5: {  	_ =	strace $0x80000050;
	[dreg:$0x3] =	wrdreg s24;
	s0 =	sadd.s32 $0x91800, s0  }
0x6: {  	s1 =	smul.u32 $0x3000, s6;
	[dreg:$0x4] =	wrdreg s0  }
0x7: {  	s4 =	simm.s32 $0x1;
	s8 =	smul.u32 $0x2800, s6;
	s0 =	rddreg [dreg:$0x3]  }
0x8: {  	s26 =	sshll.u32 s6, $0x6;
	s16 =	sand.u32 $0x1, s25;
	s3 =	rddreg [dreg:$0x4]  }
0x9: {  	[tilespmem:s0], [sflag:$0x1] =	stream.linear.gather [hbm4b:s3+s5], $0x280, $0x38;
	[tilespmem:$0x15000] =	vst v63  }
0xa: {  	s6 =	sor.u32 $0x1C01, s26;
	s1 =	sshrl.u32 s1, $0x2;
	_ =	swait.ge [sflag:s4], $0x280  }
0xb: {  	s15 =	sadd.s32 s14, s13;
	s1 =	sadd.s32 s1, s2;
	[sflag:s4] =	ssyncset.done $0x0  }
0xc: {  	s7 =	sshrl.u32 s1, $0x3;
	s5 =	sadd.s32 $0x55800, s15;
	[sflag:s4] =	ssyncadd.s32 $0xFFFFFD80  }
0xd: {  	[spmem:s7], [sflag:s6] =	dma.local [hbm:s5], $0x180  }
0xe: {  	p0 =	seq.s32 s16, $0x1;
	_ =	swait.ge [sflag:s4], $0x180  }
0xf: {  	s9 =	simm.s32 @p0 $0x0;
	s1 =	sadd.s32 s8, s13;
	[sflag:s4] =	ssyncset.done $0x0  }
0x10: {  	s10 =	simm.s32 @p0 $0x1;
	s8 =	sadd.s32 $0x2D800, s1;
	[sflag:s4] =	ssyncadd.s32 $0xFFFFFE80  }
0x11: {  	[tilespmem:s9], [sflag:$0x1] =	stream.linear.gather @p0 [hbm4b:s8+s9], $0x14000, $0x38;
	[tilespmem:$0x15000] =	vst v63  }
0x12: {  	_ =	swait.ge @p0 [sflag:s10], $0x14000  }
0x13: {  	[sflag:s10] =	ssyncset.done @p0 $0x0  }
0x14: {  	[sflag:s10] =	ssyncadd.s32 @p0 $0xFFFEC000  }
0x15: {  	s11 =	simm.s32 @p0 $0x80;
	s0 =	simm.s32 @p0 $0x14000;
	[bflag:$0x0] =	sbarrier.arrive @p0 $0xFFFF  }
0x16: {  	[spmem:s2] =	stream.indirect.scatter.add.f32 @p0 [tilespmem:s9], [sflag:$0x1], $0x80, s0, s11, $0xb8;
	[tilespmem:$0x15000] =	vst v63  }
0x17: {  	_ =	swait.ge @p0 [sflag:s10], $0x4000  }
0x18: {  	[sflag:s10] =	ssyncset.done @p0 $0x0  }
0x19: {  	s12 =	simm.s32 @p0 $0x4000;
	s0 =	simm.s32 @p0 $0x14080;
	[sflag:s10] =	ssyncadd.s32 @p0 $0xFFFFC000  }
0x1a: {  	[spmem:s2] =	stream.indirect.scatter.add.f32 @p0 [tilespmem:s12], [sflag:$0x1], $0x80, s0, s11, $0xb8;
	[tilespmem:$0x15000] =	vst v63  }
0x1b: {  	_ =	swait.ge @p0 [sflag:s10], $0x4000  }
0x1c: {  	[sflag:s10] =	ssyncset.done @p0 $0x0  }
0x1d: {  	s0 =	simm.s32 @p0 $0x14100;
	s12 =	simm.s32 @p0 $0x8000;
	[sflag:s10] =	ssyncadd.s32 @p0 $0xFFFFC000  }
0x1e: {  	[spmem:s2] =	stream.indirect.scatter.add.f32 @p0 [tilespmem:s12], [sflag:$0x1], $0x80, s0, s11, $0xb8;
	[tilespmem:$0x15000] =	vst v63  }
0x1f: {  	_ =	swait.ge @p0 [sflag:s10], $0x4000  }
0x20: {  	[sflag:s10] =	ssyncset.done @p0 $0x0  }
0x21: {  	s17 =	simm.s32 @p0 $0x14180;
	s18 =	simm.s32 @p0 $0xC000;
	[sflag:s10] =	ssyncadd.s32 @p0 $0xFFFFC000  }
0x22: {  	[spmem:s2] =	stream.indirect.scatter.add.f32 @p0 [tilespmem:s18], [sflag:$0x1], $0x80, s17, s11, $0xb8;
	[tilespmem:$0x15000] =	vst v63  }
0x23: {  	_ =	swait.ge @p0 [sflag:s10], $0x4000  }
0x24: {  	[sflag:s10] =	ssyncset.done @p0 $0x0  }
0x25: {  	s19 =	simm.s32 @p0 $0x14200;
	s20 =	simm.s32 @p0 $0x10000;
	[sflag:s10] =	ssyncadd.s32 @p0 $0xFFFFC000  }
0x26: {  	[spmem:s2] =	stream.indirect.scatter.add.f32 @p0 [tilespmem:s20], [sflag:$0x1], $0x80, s19, s11, $0xb8;
	[tilespmem:$0x15000] =	vst v63  }
0x27: {  	_ =	swait.ge @p0 [sflag:s10], $0x4000  }
0x28: {  	[sflag:s10] =	ssyncset.done @p0 $0x0  }
0x29: {  	s22 =	simm.s32 @!p0 $0x0;
	[sflag:s10] =	ssyncadd.s32 @p0 $0xFFFFC000  }
0x2a: {  	s23 =	simm.s32 @!p0 $0x1;
	s21 =	sadd.s32 $0x5800, s1;
	[bflag:$0x0] =	sbarrier.arrive @p0 $0xFFFF  }
0x2b: {  	[tilespmem:s22], [sflag:$0x1] =	stream.linear.gather @!p0 [hbm4b:s21+s22], $0x14000, $0x38;
	[tilespmem:$0x15000] =	vst v63  }
0x2c: {  	_ =	swait.ge @!p0 [sflag:s23], $0x14000  }
0x2d: {  	[sflag:s23] =	ssyncset.done @!p0 $0x0  }
0x2e: {  	[sflag:s23] =	ssyncadd.s32 @!p0 $0xFFFEC000  }
0x2f: {  	s24 =	simm.s32 @!p0 $0x80;
	s25 =	simm.s32 @!p0 $0x14000;
	[bflag:$0x0] =	sbarrier.arrive @!p0 $0xFFFF  }
0x30: {  	[spmem:s2] =	stream.indirect.scatter.add.f32 @!p0 [tilespmem:s22], [sflag:$0x1], $0x80, s25, s24, $0xb8;
	[tilespmem:$0x15000] =	vst v63  }
0x31: {  	_ =	swait.ge @!p0 [sflag:s23], $0x4000  }
0x32: {  	[sflag:s23] =	ssyncset.done @!p0 $0x0  }
0x33: {  	s26 =	simm.s32 @!p0 $0x14080;
	s28 =	simm.s32 @!p0 $0x4000;
	[sflag:s23] =	ssyncadd.s32 @!p0 $0xFFFFC000  }
0x34: {  	[spmem:s2] =	stream.indirect.scatter.add.f32 @!p0 [tilespmem:s28], [sflag:$0x1], $0x80, s26, s24, $0xb8;
	[tilespmem:$0x15000] =	vst v63  }
0x35: {  	_ =	swait.ge @!p0 [sflag:s23], $0x4000  }
0x36: {  	[sflag:s23] =	ssyncset.done @!p0 $0x0  }
0x37: {  	s29 =	simm.s32 @!p0 $0x14100;
	s30 =	simm.s32 @!p0 $0x8000;
	[sflag:s23] =	ssyncadd.s32 @!p0 $0xFFFFC000  }
0x38: {  	[spmem:s2] =	stream.indirect.scatter.add.f32 @!p0 [tilespmem:s30], [sflag:$0x1], $0x80, s29, s24, $0xb8;
	[tilespmem:$0x15000] =	vst v63  }
0x39: {  	s31 =	simm.s32 @!p0 $0x14180;
	_ =	swait.ge @!p0 [sflag:s23], $0x4000  }
0x3a: {  	s0 =	simm.s32 @!p0 $0xC000;
	s12 =	ssub.s32 $0x2, s16;
	[sflag:s23] =	ssyncset.done @!p0 $0x0  }
0x3b: {  	s16 =	sadd.s32 $0x58800, s13;
	s13 =	sshrl.u32 s12, $0x1;
	[sflag:s23] =	ssyncadd.s32 @!p0 $0xFFFFC000  }
0x3c: {  	[spmem:s2] =	stream.indirect.scatter.add.f32 @!p0 [tilespmem:s0], [sflag:$0x1], $0x80, s31, s24, $0xb8;
	[tilespmem:$0x15000] =	vst v63  }
0x3d: {  	s13 =	ssub.s32 s12, s13;
	_ =	swait.ge @!p0 [sflag:s23], $0x4000  }
0x3e: {  	s1 =	simm.s32 @!p0 $0x14200;
	s13 =	smax.u32 s13, $0x1;
	[sflag:s23] =	ssyncset.done @!p0 $0x0  }
0x3f: {  	s3 =	simm.s32 @!p0 $0x10000;
	s13 =	sadd.s32 $0xFFFFFFFF, s13;
	[sflag:s23] =	ssyncadd.s32 @!p0 $0xFFFFC000  }
0x40: {  	[spmem:s2] =	stream.indirect.scatter.add.f32 @!p0 [tilespmem:s3], [sflag:$0x1], $0x80, s1, s24, $0xb8;
	[tilespmem:$0x15000] =	vst v63  }
0x41: {  	p1 =	sne.s32 s13, $0x0;
	_ =	swait.ge @!p0 [sflag:s23], $0x4000  }
.Ltmp0:
0x42: {  	[sflag:s23] =	ssyncset.done @!p0 $0x0;
	(pc) =	sbr.rel @!p1 .LBB2_3-.Ltmp0, $4  }
0x43: {  	s14 =	sadd.s32 @p0 s14, s16;
	s12 =	sadd.s32 $0x57000, s15;
	[sflag:s23] =	ssyncadd.s32 @!p0 $0xFFFFC000  }
0x44: {  	s12 =	smov.u32 @p0 s14;
	[bflag:$0x0] =	sbarrier.arrive @!p0 $0xFFFF  }
0x45: {  	[hbm:s12], [sflag:s6] =	dma.local [spmem:s7], $0x180  }
0x46: {  	_ =	swait.ge [sflag:s4], $0x180  }
0x47: {  	s16 =	simm.s32 $0x0  }
.LBB2_2:
0x48: {  	s14 =	rddreg [dreg:$0x3];
	[sflag:s4] =	ssyncset.done $0x0  }
0x49: {  	s15 =	rddreg [dreg:$0x4];
	[sflag:s4] =	ssyncadd.s32 $0xFFFFFE80  }
0x4a: {  	[tilespmem:s14], [sflag:$0x1] =	stream.linear.gather [hbm4b:s15+s16], $0x280, $0x38;
	[tilespmem:$0x15000] =	vst v63  }
0x4b: {  	_ =	swait.ge [sflag:s4], $0x280  }
0x4c: {  	[sflag:s4] =	ssyncset.done $0x0  }
0x4d: {  	[sflag:s4] =	ssyncadd.s32 $0xFFFFFD80  }
0x4e: {  	[spmem:s7], [sflag:s6] =	dma.local [hbm:s5], $0x180  }
0x4f: {  	_ =	swait.ge [sflag:s4], $0x180  }
0x50: {  	[sflag:s4] =	ssyncset.done $0x0  }
0x51: {  	[sflag:s4] =	ssyncadd.s32 $0xFFFFFE80  }
0x52: {  	[tilespmem:s9], [sflag:$0x1] =	stream.linear.gather @p0 [hbm4b:s8+s9], $0x14000, $0x38;
	[tilespmem:$0x15000] =	vst v63  }
0x53: {  	_ =	swait.ge @p0 [sflag:s10], $0x14000  }
0x54: {  	[sflag:s10] =	ssyncset.done @p0 $0x0  }
0x55: {  	[sflag:s10] =	ssyncadd.s32 @p0 $0xFFFEC000  }
0x56: {  	s14 =	simm.s32 @p0 $0x14000;
	[bflag:$0x0] =	sbarrier.arrive @p0 $0xFFFF  }
0x57: {  	[spmem:s2] =	stream.indirect.scatter.add.f32 @p0 [tilespmem:s9], [sflag:$0x1], $0x80, s14, s11, $0xb8;
	[tilespmem:$0x15000] =	vst v63  }
0x58: {  	_ =	swait.ge @p0 [sflag:s10], $0x4000  }
0x59: {  	[sflag:s10] =	ssyncset.done @p0 $0x0  }
0x5a: {  	s15 =	simm.s32 @p0 $0x4000;
	s14 =	simm.s32 @p0 $0x14080;
	[sflag:s10] =	ssyncadd.s32 @p0 $0xFFFFC000  }
0x5b: {  	[spmem:s2] =	stream.indirect.scatter.add.f32 @p0 [tilespmem:s15], [sflag:$0x1], $0x80, s14, s11, $0xb8;
	[tilespmem:$0x15000] =	vst v63  }
0x5c: {  	_ =	swait.ge @p0 [sflag:s10], $0x4000  }
0x5d: {  	[sflag:s10] =	ssyncset.done @p0 $0x0  }
0x5e: {  	s14 =	simm.s32 @p0 $0x14100;
	s15 =	simm.s32 @p0 $0x8000;
	[sflag:s10] =	ssyncadd.s32 @p0 $0xFFFFC000  }
0x5f: {  	[spmem:s2] =	stream.indirect.scatter.add.f32 @p0 [tilespmem:s15], [sflag:$0x1], $0x80, s14, s11, $0xb8;
	[tilespmem:$0x15000] =	vst v63  }
0x60: {  	_ =	swait.ge @p0 [sflag:s10], $0x4000  }
0x61: {  	[sflag:s10] =	ssyncset.done @p0 $0x0  }
0x62: {  	[sflag:s10] =	ssyncadd.s32 @p0 $0xFFFFC000  }
0x63: {  	[spmem:s2] =	stream.indirect.scatter.add.f32 @p0 [tilespmem:s18], [sflag:$0x1], $0x80, s17, s11, $0xb8;
	[tilespmem:$0x15000] =	vst v63  }
0x64: {  	_ =	swait.ge @p0 [sflag:s10], $0x4000  }
0x65: {  	[sflag:s10] =	ssyncset.done @p0 $0x0  }
0x66: {  	[sflag:s10] =	ssyncadd.s32 @p0 $0xFFFFC000  }
0x67: {  	[spmem:s2] =	stream.indirect.scatter.add.f32 @p0 [tilespmem:s20], [sflag:$0x1], $0x80, s19, s11, $0xb8;
	[tilespmem:$0x15000] =	vst v63  }
0x68: {  	_ =	swait.ge @p0 [sflag:s10], $0x4000  }
0x69: {  	[sflag:s10] =	ssyncset.done @p0 $0x0  }
0x6a: {  	[sflag:s10] =	ssyncadd.s32 @p0 $0xFFFFC000  }
0x6b: {  	[bflag:$0x0] =	sbarrier.arrive @p0 $0xFFFF  }
0x6c: {  	[tilespmem:s22], [sflag:$0x1] =	stream.linear.gather @!p0 [hbm4b:s21+s22], $0x14000, $0x38;
	[tilespmem:$0x15000] =	vst v63  }
0x6d: {  	_ =	swait.ge @!p0 [sflag:s23], $0x14000  }
0x6e: {  	[sflag:s23] =	ssyncset.done @!p0 $0x0  }
0x6f: {  	[sflag:s23] =	ssyncadd.s32 @!p0 $0xFFFEC000  }
0x70: {  	[bflag:$0x0] =	sbarrier.arrive @!p0 $0xFFFF  }
0x71: {  	[spmem:s2] =	stream.indirect.scatter.add.f32 @!p0 [tilespmem:s22], [sflag:$0x1], $0x80, s25, s24, $0xb8;
	[tilespmem:$0x15000] =	vst v63  }
0x72: {  	_ =	swait.ge @!p0 [sflag:s23], $0x4000  }
0x73: {  	[sflag:s23] =	ssyncset.done @!p0 $0x0  }
0x74: {  	[sflag:s23] =	ssyncadd.s32 @!p0 $0xFFFFC000  }
0x75: {  	[spmem:s2] =	stream.indirect.scatter.add.f32 @!p0 [tilespmem:s28], [sflag:$0x1], $0x80, s26, s24, $0xb8;
	[tilespmem:$0x15000] =	vst v63  }
0x76: {  	_ =	swait.ge @!p0 [sflag:s23], $0x4000  }
0x77: {  	[sflag:s23] =	ssyncset.done @!p0 $0x0  }
0x78: {  	[sflag:s23] =	ssyncadd.s32 @!p0 $0xFFFFC000  }
0x79: {  	[spmem:s2] =	stream.indirect.scatter.add.f32 @!p0 [tilespmem:s30], [sflag:$0x1], $0x80, s29, s24, $0xb8;
	[tilespmem:$0x15000] =	vst v63  }
0x7a: {  	_ =	swait.ge @!p0 [sflag:s23], $0x4000  }
0x7b: {  	[sflag:s23] =	ssyncset.done @!p0 $0x0  }
0x7c: {  	[sflag:s23] =	ssyncadd.s32 @!p0 $0xFFFFC000  }
0x7d: {  	[spmem:s2] =	stream.indirect.scatter.add.f32 @!p0 [tilespmem:s0], [sflag:$0x1], $0x80, s31, s24, $0xb8;
	[tilespmem:$0x15000] =	vst v63  }
0x7e: {  	_ =	swait.ge @!p0 [sflag:s23], $0x4000  }
0x7f: {  	[sflag:s23] =	ssyncset.done @!p0 $0x0  }
0x80: {  	s13 =	sadd.s32 $0xFFFFFFFF, s13;
	[sflag:s23] =	ssyncadd.s32 @!p0 $0xFFFFC000  }
0x81: {  	[spmem:s2] =	stream.indirect.scatter.add.f32 @!p0 [tilespmem:s3], [sflag:$0x1], $0x80, s1, s24, $0xb8;
	[tilespmem:$0x15000] =	vst v63  }
0x82: {  	p1 =	sne.s32 s13, $0x0;
	_ =	swait.ge @!p0 [sflag:s23], $0x4000  }
.Ltmp1:
0x83: {  	[sflag:s23] =	ssyncset.done @!p0 $0x0;
	(pc) =	sbr.rel @p1 .LBB2_2-.Ltmp1, $4  }
0x84: {  	[sflag:s23] =	ssyncadd.s32 @!p0 $0xFFFFC000  }
0x85: {  	[bflag:$0x0] =	sbarrier.arrive @!p0 $0xFFFF  }
0x86: {  	[hbm:s12], [sflag:s6] =	dma.local [spmem:s7], $0x180  }
0x87: {  	_ =	swait.ge [sflag:s4], $0x180  }
.LBB2_3:
0x88: {  	[sflag:s4] =	ssyncset.done $0x0  }
0x89: {  	[sflag:s4] =	ssyncadd.s32 $0xFFFFFE80  }
0x8a: {  	_ =	sfence.sel $0x180000  }
0x8b: {  	[bflag:$0x0] =	sbarrier.arrive $0xFFFF  }
0x8c: {  	_ =	strace $0x90000050  }
0x8d: {  	s0 =	stileid.u32;
	[bflag:$0x2] =	sbarrier.arrive $0xFFFF  }
0x8e: {  	p0 =	sne.s32 s0, $0x0;
	s0 =	rddreg [dreg:$0x2]  }
0x8f: {  	s0 =	sadd.s32 @!p0 $0x100000, s0  }
0x90: {  	[sflag:s0] =	ssyncadd.tile.s32 @!p0 $0x1;
	_ =	shalt  }
.Lfunc_end2:
_tile_overlayer_lowered:
.L_overlay_start_2:
0x91: {  	(tag) =	ssettag $0x2  }
0x92: {  	s0 =	rddreg [dreg:$0x0];
	s2 =	stileid.u32  }
0x93: {  	s1 =	rddreg [dreg:$0x1];
	p0 =	sne.s32 s2, $0x0  }
0x94: {  	s3 =	rddreg [dreg:$0x2];
	[bflag:$0x3] =	sbarrier.arrive $0xFFFF;
	s2 =	simm.s32 @!p0 $0x1C01  }
0x95: {  	[timem:s3], [sflag:s2] =	dma.local @!p0 [hbm:s0], s1  }
0x96: {  	s0 =	simm.s32 @!p0 $0x1  }
0x97: {  	_ =	swait.ge @!p0 [sflag:s0], s1  }
0x98: {  	s1 =	ssub.s32 @!p0 $0x0, s1;
	[sflag:s0] =	ssyncset.done @!p0 $0x0  }
0x99: {  	[sflag:s0] =	ssyncadd.s32 @!p0 s1  }
0x9a: {  	[bflag:$0x3] =	sbarrier.arrive $0xFFFF  }
0x9b: {  	_ =	shalt  }

</sc_bundles>
